<compile_context>
chip_gen: v7x
topology: tpu7x:2x2x1
jax: 0.10.2.dev20260603
libtpu: 0.0.44.dev20260713+nightly
codegen_flags: <defaults>
</compile_context>

<pallas_src>
import functools

import jax
import jax.numpy as jnp
from jax import lax
from jax.experimental import pallas as pl
from jax.experimental.pallas import tpu as pltpu
from jax.experimental.pallas import tpu_sc as plsc

NC = 2
NS = 16
CPY = 64



def _transform_body(h_ref, ws_ref, wn_ref, b_ref, hs_ref, ht_ref):
    h = h_ref[...]
    hs_ref[...] = jnp.dot(h, ws_ref[...], preferred_element_type=jnp.float32) + b_ref[...]
    ht_ref[...] = jnp.dot(h, wn_ref[...], preferred_element_type=jnp.float32)


def _transform(h, W_self, W_neigh, b, blk=512):
    n, d = h.shape
    dout = W_self.shape[1]
    return pl.pallas_call(
        _transform_body,
        grid=(pl.cdiv(n, blk),),
        in_specs=[
            pl.BlockSpec((blk, d), lambda i: (i, 0)),
            pl.BlockSpec((d, dout), lambda i: (0, 0)),
            pl.BlockSpec((d, dout), lambda i: (0, 0)),
            pl.BlockSpec((1, dout), lambda i: (0, 0)),
        ],
        out_specs=[
            pl.BlockSpec((blk, dout), lambda i: (i, 0)),
            pl.BlockSpec((blk, dout), lambda i: (i, 0)),
        ],
        out_shape=[jax.ShapeDtypeStruct((n, dout), jnp.float32)] * 2,
    )(h, W_self, W_neigh, b.reshape(1, dout))


def _combine_transform_body(hs_ref, agg_ref, deg_ref, ws_ref, wn_ref, b_ref,
                            hs2_ref, ht2_ref):
    agg = agg_ref[0] + agg_ref[1]
    deg = deg_ref[0] + deg_ref[1]
    inv = 1.0 / jnp.maximum(deg, 1.0)
    h = jnp.maximum(hs_ref[...] + agg * inv, 0.0)
    hs2_ref[...] = jnp.dot(h, ws_ref[...], preferred_element_type=jnp.float32) + b_ref[...]
    ht2_ref[...] = jnp.dot(h, wn_ref[...], preferred_element_type=jnp.float32)


def _combine_transform(hs, aggp, degp, W_self, W_neigh, b, blk=512):
    n, d = hs.shape
    dout = W_self.shape[1]
    return pl.pallas_call(
        _combine_transform_body,
        grid=(pl.cdiv(n, blk),),
        in_specs=[
            pl.BlockSpec((blk, d), lambda i: (i, 0)),
            pl.BlockSpec((NC, blk, d), lambda i: (0, i, 0)),
            pl.BlockSpec((NC, blk, d), lambda i: (0, i, 0)),
            pl.BlockSpec((d, dout), lambda i: (0, 0)),
            pl.BlockSpec((d, dout), lambda i: (0, 0)),
            pl.BlockSpec((1, dout), lambda i: (0, 0)),
        ],
        out_specs=[
            pl.BlockSpec((blk, dout), lambda i: (i, 0)),
            pl.BlockSpec((blk, dout), lambda i: (i, 0)),
        ],
        out_shape=[jax.ShapeDtypeStruct((n, dout), jnp.float32)] * 2,
    )(hs, aggp, degp, W_self, W_neigh, b.reshape(1, dout))


def _final_body(hs_ref, agg_ref, deg_ref, out_ref):
    agg = agg_ref[0] + agg_ref[1]
    deg = deg_ref[0][:, :agg.shape[1]] + deg_ref[1][:, :agg.shape[1]]
    inv = 1.0 / jnp.maximum(deg, 1.0)
    out_ref[...] = hs_ref[...] + agg * inv


def _final(hs, aggp, degp, blk=512):
    n, d = hs.shape
    ddeg = degp.shape[2]
    return pl.pallas_call(
        _final_body,
        grid=(pl.cdiv(n, blk),),
        in_specs=[
            pl.BlockSpec((blk, d), lambda i: (i, 0)),
            pl.BlockSpec((NC, blk, d), lambda i: (0, i, 0)),
            pl.BlockSpec((NC, blk, ddeg), lambda i: (0, i, 0)),
        ],
        out_specs=pl.BlockSpec((blk, d), lambda i: (i, 0)),
        out_shape=jax.ShapeDtypeStruct((n, d), jnp.float32),
    )(hs, aggp, degp)



def _pick_layout(epw, d, npad, with_gather):
    for ch in (128, 120, 112, 104, 96, 88, 80, 72, 64, 56, 48, 40, 32, 24,
               16, 8):
        if epw % ch:
            continue
        steps = epw // ch
        for nb in (5, 4, 6, 3, 2):
            if steps % nb:
                continue
            words = npad * d + NS * (nb * ch * (d + 1)
                                     + (epw if with_gather else 0))
            if words <= 2_000_000:
                return ch, nb
    raise ValueError("no feasible SC layout")


@functools.lru_cache(maxsize=None)
def _make_agg(n, e, d, ones_table=False):
    nw = NC * NS
    epw = e // nw
    rpt = ((n + NS - 1) // NS + CPY - 1) // CPY * CPY
    npad = rpt * NS
    ch, nbuf = _pick_layout(epw, d, npad, not ones_table)
    steps = epw // ch
    cpy = CPY if (ch >= CPY and rpt % CPY == 0) else ch
    ncopy = rpt // cpy

    mesh = plsc.VectorSubcoreMesh(core_axis_name="c", subcore_axis_name="s",
                                  num_cores=NC, num_subcores=NS)

    scratch = [
        pltpu.VMEM_SHARED((npad, d), jnp.float32),
        [pltpu.VMEM((ch,), jnp.int32) for _ in range(nbuf)],
        [pltpu.VMEM((ch, d), jnp.float32) for _ in range(nbuf)],
        [pltpu.SemaphoreType.DMA for _ in range(nbuf)],
        [pltpu.SemaphoreType.DMA for _ in range(nbuf)],
    ]
    if not ones_table:
        scratch += [
            pltpu.VMEM((epw,), jnp.int32),
            [pltpu.SemaphoreType.DMA for _ in range(nbuf)],
        ]

    def body(table, srcv, dstv, zeros_nd, agg_out,
             acc, idx_d, rows, isem, ssem, srcall, gsem):
        c = lax.axis_index("c")
        s = lax.axis_index("s")
        wid = c * NS + s
        r0 = s * rpt
        base = wid * epw
        pltpu.sync_copy(zeros_nd.at[pl.ds(r0, rpt)], acc.at[pl.ds(r0, rpt)])
        if ones_table:
            for b in range(nbuf):
                pltpu.sync_copy(table.at[pl.ds(0, ch)], rows[b])
        else:
            pltpu.sync_copy(srcv.at[pl.ds(base, epw)], srcall)
        plsc.subcore_barrier()

        def super_step(g, carry):
            j0 = g * nbuf
            descs = []
            for b in range(nbuf):
                off = base + (j0 + b) * ch
                di = pltpu.async_copy(dstv.at[pl.ds(off, ch)], idx_d[b],
                                      isem[b])
                if ones_table:
                    descs.append((di, None))
                else:
                    gi = pltpu.async_copy(
                        table.at[srcall.at[pl.ds((j0 + b) * ch, ch)]],
                        rows[b], gsem[b])
                    descs.append((di, gi))
            sdescs = []
            for b, (di, gi) in enumerate(descs):
                di.wait()
                if gi is not None:
                    gi.wait()
                sdescs.append(pltpu.async_copy(rows[b], acc.at[idx_d[b]],
                                               ssem[b], add=True))
            for sd in sdescs:
                sd.wait()
            return carry

        lax.fori_loop(0, steps // nbuf, super_step, 0)
        plsc.subcore_barrier()
        pltpu.sync_copy(acc.at[pl.ds(r0, rpt)],
                        agg_out.at[c].at[pl.ds(r0, rpt)])

    params = (pltpu.CompilerParams(use_tc_tiling_on_sc=False)
              if d % 128 else None)
    out_type = [jax.ShapeDtypeStruct((NC, npad, d), jnp.float32)]
    if ones_table:
        def fn(table, dstv, zeros_nd, agg_out, acc, idx_d, rows, isem, ssem):
            body(table, None, dstv, zeros_nd, agg_out,
                 acc, idx_d, rows, isem, ssem, None, None)

        kern = functools.partial(pl.kernel, mesh=mesh, out_type=out_type,
                                 scratch_types=scratch,
                                 compiler_params=params)(fn)

        def run(table, src, dst):
            del src
            zeros_nd = jnp.zeros((npad, d), jnp.float32)
            return kern(table, dst, zeros_nd)[0]
    else:
        def fn(table, srcv, dstv, zeros_nd, agg_out, acc, idx_d, rows, isem,
               ssem, srcall, gsem):
            body(table, srcv, dstv, zeros_nd, agg_out,
                 acc, idx_d, rows, isem, ssem, srcall, gsem)

        kern = functools.partial(pl.kernel, mesh=mesh, out_type=out_type,
                                 scratch_types=scratch,
                                 compiler_params=params)(fn)

        def run(table, src, dst):
            zeros_nd = jnp.zeros((npad, d), jnp.float32)
            return kern(table, src, dst, zeros_nd)[0]

    return run



def kernel(x, edge_index, W_self0, W_neigh0, b0, W_self1, W_neigh1, b1,
           W_self2, W_neigh2, b2):
    src = edge_index[0]
    dst = edge_index[1]
    n, _ = x.shape
    e = src.shape[0]
    d_hid = W_self0.shape[1]

    agg_hid = _make_agg(n, e, d_hid)

    degp = _make_agg(n, e, d_hid, ones_table=True)(
        jnp.ones((n, d_hid), jnp.float32), src, dst)

    hs0, ht0 = _transform(x, W_self0, W_neigh0, b0)
    aggp0 = agg_hid(ht0, src, dst)
    hs1, ht1 = _combine_transform(hs0, aggp0, degp, W_self1, W_neigh1, b1)
    aggp1 = agg_hid(ht1, src, dst)
    hs2, ht2 = _combine_transform(hs1, aggp1, degp, W_self2, W_neigh2, b2)
    aggp2 = _make_agg(n, e, ht2.shape[1])(ht2, src, dst)
    return _final(hs2, aggp2, degp)

# --- scband reference (transcript-rebuilt; emitter-appended) ---
"""Pipeline reference for scband-sage-71889162600531 (READ-ONLY COPY).

The authoritative reference and input builder live on the scoring server;
editing this copy changes nothing except your own understanding.
"""

import jax, jax.numpy as jnp
import numpy as np

N, E, D_IN, D_HID, D_OUT = 10000, 320000, 128, 128, 64

def _init_linear(key, fan_in, fan_out):
    kw, kb = jax.random.split(key)
    bound = 1.0 / np.sqrt(fan_in)
    W = jax.random.uniform(kw, (fan_in, fan_out), dtype=jnp.float32, minval=-bound, maxval=bound)
    b = jax.random.uniform(kb, (fan_out,), dtype=jnp.float32, minval=-bound, maxval=bound)
    return W, b

def setup_inputs(seed: int = 0) -> dict:
    key = jax.random.key(seed)
    ks = jax.random.split(key, 10)
    x = jax.random.normal(ks[0], (N, D_IN), dtype=jnp.float32)
    edge_index = jax.random.randint(ks[1], (2, E), 0, N, dtype=jnp.int32)
    W_self0, b0 = _init_linear(ks[2], D_IN, D_HID)
    W_neigh0, _ = _init_linear(ks[3], D_IN, D_HID)
    W_self1, b1 = _init_linear(ks[4], D_HID, D_HID)
    W_neigh1, _ = _init_linear(ks[5], D_HID, D_HID)
    W_self2, b2 = _init_linear(ks[6], D_HID, D_OUT)
    W_neigh2, _ = _init_linear(ks[7], D_HID, D_OUT)
    return {"x": x, "edge_index": edge_index,
            "W_self0": W_self0, "W_neigh0": W_neigh0, "b0": b0,
            "W_self1": W_self1, "W_neigh1": W_neigh1, "b1": b1,
            "W_self2": W_self2, "W_neigh2": W_neigh2, "b2": b2}

def _sage_layer(h, src, dst, n, W_self, W_neigh, b):
    # DGL SAGEConv with 'mean' aggregator: fc_self(h_dst) + fc_neigh(mean_{src->dst} h_src) + bias
    msg = jnp.take(h, src, axis=0)
    agg = jax.ops.segment_sum(msg, dst, num_segments=n)
    deg = jax.ops.segment_sum(jnp.ones((src.shape[0],), h.dtype), dst, num_segments=n)
    h_neigh = agg / jnp.clip(deg, 1.0)[:, None]
    return h @ W_self + h_neigh @ W_neigh + b

def reference(x, edge_index, W_self0, W_neigh0, b0, W_self1, W_neigh1, b1, W_self2, W_neigh2, b2):
    src = edge_index[0]
    dst = edge_index[1]
    n = x.shape[0]
    h = _sage_layer(x, src, dst, n, W_self0, W_neigh0, b0)
    h = jax.nn.relu(h)  # dropout is identity in eval mode
    h = _sage_layer(h, src, dst, n, W_self1, W_neigh1, b1)
    h = jax.nn.relu(h)
    h = _sage_layer(h, src, dst, n, W_self2, W_neigh2, b2)
    return h

if __name__ == "__main__":
    import jax
    _d = setup_inputs()
    print(jax.jit(kernel)(*tuple(_d.values())))

</pallas_src>

<mosaic_0001>
#map = affine_map<(d0, d1) -> (0, 0)>
#map1 = affine_map<(d0, d1) -> (0)>
#map2 = affine_map<(d0, d1) -> (0, 0, 0)>
module attributes {stable_mosaic.version = 14 : i64} {
  func.func @fn(%arg0: i32, %arg1: i32, %arg2: memref<10000x128xf32, #tpu.memory_space<hbm>>, %arg3: memref<320000xi32, #tpu.memory_space<hbm>>, %arg4: memref<10240x128xf32, #tpu.memory_space<hbm>>, %arg5: memref<2x10240x128xf32, #tpu.memory_space<hbm>>, %arg6: memref<10240x128xf32, #tpu.memory_space<vmem_shared>>, %arg7: memref<40xi32, #tpu.memory_space<vmem>>, %arg8: memref<40xi32, #tpu.memory_space<vmem>>, %arg9: memref<40xi32, #tpu.memory_space<vmem>>, %arg10: memref<40xi32, #tpu.memory_space<vmem>>, %arg11: memref<40xi32, #tpu.memory_space<vmem>>, %arg12: memref<40x128xf32, #tpu.memory_space<vmem>>, %arg13: memref<40x128xf32, #tpu.memory_space<vmem>>, %arg14: memref<40x128xf32, #tpu.memory_space<vmem>>, %arg15: memref<40x128xf32, #tpu.memory_space<vmem>>, %arg16: memref<40x128xf32, #tpu.memory_space<vmem>>, %arg17: memref<!tpu.dma_semaphore, #tpu.memory_space<semaphore_mem>>, %arg18: memref<!tpu.dma_semaphore, #tpu.memory_space<semaphore_mem>>, %arg19: memref<!tpu.dma_semaphore, #tpu.memory_space<semaphore_mem>>, %arg20: memref<!tpu.dma_semaphore, #tpu.memory_space<semaphore_mem>>, %arg21: memref<!tpu.dma_semaphore, #tpu.memory_space<semaphore_mem>>, %arg22: memref<!tpu.dma_semaphore, #tpu.memory_space<semaphore_mem>>, %arg23: memref<!tpu.dma_semaphore, #tpu.memory_space<semaphore_mem>>, %arg24: memref<!tpu.dma_semaphore, #tpu.memory_space<semaphore_mem>>, %arg25: memref<!tpu.dma_semaphore, #tpu.memory_space<semaphore_mem>>, %arg26: memref<!tpu.dma_semaphore, #tpu.memory_space<semaphore_mem>>) attributes {dimension_semantics = [#tpu.dimension_semantics<core_parallel>, #tpu.dimension_semantics<subcore_parallel>], iteration_bounds = array<i64: 2, 16>, scalar_prefetch = 0 : i64, scratch_operands = 21 : i64, tpu.core_type = #tpu.core_type<sc_vector_subcore>, window_params = [{transform_indices = #map}, {transform_indices = #map1}, {transform_indices = #map}, {transform_indices = #map2}]} {
    %mul3A = arith.constant 16 : i32
    %mul3A_0 = arith.muli %arg0, %mul3A : i32
    %add3A = arith.addi %mul3A_0, %arg1 : i32
    %mul3A_1 = arith.constant 640 : i32
    %mul3A_2 = arith.muli %arg1, %mul3A_1 : i32
    %mul3A_3 = arith.constant 10000 : i32
    %mul3A_4 = arith.muli %add3A, %mul3A_3 : i32
    "tpu.region"() ({
      %run_scoped3A = tpu.sem_alloc : memref<!tpu.dma_semaphore, #tpu.memory_space<semaphore_mem>>
      %dma_start3A = arith.constant 0 : i32
      %dma_start3A_11 = tpu.memref_slice %arg6[%mul3A_2, %dma_start3A] : memref<10240x128xf32, #tpu.memory_space<vmem_shared>> -> memref<640x128xf32, #tpu.memory_space<vmem_shared>>
      %dma_start3A_12 = arith.constant 0 : i32
      %dma_start3A_13 = tpu.memref_slice %arg4[%mul3A_2, %dma_start3A_12] : memref<10240x128xf32, #tpu.memory_space<hbm>> -> memref<640x128xf32, #tpu.memory_space<hbm>>
      tpu.enqueue_dma source(%dma_start3A_13 : memref<640x128xf32, #tpu.memory_space<hbm>>) target(%dma_start3A_11 : memref<640x128xf32, #tpu.memory_space<vmem_shared>>) target_semaphore(%run_scoped3A : memref<!tpu.dma_semaphore, #tpu.memory_space<semaphore_mem>>)
      %dma_wait3A = arith.constant 0 : i32
      %dma_wait3A_14 = tpu.memref_slice %arg6[%mul3A_2, %dma_wait3A] : memref<10240x128xf32, #tpu.memory_space<vmem_shared>> -> memref<640x128xf32, #tpu.memory_space<vmem_shared>>
      %dma_wait3A_15 = arith.constant 0 : i32
      %dma_wait3A_16 = tpu.memref_slice %arg4[%mul3A_2, %dma_wait3A_15] : memref<10240x128xf32, #tpu.memory_space<hbm>> -> memref<640x128xf32, #tpu.memory_space<hbm>>
      tpu.wait_dma2 semaphore(%run_scoped3A : memref<!tpu.dma_semaphore, #tpu.memory_space<semaphore_mem>>) src(%dma_wait3A_16 : memref<640x128xf32, #tpu.memory_space<hbm>>) dst(%dma_wait3A_14 : memref<640x128xf32, #tpu.memory_space<vmem_shared>>)
      tpu.yield
    }) : () -> ()
    "tpu.region"() ({
      %run_scoped3A = tpu.sem_alloc : memref<!tpu.dma_semaphore, #tpu.memory_space<semaphore_mem>>
      %dma_start3A = arith.constant 0 : i32
      %dma_start3A_11 = arith.constant 0 : i32
      %dma_start3A_12 = tpu.memref_slice %arg2[%dma_start3A, %dma_start3A_11] : memref<10000x128xf32, #tpu.memory_space<hbm>> -> memref<40x128xf32, #tpu.memory_space<hbm>>
      %dma_start3A_13 = arith.constant 0 : i32
      %dma_start3A_14 = arith.constant 0 : i32
      %dma_start3A_15 = tpu.memref_slice %arg2[%dma_start3A_13, %dma_start3A_14] : memref<10000x128xf32, #tpu.memory_space<hbm>> -> memref<40x128xf32, #tpu.memory_space<hbm>>
      tpu.enqueue_dma source(%dma_start3A_15 : memref<40x128xf32, #tpu.memory_space<hbm>>) target(%arg12 : memref<40x128xf32, #tpu.memory_space<vmem>>) target_semaphore(%run_scoped3A : memref<!tpu.dma_semaphore, #tpu.memory_space<semaphore_mem>>)
      %dma_wait3A = arith.constant 0 : i32
      %dma_wait3A_16 = arith.constant 0 : i32
      %dma_wait3A_17 = tpu.memref_slice %arg2[%dma_wait3A, %dma_wait3A_16] : memref<10000x128xf32, #tpu.memory_space<hbm>> -> memref<40x128xf32, #tpu.memory_space<hbm>>
      %dma_wait3A_18 = arith.constant 0 : i32
      %dma_wait3A_19 = arith.constant 0 : i32
      %dma_wait3A_20 = tpu.memref_slice %arg2[%dma_wait3A_18, %dma_wait3A_19] : memref<10000x128xf32, #tpu.memory_space<hbm>> -> memref<40x128xf32, #tpu.memory_space<hbm>>
      tpu.wait_dma2 semaphore(%run_scoped3A : memref<!tpu.dma_semaphore, #tpu.memory_space<semaphore_mem>>) src(%dma_wait3A_20 : memref<40x128xf32, #tpu.memory_space<hbm>>) dst(%arg12 : memref<40x128xf32, #tpu.memory_space<vmem>>)
      tpu.yield
    }) : () -> ()
    "tpu.region"() ({
      %run_scoped3A = tpu.sem_alloc : memref<!tpu.dma_semaphore, #tpu.memory_space<semaphore_mem>>
      %dma_start3A = arith.constant 0 : i32
      %dma_start3A_11 = arith.constant 0 : i32
      %dma_start3A_12 = tpu.memref_slice %arg2[%dma_start3A, %dma_start3A_11] : memref<10000x128xf32, #tpu.memory_space<hbm>> -> memref<40x128xf32, #tpu.memory_space<hbm>>
      %dma_start3A_13 = arith.constant 0 : i32
      %dma_start3A_14 = arith.constant 0 : i32
      %dma_start3A_15 = tpu.memref_slice %arg2[%dma_start3A_13, %dma_start3A_14] : memref<10000x128xf32, #tpu.memory_space<hbm>> -> memref<40x128xf32, #tpu.memory_space<hbm>>
      tpu.enqueue_dma source(%dma_start3A_15 : memref<40x128xf32, #tpu.memory_space<hbm>>) target(%arg13 : memref<40x128xf32, #tpu.memory_space<vmem>>) target_semaphore(%run_scoped3A : memref<!tpu.dma_semaphore, #tpu.memory_space<semaphore_mem>>)
      %dma_wait3A = arith.constant 0 : i32
      %dma_wait3A_16 = arith.constant 0 : i32
      %dma_wait3A_17 = tpu.memref_slice %arg2[%dma_wait3A, %dma_wait3A_16] : memref<10000x128xf32, #tpu.memory_space<hbm>> -> memref<40x128xf32, #tpu.memory_space<hbm>>
      %dma_wait3A_18 = arith.constant 0 : i32
      %dma_wait3A_19 = arith.constant 0 : i32
      %dma_wait3A_20 = tpu.memref_slice %arg2[%dma_wait3A_18, %dma_wait3A_19] : memref<10000x128xf32, #tpu.memory_space<hbm>> -> memref<40x128xf32, #tpu.memory_space<hbm>>
      tpu.wait_dma2 semaphore(%run_scoped3A : memref<!tpu.dma_semaphore, #tpu.memory_space<semaphore_mem>>) src(%dma_wait3A_20 : memref<40x128xf32, #tpu.memory_space<hbm>>) dst(%arg13 : memref<40x128xf32, #tpu.memory_space<vmem>>)
      tpu.yield
    }) : () -> ()
    "tpu.region"() ({
      %run_scoped3A = tpu.sem_alloc : memref<!tpu.dma_semaphore, #tpu.memory_space<semaphore_mem>>
      %dma_start3A = arith.constant 0 : i32
      %dma_start3A_11 = arith.constant 0 : i32
      %dma_start3A_12 = tpu.memref_slice %arg2[%dma_start3A, %dma_start3A_11] : memref<10000x128xf32, #tpu.memory_space<hbm>> -> memref<40x128xf32, #tpu.memory_space<hbm>>
      %dma_start3A_13 = arith.constant 0 : i32
      %dma_start3A_14 = arith.constant 0 : i32
      %dma_start3A_15 = tpu.memref_slice %arg2[%dma_start3A_13, %dma_start3A_14] : memref<10000x128xf32, #tpu.memory_space<hbm>> -> memref<40x128xf32, #tpu.memory_space<hbm>>
      tpu.enqueue_dma source(%dma_start3A_15 : memref<40x128xf32, #tpu.memory_space<hbm>>) target(%arg14 : memref<40x128xf32, #tpu.memory_space<vmem>>) target_semaphore(%run_scoped3A : memref<!tpu.dma_semaphore, #tpu.memory_space<semaphore_mem>>)
      %dma_wait3A = arith.constant 0 : i32
      %dma_wait3A_16 = arith.constant 0 : i32
      %dma_wait3A_17 = tpu.memref_slice %arg2[%dma_wait3A, %dma_wait3A_16] : memref<10000x128xf32, #tpu.memory_space<hbm>> -> memref<40x128xf32, #tpu.memory_space<hbm>>
      %dma_wait3A_18 = arith.constant 0 : i32
      %dma_wait3A_19 = arith.constant 0 : i32
      %dma_wait3A_20 = tpu.memref_slice %arg2[%dma_wait3A_18, %dma_wait3A_19] : memref<10000x128xf32, #tpu.memory_space<hbm>> -> memref<40x128xf32, #tpu.memory_space<hbm>>
      tpu.wait_dma2 semaphore(%run_scoped3A : memref<!tpu.dma_semaphore, #tpu.memory_space<semaphore_mem>>) src(%dma_wait3A_20 : memref<40x128xf32, #tpu.memory_space<hbm>>) dst(%arg14 : memref<40x128xf32, #tpu.memory_space<vmem>>)
      tpu.yield
    }) : () -> ()
    "tpu.region"() ({
      %run_scoped3A = tpu.sem_alloc : memref<!tpu.dma_semaphore, #tpu.memory_space<semaphore_mem>>
      %dma_start3A = arith.constant 0 : i32
      %dma_start3A_11 = arith.constant 0 : i32
      %dma_start3A_12 = tpu.memref_slice %arg2[%dma_start3A, %dma_start3A_11] : memref<10000x128xf32, #tpu.memory_space<hbm>> -> memref<40x128xf32, #tpu.memory_space<hbm>>
      %dma_start3A_13 = arith.constant 0 : i32
      %dma_start3A_14 = arith.constant 0 : i32
      %dma_start3A_15 = tpu.memref_slice %arg2[%dma_start3A_13, %dma_start3A_14] : memref<10000x128xf32, #tpu.memory_space<hbm>> -> memref<40x128xf32, #tpu.memory_space<hbm>>
      tpu.enqueue_dma source(%dma_start3A_15 : memref<40x128xf32, #tpu.memory_space<hbm>>) target(%arg15 : memref<40x128xf32, #tpu.memory_space<vmem>>) target_semaphore(%run_scoped3A : memref<!tpu.dma_semaphore, #tpu.memory_space<semaphore_mem>>)
      %dma_wait3A = arith.constant 0 : i32
      %dma_wait3A_16 = arith.constant 0 : i32
      %dma_wait3A_17 = tpu.memref_slice %arg2[%dma_wait3A, %dma_wait3A_16] : memref<10000x128xf32, #tpu.memory_space<hbm>> -> memref<40x128xf32, #tpu.memory_space<hbm>>
      %dma_wait3A_18 = arith.constant 0 : i32
      %dma_wait3A_19 = arith.constant 0 : i32
      %dma_wait3A_20 = tpu.memref_slice %arg2[%dma_wait3A_18, %dma_wait3A_19] : memref<10000x128xf32, #tpu.memory_space<hbm>> -> memref<40x128xf32, #tpu.memory_space<hbm>>
      tpu.wait_dma2 semaphore(%run_scoped3A : memref<!tpu.dma_semaphore, #tpu.memory_space<semaphore_mem>>) src(%dma_wait3A_20 : memref<40x128xf32, #tpu.memory_space<hbm>>) dst(%arg15 : memref<40x128xf32, #tpu.memory_space<vmem>>)
      tpu.yield
    }) : () -> ()
    "tpu.region"() ({
      %run_scoped3A = tpu.sem_alloc : memref<!tpu.dma_semaphore, #tpu.memory_space<semaphore_mem>>
      %dma_start3A = arith.constant 0 : i32
      %dma_start3A_11 = arith.constant 0 : i32
      %dma_start3A_12 = tpu.memref_slice %arg2[%dma_start3A, %dma_start3A_11] : memref<10000x128xf32, #tpu.memory_space<hbm>> -> memref<40x128xf32, #tpu.memory_space<hbm>>
      %dma_start3A_13 = arith.constant 0 : i32
      %dma_start3A_14 = arith.constant 0 : i32
      %dma_start3A_15 = tpu.memref_slice %arg2[%dma_start3A_13, %dma_start3A_14] : memref<10000x128xf32, #tpu.memory_space<hbm>> -> memref<40x128xf32, #tpu.memory_space<hbm>>
      tpu.enqueue_dma source(%dma_start3A_15 : memref<40x128xf32, #tpu.memory_space<hbm>>) target(%arg16 : memref<40x128xf32, #tpu.memory_space<vmem>>) target_semaphore(%run_scoped3A : memref<!tpu.dma_semaphore, #tpu.memory_space<semaphore_mem>>)
      %dma_wait3A = arith.constant 0 : i32
      %dma_wait3A_16 = arith.constant 0 : i32
      %dma_wait3A_17 = tpu.memref_slice %arg2[%dma_wait3A, %dma_wait3A_16] : memref<10000x128xf32, #tpu.memory_space<hbm>> -> memref<40x128xf32, #tpu.memory_space<hbm>>
      %dma_wait3A_18 = arith.constant 0 : i32
      %dma_wait3A_19 = arith.constant 0 : i32
      %dma_wait3A_20 = tpu.memref_slice %arg2[%dma_wait3A_18, %dma_wait3A_19] : memref<10000x128xf32, #tpu.memory_space<hbm>> -> memref<40x128xf32, #tpu.memory_space<hbm>>
      tpu.wait_dma2 semaphore(%run_scoped3A : memref<!tpu.dma_semaphore, #tpu.memory_space<semaphore_mem>>) src(%dma_wait3A_20 : memref<40x128xf32, #tpu.memory_space<hbm>>) dst(%arg16 : memref<40x128xf32, #tpu.memory_space<vmem>>)
      tpu.yield
    }) : () -> ()
    %barrier3A = arith.constant 0 : index
    tpu.barrier barrier_id(%barrier3A)
    %scan3A = arith.constant 0 : i32
    %scan3A_5 = arith.constant 0 : i32
    %scan3A_6 = arith.constant 50 : i32
    %scan3A_7 = arith.addi %scan3A_5, %scan3A_6 : i32
    %scan3A_8 = arith.constant 1 : i32
    scf.for %scan3A_11 = %scan3A_5 to %scan3A_7 step %scan3A_8  : i32 {
      %mul3A_12 = arith.constant 5 : i32
      %mul3A_13 = arith.muli %scan3A_11, %mul3A_12 : i32
      %add3A_14 = arith.constant 0 : i32
      %add3A_15 = arith.addi %mul3A_13, %add3A_14 : i32
      %mul3A_16 = arith.constant 40 : i32
      %mul3A_17 = arith.muli %add3A_15, %mul3A_16 : i32
      %add3A_18 = arith.addi %mul3A_4, %mul3A_17 : i32
      %dma_start3A = tpu.memref_slice %arg3[%add3A_18] : memref<320000xi32, #tpu.memory_space<hbm>> -> memref<40xi32, #tpu.memory_space<hbm>>
      %dma_start3A_19 = tpu.memref_slice %arg3[%add3A_18] : memref<320000xi32, #tpu.memory_space<hbm>> -> memref<40xi32, #tpu.memory_space<hbm>>
      tpu.enqueue_dma source(%dma_start3A_19 : memref<40xi32, #tpu.memory_space<hbm>>) target(%arg7 : memref<40xi32, #tpu.memory_space<vmem>>) target_semaphore(%arg17 : memref<!tpu.dma_semaphore, #tpu.memory_space<semaphore_mem>>)
      %add3A_20 = arith.constant 1 : i32
      %add3A_21 = arith.addi %mul3A_13, %add3A_20 : i32
      %mul3A_22 = arith.constant 40 : i32
      %mul3A_23 = arith.muli %add3A_21, %mul3A_22 : i32
      %add3A_24 = arith.addi %mul3A_4, %mul3A_23 : i32
      %dma_start3A_25 = tpu.memref_slice %arg3[%add3A_24] : memref<320000xi32, #tpu.memory_space<hbm>> -> memref<40xi32, #tpu.memory_space<hbm>>
      %dma_start3A_26 = tpu.memref_slice %arg3[%add3A_24] : memref<320000xi32, #tpu.memory_space<hbm>> -> memref<40xi32, #tpu.memory_space<hbm>>
      tpu.enqueue_dma source(%dma_start3A_26 : memref<40xi32, #tpu.memory_space<hbm>>) target(%arg8 : memref<40xi32, #tpu.memory_space<vmem>>) target_semaphore(%arg18 : memref<!tpu.dma_semaphore, #tpu.memory_space<semaphore_mem>>)
      %add3A_27 = arith.constant 2 : i32
      %add3A_28 = arith.addi %mul3A_13, %add3A_27 : i32
      %mul3A_29 = arith.constant 40 : i32
      %mul3A_30 = arith.muli %add3A_28, %mul3A_29 : i32
      %add3A_31 = arith.addi %mul3A_4, %mul3A_30 : i32
      %dma_start3A_32 = tpu.memref_slice %arg3[%add3A_31] : memref<320000xi32, #tpu.memory_space<hbm>> -> memref<40xi32, #tpu.memory_space<hbm>>
      %dma_start3A_33 = tpu.memref_slice %arg3[%add3A_31] : memref<320000xi32, #tpu.memory_space<hbm>> -> memref<40xi32, #tpu.memory_space<hbm>>
      tpu.enqueue_dma source(%dma_start3A_33 : memref<40xi32, #tpu.memory_space<hbm>>) target(%arg9 : memref<40xi32, #tpu.memory_space<vmem>>) target_semaphore(%arg19 : memref<!tpu.dma_semaphore, #tpu.memory_space<semaphore_mem>>)
      %add3A_34 = arith.constant 3 : i32
      %add3A_35 = arith.addi %mul3A_13, %add3A_34 : i32
      %mul3A_36 = arith.constant 40 : i32
      %mul3A_37 = arith.muli %add3A_35, %mul3A_36 : i32
      %add3A_38 = arith.addi %mul3A_4, %mul3A_37 : i32
      %dma_start3A_39 = tpu.memref_slice %arg3[%add3A_38] : memref<320000xi32, #tpu.memory_space<hbm>> -> memref<40xi32, #tpu.memory_space<hbm>>
      %dma_start3A_40 = tpu.memref_slice %arg3[%add3A_38] : memref<320000xi32, #tpu.memory_space<hbm>> -> memref<40xi32, #tpu.memory_space<hbm>>
      tpu.enqueue_dma source(%dma_start3A_40 : memref<40xi32, #tpu.memory_space<hbm>>) target(%arg10 : memref<40xi32, #tpu.memory_space<vmem>>) target_semaphore(%arg20 : memref<!tpu.dma_semaphore, #tpu.memory_space<semaphore_mem>>)
      %add3A_41 = arith.constant 4 : i32
      %add3A_42 = arith.addi %mul3A_13, %add3A_41 : i32
      %mul3A_43 = arith.constant 40 : i32
      %mul3A_44 = arith.muli %add3A_42, %mul3A_43 : i32
      %add3A_45 = arith.addi %mul3A_4, %mul3A_44 : i32
      %dma_start3A_46 = tpu.memref_slice %arg3[%add3A_45] : memref<320000xi32, #tpu.memory_space<hbm>> -> memref<40xi32, #tpu.memory_space<hbm>>
      %dma_start3A_47 = tpu.memref_slice %arg3[%add3A_45] : memref<320000xi32, #tpu.memory_space<hbm>> -> memref<40xi32, #tpu.memory_space<hbm>>
      tpu.enqueue_dma source(%dma_start3A_47 : memref<40xi32, #tpu.memory_space<hbm>>) target(%arg11 : memref<40xi32, #tpu.memory_space<vmem>>) target_semaphore(%arg21 : memref<!tpu.dma_semaphore, #tpu.memory_space<semaphore_mem>>)
      %dma_wait3A = tpu.memref_slice %arg3[%add3A_18] : memref<320000xi32, #tpu.memory_space<hbm>> -> memref<40xi32, #tpu.memory_space<hbm>>
      %dma_wait3A_48 = tpu.memref_slice %arg3[%add3A_18] : memref<320000xi32, #tpu.memory_space<hbm>> -> memref<40xi32, #tpu.memory_space<hbm>>
      tpu.wait_dma2 semaphore(%arg17 : memref<!tpu.dma_semaphore, #tpu.memory_space<semaphore_mem>>) src(%dma_wait3A_48 : memref<40xi32, #tpu.memory_space<hbm>>) dst(%arg7 : memref<40xi32, #tpu.memory_space<vmem>>)
      %dma_start3A_49 = arith.constant 0 : i32
      %dma_start3A_50 = arith.constant 0 : i32
      %dma_start3A_51 = tpu.memref_slice %arg6[%dma_start3A_49, %dma_start3A_50] : memref<10240x128xf32, #tpu.memory_space<vmem_shared>> -> memref<10240x128xf32, #tpu.memory_space<vmem_shared>>
      tpu.enqueue_indirect_dma source(%arg12 : memref<40x128xf32, #tpu.memory_space<vmem>>) target(%dma_start3A_51 : memref<10240x128xf32, #tpu.memory_space<vmem_shared>>) offsets(%arg7 : memref<40xi32, #tpu.memory_space<vmem>>) semaphore(%arg22 : memref<!tpu.dma_semaphore, #tpu.memory_space<semaphore_mem>>) {add = true}
      %dma_wait3A_52 = tpu.memref_slice %arg3[%add3A_24] : memref<320000xi32, #tpu.memory_space<hbm>> -> memref<40xi32, #tpu.memory_space<hbm>>
      %dma_wait3A_53 = tpu.memref_slice %arg3[%add3A_24] : memref<320000xi32, #tpu.memory_space<hbm>> -> memref<40xi32, #tpu.memory_space<hbm>>
      tpu.wait_dma2 semaphore(%arg18 : memref<!tpu.dma_semaphore, #tpu.memory_space<semaphore_mem>>) src(%dma_wait3A_53 : memref<40xi32, #tpu.memory_space<hbm>>) dst(%arg8 : memref<40xi32, #tpu.memory_space<vmem>>)
      %dma_start3A_54 = arith.constant 0 : i32
      %dma_start3A_55 = arith.constant 0 : i32
      %dma_start3A_56 = tpu.memref_slice %arg6[%dma_start3A_54, %dma_start3A_55] : memref<10240x128xf32, #tpu.memory_space<vmem_shared>> -> memref<10240x128xf32, #tpu.memory_space<vmem_shared>>
      tpu.enqueue_indirect_dma source(%arg13 : memref<40x128xf32, #tpu.memory_space<vmem>>) target(%dma_start3A_56 : memref<10240x128xf32, #tpu.memory_space<vmem_shared>>) offsets(%arg8 : memref<40xi32, #tpu.memory_space<vmem>>) semaphore(%arg23 : memref<!tpu.dma_semaphore, #tpu.memory_space<semaphore_mem>>) {add = true}
      %dma_wait3A_57 = tpu.memref_slice %arg3[%add3A_31] : memref<320000xi32, #tpu.memory_space<hbm>> -> memref<40xi32, #tpu.memory_space<hbm>>
      %dma_wait3A_58 = tpu.memref_slice %arg3[%add3A_31] : memref<320000xi32, #tpu.memory_space<hbm>> -> memref<40xi32, #tpu.memory_space<hbm>>
      tpu.wait_dma2 semaphore(%arg19 : memref<!tpu.dma_semaphore, #tpu.memory_space<semaphore_mem>>) src(%dma_wait3A_58 : memref<40xi32, #tpu.memory_space<hbm>>) dst(%arg9 : memref<40xi32, #tpu.memory_space<vmem>>)
      %dma_start3A_59 = arith.constant 0 : i32
      %dma_start3A_60 = arith.constant 0 : i32
      %dma_start3A_61 = tpu.memref_slice %arg6[%dma_start3A_59, %dma_start3A_60] : memref<10240x128xf32, #tpu.memory_space<vmem_shared>> -> memref<10240x128xf32, #tpu.memory_space<vmem_shared>>
      tpu.enqueue_indirect_dma source(%arg14 : memref<40x128xf32, #tpu.memory_space<vmem>>) target(%dma_start3A_61 : memref<10240x128xf32, #tpu.memory_space<vmem_shared>>) offsets(%arg9 : memref<40xi32, #tpu.memory_space<vmem>>) semaphore(%arg24 : memref<!tpu.dma_semaphore, #tpu.memory_space<semaphore_mem>>) {add = true}
      %dma_wait3A_62 = tpu.memref_slice %arg3[%add3A_38] : memref<320000xi32, #tpu.memory_space<hbm>> -> memref<40xi32, #tpu.memory_space<hbm>>
      %dma_wait3A_63 = tpu.memref_slice %arg3[%add3A_38] : memref<320000xi32, #tpu.memory_space<hbm>> -> memref<40xi32, #tpu.memory_space<hbm>>
      tpu.wait_dma2 semaphore(%arg20 : memref<!tpu.dma_semaphore, #tpu.memory_space<semaphore_mem>>) src(%dma_wait3A_63 : memref<40xi32, #tpu.memory_space<hbm>>) dst(%arg10 : memref<40xi32, #tpu.memory_space<vmem>>)
      %dma_start3A_64 = arith.constant 0 : i32
      %dma_start3A_65 = arith.constant 0 : i32
      %dma_start3A_66 = tpu.memref_slice %arg6[%dma_start3A_64, %dma_start3A_65] : memref<10240x128xf32, #tpu.memory_space<vmem_shared>> -> memref<10240x128xf32, #tpu.memory_space<vmem_shared>>
      tpu.enqueue_indirect_dma source(%arg15 : memref<40x128xf32, #tpu.memory_space<vmem>>) target(%dma_start3A_66 : memref<10240x128xf32, #tpu.memory_space<vmem_shared>>) offsets(%arg10 : memref<40xi32, #tpu.memory_space<vmem>>) semaphore(%arg25 : memref<!tpu.dma_semaphore, #tpu.memory_space<semaphore_mem>>) {add = true}
      %dma_wait3A_67 = tpu.memref_slice %arg3[%add3A_45] : memref<320000xi32, #tpu.memory_space<hbm>> -> memref<40xi32, #tpu.memory_space<hbm>>
      %dma_wait3A_68 = tpu.memref_slice %arg3[%add3A_45] : memref<320000xi32, #tpu.memory_space<hbm>> -> memref<40xi32, #tpu.memory_space<hbm>>
      tpu.wait_dma2 semaphore(%arg21 : memref<!tpu.dma_semaphore, #tpu.memory_space<semaphore_mem>>) src(%dma_wait3A_68 : memref<40xi32, #tpu.memory_space<hbm>>) dst(%arg11 : memref<40xi32, #tpu.memory_space<vmem>>)
      %dma_start3A_69 = arith.constant 0 : i32
      %dma_start3A_70 = arith.constant 0 : i32
      %dma_start3A_71 = tpu.memref_slice %arg6[%dma_start3A_69, %dma_start3A_70] : memref<10240x128xf32, #tpu.memory_space<vmem_shared>> -> memref<10240x128xf32, #tpu.memory_space<vmem_shared>>
      tpu.enqueue_indirect_dma source(%arg16 : memref<40x128xf32, #tpu.memory_space<vmem>>) target(%dma_start3A_71 : memref<10240x128xf32, #tpu.memory_space<vmem_shared>>) offsets(%arg11 : memref<40xi32, #tpu.memory_space<vmem>>) semaphore(%arg26 : memref<!tpu.dma_semaphore, #tpu.memory_space<semaphore_mem>>) {add = true}
      %dma_wait3A_72 = arith.constant 0 : i32
      %dma_wait3A_73 = arith.constant 0 : i32
      %dma_wait3A_74 = tpu.memref_slice %arg6[%dma_wait3A_72, %dma_wait3A_73] : memref<10240x128xf32, #tpu.memory_space<vmem_shared>> -> memref<10240x128xf32, #tpu.memory_space<vmem_shared>>
      tpu.wait_indirect_dma semaphore(%arg22 : memref<!tpu.dma_semaphore, #tpu.memory_space<semaphore_mem>>) src(%arg12 : memref<40x128xf32, #tpu.memory_space<vmem>>) dst(%dma_wait3A_74 : memref<10240x128xf32, #tpu.memory_space<vmem_shared>>)
      %dma_wait3A_75 = arith.constant 0 : i32
      %dma_wait3A_76 = arith.constant 0 : i32
      %dma_wait3A_77 = tpu.memref_slice %arg6[%dma_wait3A_75, %dma_wait3A_76] : memref<10240x128xf32, #tpu.memory_space<vmem_shared>> -> memref<10240x128xf32, #tpu.memory_space<vmem_shared>>
      tpu.wait_indirect_dma semaphore(%arg23 : memref<!tpu.dma_semaphore, #tpu.memory_space<semaphore_mem>>) src(%arg13 : memref<40x128xf32, #tpu.memory_space<vmem>>) dst(%dma_wait3A_77 : memref<10240x128xf32, #tpu.memory_space<vmem_shared>>)
      %dma_wait3A_78 = arith.constant 0 : i32
      %dma_wait3A_79 = arith.constant 0 : i32
      %dma_wait3A_80 = tpu.memref_slice %arg6[%dma_wait3A_78, %dma_wait3A_79] : memref<10240x128xf32, #tpu.memory_space<vmem_shared>> -> memref<10240x128xf32, #tpu.memory_space<vmem_shared>>
      tpu.wait_indirect_dma semaphore(%arg24 : memref<!tpu.dma_semaphore, #tpu.memory_space<semaphore_mem>>) src(%arg14 : memref<40x128xf32, #tpu.memory_space<vmem>>) dst(%dma_wait3A_80 : memref<10240x128xf32, #tpu.memory_space<vmem_shared>>)
      %dma_wait3A_81 = arith.constant 0 : i32
      %dma_wait3A_82 = arith.constant 0 : i32
      %dma_wait3A_83 = tpu.memref_slice %arg6[%dma_wait3A_81, %dma_wait3A_82] : memref<10240x128xf32, #tpu.memory_space<vmem_shared>> -> memref<10240x128xf32, #tpu.memory_space<vmem_shared>>
      tpu.wait_indirect_dma semaphore(%arg25 : memref<!tpu.dma_semaphore, #tpu.memory_space<semaphore_mem>>) src(%arg15 : memref<40x128xf32, #tpu.memory_space<vmem>>) dst(%dma_wait3A_83 : memref<10240x128xf32, #tpu.memory_space<vmem_shared>>)
      %dma_wait3A_84 = arith.constant 0 : i32
      %dma_wait3A_85 = arith.constant 0 : i32
      %dma_wait3A_86 = tpu.memref_slice %arg6[%dma_wait3A_84, %dma_wait3A_85] : memref<10240x128xf32, #tpu.memory_space<vmem_shared>> -> memref<10240x128xf32, #tpu.memory_space<vmem_shared>>
      tpu.wait_indirect_dma semaphore(%arg26 : memref<!tpu.dma_semaphore, #tpu.memory_space<semaphore_mem>>) src(%arg16 : memref<40x128xf32, #tpu.memory_space<vmem>>) dst(%dma_wait3A_86 : memref<10240x128xf32, #tpu.memory_space<vmem_shared>>)
    }
    %scan3A_9 = arith.constant 50 : i32
    %barrier3A_10 = arith.constant 0 : index
    tpu.barrier barrier_id(%barrier3A_10)
    "tpu.region"() ({
      %run_scoped3A = tpu.sem_alloc : memref<!tpu.dma_semaphore, #tpu.memory_space<semaphore_mem>>
      %dma_start3A = arith.constant 0 : i32
      %dma_start3A_11 = arith.constant 0 : i32
      %dma_start3A_12 = tpu.memref_slice %arg5[%arg0, %dma_start3A, %dma_start3A_11] : memref<2x10240x128xf32, #tpu.memory_space<hbm>> -> memref<1x10240x128xf32, #tpu.memory_space<hbm>>
      %dma_start3A_13 = tpu.memref_squeeze %dma_start3A_12 : memref<1x10240x128xf32, #tpu.memory_space<hbm>> -> memref<10240x128xf32, #tpu.memory_space<hbm>>
      %dma_start3A_14 = arith.constant 0 : i32
      %dma_start3A_15 = tpu.memref_slice %dma_start3A_13[%mul3A_2, %dma_start3A_14] : memref<10240x128xf32, #tpu.memory_space<hbm>> -> memref<640x128xf32, #tpu.memory_space<hbm>>
      %dma_start3A_16 = arith.constant 0 : i32
      %dma_start3A_17 = tpu.memref_slice %arg6[%mul3A_2, %dma_start3A_16] : memref<10240x128xf32, #tpu.memory_space<vmem_shared>> -> memref<640x128xf32, #tpu.memory_space<vmem_shared>>
      tpu.enqueue_dma source(%dma_start3A_17 : memref<640x128xf32, #tpu.memory_space<vmem_shared>>) target(%dma_start3A_15 : memref<640x128xf32, #tpu.memory_space<hbm>>) target_semaphore(%run_scoped3A : memref<!tpu.dma_semaphore, #tpu.memory_space<semaphore_mem>>)
      %dma_wait3A = arith.constant 0 : i32
      %dma_wait3A_18 = arith.constant 0 : i32
      %dma_wait3A_19 = tpu.memref_slice %arg5[%arg0, %dma_wait3A, %dma_wait3A_18] : memref<2x10240x128xf32, #tpu.memory_space<hbm>> -> memref<1x10240x128xf32, #tpu.memory_space<hbm>>
      %dma_wait3A_20 = tpu.memref_squeeze %dma_wait3A_19 : memref<1x10240x128xf32, #tpu.memory_space<hbm>> -> memref<10240x128xf32, #tpu.memory_space<hbm>>
      %dma_wait3A_21 = arith.constant 0 : i32
      %dma_wait3A_22 = tpu.memref_slice %dma_wait3A_20[%mul3A_2, %dma_wait3A_21] : memref<10240x128xf32, #tpu.memory_space<hbm>> -> memref<640x128xf32, #tpu.memory_space<hbm>>
      %dma_wait3A_23 = arith.constant 0 : i32
      %dma_wait3A_24 = tpu.memref_slice %arg6[%mul3A_2, %dma_wait3A_23] : memref<10240x128xf32, #tpu.memory_space<vmem_shared>> -> memref<640x128xf32, #tpu.memory_space<vmem_shared>>
      tpu.wait_dma2 semaphore(%run_scoped3A : memref<!tpu.dma_semaphore, #tpu.memory_space<semaphore_mem>>) src(%dma_wait3A_24 : memref<640x128xf32, #tpu.memory_space<vmem_shared>>) dst(%dma_wait3A_22 : memref<640x128xf32, #tpu.memory_space<hbm>>)
      tpu.yield
    }) : () -> ()
    return
  }
}

#map = affine_map<(d0, d1) -> (0, 0)>
#map1 = affine_map<(d0, d1) -> (0)>
#map2 = affine_map<(d0, d1) -> (0, 0, 0)>
module attributes {stable_mosaic.version = 14 : i64} {
  func.func @fn(%arg0: i32, %arg1: i32, %arg2: memref<10000x128xf32, #tpu.memory_space<hbm>>, %arg3: memref<320000xi32, #tpu.memory_space<hbm>>, %arg4: memref<320000xi32, #tpu.memory_space<hbm>>, %arg5: memref<10240x128xf32, #tpu.memory_space<hbm>>, %arg6: memref<2x10240x128xf32, #tpu.memory_space<hbm>>, %arg7: memref<10240x128xf32, #tpu.memory_space<vmem_shared>>, %arg8: memref<40xi32, #tpu.memory_space<vmem>>, %arg9: memref<40xi32, #tpu.memory_space<vmem>>, %arg10: memref<40xi32, #tpu.memory_space<vmem>>, %arg11: memref<40xi32, #tpu.memory_space<vmem>>, %arg12: memref<40xi32, #tpu.memory_space<vmem>>, %arg13: memref<40x128xf32, #tpu.memory_space<vmem>>, %arg14: memref<40x128xf32, #tpu.memory_space<vmem>>, %arg15: memref<40x128xf32, #tpu.memory_space<vmem>>, %arg16: memref<40x128xf32, #tpu.memory_space<vmem>>, %arg17: memref<40x128xf32, #tpu.memory_space<vmem>>, %arg18: memref<!tpu.dma_semaphore, #tpu.memory_space<semaphore_mem>>, %arg19: memref<!tpu.dma_semaphore, #tpu.memory_space<semaphore_mem>>, %arg20: memref<!tpu.dma_semaphore, #tpu.memory_space<semaphore_mem>>, %arg21: memref<!tpu.dma_semaphore, #tpu.memory_space<semaphore_mem>>, %arg22: memref<!tpu.dma_semaphore, #tpu.memory_space<semaphore_mem>>, %arg23: memref<!tpu.dma_semaphore, #tpu.memory_space<semaphore_mem>>, %arg24: memref<!tpu.dma_semaphore, #tpu.memory_space<semaphore_mem>>, %arg25: memref<!tpu.dma_semaphore, #tpu.memory_space<semaphore_mem>>, %arg26: memref<!tpu.dma_semaphore, #tpu.memory_space<semaphore_mem>>, %arg27: memref<!tpu.dma_semaphore, #tpu.memory_space<semaphore_mem>>, %arg28: memref<10000xi32, #tpu.memory_space<vmem>>, %arg29: memref<!tpu.dma_semaphore, #tpu.memory_space<semaphore_mem>>, %arg30: memref<!tpu.dma_semaphore, #tpu.memory_space<semaphore_mem>>, %arg31: memref<!tpu.dma_semaphore, #tpu.memory_space<semaphore_mem>>, %arg32: memref<!tpu.dma_semaphore, #tpu.memory_space<semaphore_mem>>, %arg33: memref<!tpu.dma_semaphore, #tpu.memory_space<semaphore_mem>>) attributes {dimension_semantics = [#tpu.dimension_semantics<core_parallel>, #tpu.dimension_semantics<subcore_parallel>], iteration_bounds = array<i64: 2, 16>, scalar_prefetch = 0 : i64, scratch_operands = 27 : i64, tpu.core_type = #tpu.core_type<sc_vector_subcore>, window_params = [{transform_indices = #map}, {transform_indices = #map1}, {transform_indices = #map1}, {transform_indices = #map}, {transform_indices = #map2}]} {
    %mul3A = arith.constant 16 : i32
    %mul3A_0 = arith.muli %arg0, %mul3A : i32
    %add3A = arith.addi %mul3A_0, %arg1 : i32
    %mul3A_1 = arith.constant 640 : i32
    %mul3A_2 = arith.muli %arg1, %mul3A_1 : i32
    %mul3A_3 = arith.constant 10000 : i32
    %mul3A_4 = arith.muli %add3A, %mul3A_3 : i32
    "tpu.region"() ({
      %run_scoped3A = tpu.sem_alloc : memref<!tpu.dma_semaphore, #tpu.memory_space<semaphore_mem>>
      %dma_start3A = arith.constant 0 : i32
      %dma_start3A_11 = tpu.memref_slice %arg7[%mul3A_2, %dma_start3A] : memref<10240x128xf32, #tpu.memory_space<vmem_shared>> -> memref<640x128xf32, #tpu.memory_space<vmem_shared>>
      %dma_start3A_12 = arith.constant 0 : i32
      %dma_start3A_13 = tpu.memref_slice %arg5[%mul3A_2, %dma_start3A_12] : memref<10240x128xf32, #tpu.memory_space<hbm>> -> memref<640x128xf32, #tpu.memory_space<hbm>>
      tpu.enqueue_dma source(%dma_start3A_13 : memref<640x128xf32, #tpu.memory_space<hbm>>) target(%dma_start3A_11 : memref<640x128xf32, #tpu.memory_space<vmem_shared>>) target_semaphore(%run_scoped3A : memref<!tpu.dma_semaphore, #tpu.memory_space<semaphore_mem>>)
      %dma_wait3A = arith.constant 0 : i32
      %dma_wait3A_14 = tpu.memref_slice %arg7[%mul3A_2, %dma_wait3A] : memref<10240x128xf32, #tpu.memory_space<vmem_shared>> -> memref<640x128xf32, #tpu.memory_space<vmem_shared>>
      %dma_wait3A_15 = arith.constant 0 : i32
      %dma_wait3A_16 = tpu.memref_slice %arg5[%mul3A_2, %dma_wait3A_15] : memref<10240x128xf32, #tpu.memory_space<hbm>> -> memref<640x128xf32, #tpu.memory_space<hbm>>
      tpu.wait_dma2 semaphore(%run_scoped3A : memref<!tpu.dma_semaphore, #tpu.memory_space<semaphore_mem>>) src(%dma_wait3A_16 : memref<640x128xf32, #tpu.memory_space<hbm>>) dst(%dma_wait3A_14 : memref<640x128xf32, #tpu.memory_space<vmem_shared>>)
      tpu.yield
    }) : () -> ()
    "tpu.region"() ({
      %run_scoped3A = tpu.sem_alloc : memref<!tpu.dma_semaphore, #tpu.memory_space<semaphore_mem>>
      %dma_start3A = tpu.memref_slice %arg3[%mul3A_4] : memref<320000xi32, #tpu.memory_space<hbm>> -> memref<10000xi32, #tpu.memory_space<hbm>>
      %dma_start3A_11 = tpu.memref_slice %arg3[%mul3A_4] : memref<320000xi32, #tpu.memory_space<hbm>> -> memref<10000xi32, #tpu.memory_space<hbm>>
      tpu.enqueue_dma source(%dma_start3A_11 : memref<10000xi32, #tpu.memory_space<hbm>>) target(%arg28 : memref<10000xi32, #tpu.memory_space<vmem>>) target_semaphore(%run_scoped3A : memref<!tpu.dma_semaphore, #tpu.memory_space<semaphore_mem>>)
      %dma_wait3A = tpu.memref_slice %arg3[%mul3A_4] : memref<320000xi32, #tpu.memory_space<hbm>> -> memref<10000xi32, #tpu.memory_space<hbm>>
      %dma_wait3A_12 = tpu.memref_slice %arg3[%mul3A_4] : memref<320000xi32, #tpu.memory_space<hbm>> -> memref<10000xi32, #tpu.memory_space<hbm>>
      tpu.wait_dma2 semaphore(%run_scoped3A : memref<!tpu.dma_semaphore, #tpu.memory_space<semaphore_mem>>) src(%dma_wait3A_12 : memref<10000xi32, #tpu.memory_space<hbm>>) dst(%arg28 : memref<10000xi32, #tpu.memory_space<vmem>>)
      tpu.yield
    }) : () -> ()
    %barrier3A = arith.constant 0 : index
    tpu.barrier barrier_id(%barrier3A)
    %scan3A = arith.constant 0 : i32
    %scan3A_5 = arith.constant 0 : i32
    %scan3A_6 = arith.constant 50 : i32
    %scan3A_7 = arith.addi %scan3A_5, %scan3A_6 : i32
    %scan3A_8 = arith.constant 1 : i32
    scf.for %scan3A_11 = %scan3A_5 to %scan3A_7 step %scan3A_8  : i32 {
      %mul3A_12 = arith.constant 5 : i32
      %mul3A_13 = arith.muli %scan3A_11, %mul3A_12 : i32
      %add3A_14 = arith.constant 0 : i32
      %add3A_15 = arith.addi %mul3A_13, %add3A_14 : i32
      %mul3A_16 = arith.constant 40 : i32
      %mul3A_17 = arith.muli %add3A_15, %mul3A_16 : i32
      %add3A_18 = arith.addi %mul3A_4, %mul3A_17 : i32
      %dma_start3A = tpu.memref_slice %arg4[%add3A_18] : memref<320000xi32, #tpu.memory_space<hbm>> -> memref<40xi32, #tpu.memory_space<hbm>>
      %dma_start3A_19 = tpu.memref_slice %arg4[%add3A_18] : memref<320000xi32, #tpu.memory_space<hbm>> -> memref<40xi32, #tpu.memory_space<hbm>>
      tpu.enqueue_dma source(%dma_start3A_19 : memref<40xi32, #tpu.memory_space<hbm>>) target(%arg8 : memref<40xi32, #tpu.memory_space<vmem>>) target_semaphore(%arg18 : memref<!tpu.dma_semaphore, #tpu.memory_space<semaphore_mem>>)
      %add3A_20 = arith.constant 0 : i32
      %add3A_21 = arith.addi %mul3A_13, %add3A_20 : i32
      %mul3A_22 = arith.constant 40 : i32
      %mul3A_23 = arith.muli %add3A_21, %mul3A_22 : i32
      %dma_start3A_24 = tpu.memref_slice %arg28[%mul3A_23] : memref<10000xi32, #tpu.memory_space<vmem>> -> memref<40xi32, #tpu.memory_space<vmem>>
      %dma_start3A_25 = arith.constant 0 : i32
      %dma_start3A_26 = arith.constant 0 : i32
      %dma_start3A_27 = tpu.memref_slice %arg2[%dma_start3A_25, %dma_start3A_26] : memref<10000x128xf32, #tpu.memory_space<hbm>> -> memref<10000x128xf32, #tpu.memory_space<hbm>>
      tpu.enqueue_indirect_dma source(%dma_start3A_27 : memref<10000x128xf32, #tpu.memory_space<hbm>>) target(%arg13 : memref<40x128xf32, #tpu.memory_space<vmem>>) offsets(%dma_start3A_24 : memref<40xi32, #tpu.memory_space<vmem>>) semaphore(%arg29 : memref<!tpu.dma_semaphore, #tpu.memory_space<semaphore_mem>>)
      %add3A_28 = arith.constant 1 : i32
      %add3A_29 = arith.addi %mul3A_13, %add3A_28 : i32
      %mul3A_30 = arith.constant 40 : i32
      %mul3A_31 = arith.muli %add3A_29, %mul3A_30 : i32
      %add3A_32 = arith.addi %mul3A_4, %mul3A_31 : i32
      %dma_start3A_33 = tpu.memref_slice %arg4[%add3A_32] : memref<320000xi32, #tpu.memory_space<hbm>> -> memref<40xi32, #tpu.memory_space<hbm>>
      %dma_start3A_34 = tpu.memref_slice %arg4[%add3A_32] : memref<320000xi32, #tpu.memory_space<hbm>> -> memref<40xi32, #tpu.memory_space<hbm>>
      tpu.enqueue_dma source(%dma_start3A_34 : memref<40xi32, #tpu.memory_space<hbm>>) target(%arg9 : memref<40xi32, #tpu.memory_space<vmem>>) target_semaphore(%arg19 : memref<!tpu.dma_semaphore, #tpu.memory_space<semaphore_mem>>)
      %add3A_35 = arith.constant 1 : i32
      %add3A_36 = arith.addi %mul3A_13, %add3A_35 : i32
      %mul3A_37 = arith.constant 40 : i32
      %mul3A_38 = arith.muli %add3A_36, %mul3A_37 : i32
      %dma_start3A_39 = tpu.memref_slice %arg28[%mul3A_38] : memref<10000xi32, #tpu.memory_space<vmem>> -> memref<40xi32, #tpu.memory_space<vmem>>
      %dma_start3A_40 = arith.constant 0 : i32
      %dma_start3A_41 = arith.constant 0 : i32
      %dma_start3A_42 = tpu.memref_slice %arg2[%dma_start3A_40, %dma_start3A_41] : memref<10000x128xf32, #tpu.memory_space<hbm>> -> memref<10000x128xf32, #tpu.memory_space<hbm>>
      tpu.enqueue_indirect_dma source(%dma_start3A_42 : memref<10000x128xf32, #tpu.memory_space<hbm>>) target(%arg14 : memref<40x128xf32, #tpu.memory_space<vmem>>) offsets(%dma_start3A_39 : memref<40xi32, #tpu.memory_space<vmem>>) semaphore(%arg30 : memref<!tpu.dma_semaphore, #tpu.memory_space<semaphore_mem>>)
      %add3A_43 = arith.constant 2 : i32
      %add3A_44 = arith.addi %mul3A_13, %add3A_43 : i32
      %mul3A_45 = arith.constant 40 : i32
      %mul3A_46 = arith.muli %add3A_44, %mul3A_45 : i32
      %add3A_47 = arith.addi %mul3A_4, %mul3A_46 : i32
      %dma_start3A_48 = tpu.memref_slice %arg4[%add3A_47] : memref<320000xi32, #tpu.memory_space<hbm>> -> memref<40xi32, #tpu.memory_space<hbm>>
      %dma_start3A_49 = tpu.memref_slice %arg4[%add3A_47] : memref<320000xi32, #tpu.memory_space<hbm>> -> memref<40xi32, #tpu.memory_space<hbm>>
      tpu.enqueue_dma source(%dma_start3A_49 : memref<40xi32, #tpu.memory_space<hbm>>) target(%arg10 : memref<40xi32, #tpu.memory_space<vmem>>) target_semaphore(%arg20 : memref<!tpu.dma_semaphore, #tpu.memory_space<semaphore_mem>>)
      %add3A_50 = arith.constant 2 : i32
      %add3A_51 = arith.addi %mul3A_13, %add3A_50 : i32
      %mul3A_52 = arith.constant 40 : i32
      %mul3A_53 = arith.muli %add3A_51, %mul3A_52 : i32
      %dma_start3A_54 = tpu.memref_slice %arg28[%mul3A_53] : memref<10000xi32, #tpu.memory_space<vmem>> -> memref<40xi32, #tpu.memory_space<vmem>>
      %dma_start3A_55 = arith.constant 0 : i32
      %dma_start3A_56 = arith.constant 0 : i32
      %dma_start3A_57 = tpu.memref_slice %arg2[%dma_start3A_55, %dma_start3A_56] : memref<10000x128xf32, #tpu.memory_space<hbm>> -> memref<10000x128xf32, #tpu.memory_space<hbm>>
      tpu.enqueue_indirect_dma source(%dma_start3A_57 : memref<10000x128xf32, #tpu.memory_space<hbm>>) target(%arg15 : memref<40x128xf32, #tpu.memory_space<vmem>>) offsets(%dma_start3A_54 : memref<40xi32, #tpu.memory_space<vmem>>) semaphore(%arg31 : memref<!tpu.dma_semaphore, #tpu.memory_space<semaphore_mem>>)
      %add3A_58 = arith.constant 3 : i32
      %add3A_59 = arith.addi %mul3A_13, %add3A_58 : i32
      %mul3A_60 = arith.constant 40 : i32
      %mul3A_61 = arith.muli %add3A_59, %mul3A_60 : i32
      %add3A_62 = arith.addi %mul3A_4, %mul3A_61 : i32
      %dma_start3A_63 = tpu.memref_slice %arg4[%add3A_62] : memref<320000xi32, #tpu.memory_space<hbm>> -> memref<40xi32, #tpu.memory_space<hbm>>
      %dma_start3A_64 = tpu.memref_slice %arg4[%add3A_62] : memref<320000xi32, #tpu.memory_space<hbm>> -> memref<40xi32, #tpu.memory_space<hbm>>
      tpu.enqueue_dma source(%dma_start3A_64 : memref<40xi32, #tpu.memory_space<hbm>>) target(%arg11 : memref<40xi32, #tpu.memory_space<vmem>>) target_semaphore(%arg21 : memref<!tpu.dma_semaphore, #tpu.memory_space<semaphore_mem>>)
      %add3A_65 = arith.constant 3 : i32
      %add3A_66 = arith.addi %mul3A_13, %add3A_65 : i32
      %mul3A_67 = arith.constant 40 : i32
      %mul3A_68 = arith.muli %add3A_66, %mul3A_67 : i32
      %dma_start3A_69 = tpu.memref_slice %arg28[%mul3A_68] : memref<10000xi32, #tpu.memory_space<vmem>> -> memref<40xi32, #tpu.memory_space<vmem>>
      %dma_start3A_70 = arith.constant 0 : i32
      %dma_start3A_71 = arith.constant 0 : i32
      %dma_start3A_72 = tpu.memref_slice %arg2[%dma_start3A_70, %dma_start3A_71] : memref<10000x128xf32, #tpu.memory_space<hbm>> -> memref<10000x128xf32, #tpu.memory_space<hbm>>
      tpu.enqueue_indirect_dma source(%dma_start3A_72 : memref<10000x128xf32, #tpu.memory_space<hbm>>) target(%arg16 : memref<40x128xf32, #tpu.memory_space<vmem>>) offsets(%dma_start3A_69 : memref<40xi32, #tpu.memory_space<vmem>>) semaphore(%arg32 : memref<!tpu.dma_semaphore, #tpu.memory_space<semaphore_mem>>)
      %add3A_73 = arith.constant 4 : i32
      %add3A_74 = arith.addi %mul3A_13, %add3A_73 : i32
      %mul3A_75 = arith.constant 40 : i32
      %mul3A_76 = arith.muli %add3A_74, %mul3A_75 : i32
      %add3A_77 = arith.addi %mul3A_4, %mul3A_76 : i32
      %dma_start3A_78 = tpu.memref_slice %arg4[%add3A_77] : memref<320000xi32, #tpu.memory_space<hbm>> -> memref<40xi32, #tpu.memory_space<hbm>>
      %dma_start3A_79 = tpu.memref_slice %arg4[%add3A_77] : memref<320000xi32, #tpu.memory_space<hbm>> -> memref<40xi32, #tpu.memory_space<hbm>>
      tpu.enqueue_dma source(%dma_start3A_79 : memref<40xi32, #tpu.memory_space<hbm>>) target(%arg12 : memref<40xi32, #tpu.memory_space<vmem>>) target_semaphore(%arg22 : memref<!tpu.dma_semaphore, #tpu.memory_space<semaphore_mem>>)
      %add3A_80 = arith.constant 4 : i32
      %add3A_81 = arith.addi %mul3A_13, %add3A_80 : i32
      %mul3A_82 = arith.constant 40 : i32
      %mul3A_83 = arith.muli %add3A_81, %mul3A_82 : i32
      %dma_start3A_84 = tpu.memref_slice %arg28[%mul3A_83] : memref<10000xi32, #tpu.memory_space<vmem>> -> memref<40xi32, #tpu.memory_space<vmem>>
      %dma_start3A_85 = arith.constant 0 : i32
      %dma_start3A_86 = arith.constant 0 : i32
      %dma_start3A_87 = tpu.memref_slice %arg2[%dma_start3A_85, %dma_start3A_86] : memref<10000x128xf32, #tpu.memory_space<hbm>> -> memref<10000x128xf32, #tpu.memory_space<hbm>>
      tpu.enqueue_indirect_dma source(%dma_start3A_87 : memref<10000x128xf32, #tpu.memory_space<hbm>>) target(%arg17 : memref<40x128xf32, #tpu.memory_space<vmem>>) offsets(%dma_start3A_84 : memref<40xi32, #tpu.memory_space<vmem>>) semaphore(%arg33 : memref<!tpu.dma_semaphore, #tpu.memory_space<semaphore_mem>>)
      %dma_wait3A = tpu.memref_slice %arg4[%add3A_18] : memref<320000xi32, #tpu.memory_space<hbm>> -> memref<40xi32, #tpu.memory_space<hbm>>
      %dma_wait3A_88 = tpu.memref_slice %arg4[%add3A_18] : memref<320000xi32, #tpu.memory_space<hbm>> -> memref<40xi32, #tpu.memory_space<hbm>>
      tpu.wait_dma2 semaphore(%arg18 : memref<!tpu.dma_semaphore, #tpu.memory_space<semaphore_mem>>) src(%dma_wait3A_88 : memref<40xi32, #tpu.memory_space<hbm>>) dst(%arg8 : memref<40xi32, #tpu.memory_space<vmem>>)
      %dma_wait3A_89 = tpu.memref_slice %arg28[%mul3A_23] : memref<10000xi32, #tpu.memory_space<vmem>> -> memref<40xi32, #tpu.memory_space<vmem>>
      %dma_wait3A_90 = arith.constant 0 : i32
      %dma_wait3A_91 = arith.constant 0 : i32
      %dma_wait3A_92 = tpu.memref_slice %arg2[%dma_wait3A_90, %dma_wait3A_91] : memref<10000x128xf32, #tpu.memory_space<hbm>> -> memref<10000x128xf32, #tpu.memory_space<hbm>>
      tpu.wait_indirect_dma semaphore(%arg29 : memref<!tpu.dma_semaphore, #tpu.memory_space<semaphore_mem>>) src(%dma_wait3A_92 : memref<10000x128xf32, #tpu.memory_space<hbm>>) dst(%arg13 : memref<40x128xf32, #tpu.memory_space<vmem>>)
      %dma_start3A_93 = arith.constant 0 : i32
      %dma_start3A_94 = arith.constant 0 : i32
      %dma_start3A_95 = tpu.memref_slice %arg7[%dma_start3A_93, %dma_start3A_94] : memref<10240x128xf32, #tpu.memory_space<vmem_shared>> -> memref<10240x128xf32, #tpu.memory_space<vmem_shared>>
      tpu.enqueue_indirect_dma source(%arg13 : memref<40x128xf32, #tpu.memory_space<vmem>>) target(%dma_start3A_95 : memref<10240x128xf32, #tpu.memory_space<vmem_shared>>) offsets(%arg8 : memref<40xi32, #tpu.memory_space<vmem>>) semaphore(%arg23 : memref<!tpu.dma_semaphore, #tpu.memory_space<semaphore_mem>>) {add = true}
      %dma_wait3A_96 = tpu.memref_slice %arg4[%add3A_32] : memref<320000xi32, #tpu.memory_space<hbm>> -> memref<40xi32, #tpu.memory_space<hbm>>
      %dma_wait3A_97 = tpu.memref_slice %arg4[%add3A_32] : memref<320000xi32, #tpu.memory_space<hbm>> -> memref<40xi32, #tpu.memory_space<hbm>>
      tpu.wait_dma2 semaphore(%arg19 : memref<!tpu.dma_semaphore, #tpu.memory_space<semaphore_mem>>) src(%dma_wait3A_97 : memref<40xi32, #tpu.memory_space<hbm>>) dst(%arg9 : memref<40xi32, #tpu.memory_space<vmem>>)
      %dma_wait3A_98 = tpu.memref_slice %arg28[%mul3A_38] : memref<10000xi32, #tpu.memory_space<vmem>> -> memref<40xi32, #tpu.memory_space<vmem>>
      %dma_wait3A_99 = arith.constant 0 : i32
      %dma_wait3A_100 = arith.constant 0 : i32
      %dma_wait3A_101 = tpu.memref_slice %arg2[%dma_wait3A_99, %dma_wait3A_100] : memref<10000x128xf32, #tpu.memory_space<hbm>> -> memref<10000x128xf32, #tpu.memory_space<hbm>>
      tpu.wait_indirect_dma semaphore(%arg30 : memref<!tpu.dma_semaphore, #tpu.memory_space<semaphore_mem>>) src(%dma_wait3A_101 : memref<10000x128xf32, #tpu.memory_space<hbm>>) dst(%arg14 : memref<40x128xf32, #tpu.memory_space<vmem>>)
      %dma_start3A_102 = arith.constant 0 : i32
      %dma_start3A_103 = arith.constant 0 : i32
      %dma_start3A_104 = tpu.memref_slice %arg7[%dma_start3A_102, %dma_start3A_103] : memref<10240x128xf32, #tpu.memory_space<vmem_shared>> -> memref<10240x128xf32, #tpu.memory_space<vmem_shared>>
      tpu.enqueue_indirect_dma source(%arg14 : memref<40x128xf32, #tpu.memory_space<vmem>>) target(%dma_start3A_104 : memref<10240x128xf32, #tpu.memory_space<vmem_shared>>) offsets(%arg9 : memref<40xi32, #tpu.memory_space<vmem>>) semaphore(%arg24 : memref<!tpu.dma_semaphore, #tpu.memory_space<semaphore_mem>>) {add = true}
      %dma_wait3A_105 = tpu.memref_slice %arg4[%add3A_47] : memref<320000xi32, #tpu.memory_space<hbm>> -> memref<40xi32, #tpu.memory_space<hbm>>
      %dma_wait3A_106 = tpu.memref_slice %arg4[%add3A_47] : memref<320000xi32, #tpu.memory_space<hbm>> -> memref<40xi32, #tpu.memory_space<hbm>>
      tpu.wait_dma2 semaphore(%arg20 : memref<!tpu.dma_semaphore, #tpu.memory_space<semaphore_mem>>) src(%dma_wait3A_106 : memref<40xi32, #tpu.memory_space<hbm>>) dst(%arg10 : memref<40xi32, #tpu.memory_space<vmem>>)
      %dma_wait3A_107 = tpu.memref_slice %arg28[%mul3A_53] : memref<10000xi32, #tpu.memory_space<vmem>> -> memref<40xi32, #tpu.memory_space<vmem>>
      %dma_wait3A_108 = arith.constant 0 : i32
      %dma_wait3A_109 = arith.constant 0 : i32
      %dma_wait3A_110 = tpu.memref_slice %arg2[%dma_wait3A_108, %dma_wait3A_109] : memref<10000x128xf32, #tpu.memory_space<hbm>> -> memref<10000x128xf32, #tpu.memory_space<hbm>>
      tpu.wait_indirect_dma semaphore(%arg31 : memref<!tpu.dma_semaphore, #tpu.memory_space<semaphore_mem>>) src(%dma_wait3A_110 : memref<10000x128xf32, #tpu.memory_space<hbm>>) dst(%arg15 : memref<40x128xf32, #tpu.memory_space<vmem>>)
      %dma_start3A_111 = arith.constant 0 : i32
      %dma_start3A_112 = arith.constant 0 : i32
      %dma_start3A_113 = tpu.memref_slice %arg7[%dma_start3A_111, %dma_start3A_112] : memref<10240x128xf32, #tpu.memory_space<vmem_shared>> -> memref<10240x128xf32, #tpu.memory_space<vmem_shared>>
      tpu.enqueue_indirect_dma source(%arg15 : memref<40x128xf32, #tpu.memory_space<vmem>>) target(%dma_start3A_113 : memref<10240x128xf32, #tpu.memory_space<vmem_shared>>) offsets(%arg10 : memref<40xi32, #tpu.memory_space<vmem>>) semaphore(%arg25 : memref<!tpu.dma_semaphore, #tpu.memory_space<semaphore_mem>>) {add = true}
      %dma_wait3A_114 = tpu.memref_slice %arg4[%add3A_62] : memref<320000xi32, #tpu.memory_space<hbm>> -> memref<40xi32, #tpu.memory_space<hbm>>
      %dma_wait3A_115 = tpu.memref_slice %arg4[%add3A_62] : memref<320000xi32, #tpu.memory_space<hbm>> -> memref<40xi32, #tpu.memory_space<hbm>>
      tpu.wait_dma2 semaphore(%arg21 : memref<!tpu.dma_semaphore, #tpu.memory_space<semaphore_mem>>) src(%dma_wait3A_115 : memref<40xi32, #tpu.memory_space<hbm>>) dst(%arg11 : memref<40xi32, #tpu.memory_space<vmem>>)
      %dma_wait3A_116 = tpu.memref_slice %arg28[%mul3A_68] : memref<10000xi32, #tpu.memory_space<vmem>> -> memref<40xi32, #tpu.memory_space<vmem>>
      %dma_wait3A_117 = arith.constant 0 : i32
      %dma_wait3A_118 = arith.constant 0 : i32
      %dma_wait3A_119 = tpu.memref_slice %arg2[%dma_wait3A_117, %dma_wait3A_118] : memref<10000x128xf32, #tpu.memory_space<hbm>> -> memref<10000x128xf32, #tpu.memory_space<hbm>>
      tpu.wait_indirect_dma semaphore(%arg32 : memref<!tpu.dma_semaphore, #tpu.memory_space<semaphore_mem>>) src(%dma_wait3A_119 : memref<10000x128xf32, #tpu.memory_space<hbm>>) dst(%arg16 : memref<40x128xf32, #tpu.memory_space<vmem>>)
      %dma_start3A_120 = arith.constant 0 : i32
      %dma_start3A_121 = arith.constant 0 : i32
      %dma_start3A_122 = tpu.memref_slice %arg7[%dma_start3A_120, %dma_start3A_121] : memref<10240x128xf32, #tpu.memory_space<vmem_shared>> -> memref<10240x128xf32, #tpu.memory_space<vmem_shared>>
      tpu.enqueue_indirect_dma source(%arg16 : memref<40x128xf32, #tpu.memory_space<vmem>>) target(%dma_start3A_122 : memref<10240x128xf32, #tpu.memory_space<vmem_shared>>) offsets(%arg11 : memref<40xi32, #tpu.memory_space<vmem>>) semaphore(%arg26 : memref<!tpu.dma_semaphore, #tpu.memory_space<semaphore_mem>>) {add = true}
      %dma_wait3A_123 = tpu.memref_slice %arg4[%add3A_77] : memref<320000xi32, #tpu.memory_space<hbm>> -> memref<40xi32, #tpu.memory_space<hbm>>
      %dma_wait3A_124 = tpu.memref_slice %arg4[%add3A_77] : memref<320000xi32, #tpu.memory_space<hbm>> -> memref<40xi32, #tpu.memory_space<hbm>>
      tpu.wait_dma2 semaphore(%arg22 : memref<!tpu.dma_semaphore, #tpu.memory_space<semaphore_mem>>) src(%dma_wait3A_124 : memref<40xi32, #tpu.memory_space<hbm>>) dst(%arg12 : memref<40xi32, #tpu.memory_space<vmem>>)
      %dma_wait3A_125 = tpu.memref_slice %arg28[%mul3A_83] : memref<10000xi32, #tpu.memory_space<vmem>> -> memref<40xi32, #tpu.memory_space<vmem>>
      %dma_wait3A_126 = arith.constant 0 : i32
      %dma_wait3A_127 = arith.constant 0 : i32
      %dma_wait3A_128 = tpu.memref_slice %arg2[%dma_wait3A_126, %dma_wait3A_127] : memref<10000x128xf32, #tpu.memory_space<hbm>> -> memref<10000x128xf32, #tpu.memory_space<hbm>>
      tpu.wait_indirect_dma semaphore(%arg33 : memref<!tpu.dma_semaphore, #tpu.memory_space<semaphore_mem>>) src(%dma_wait3A_128 : memref<10000x128xf32, #tpu.memory_space<hbm>>) dst(%arg17 : memref<40x128xf32, #tpu.memory_space<vmem>>)
      %dma_start3A_129 = arith.constant 0 : i32
      %dma_start3A_130 = arith.constant 0 : i32
      %dma_start3A_131 = tpu.memref_slice %arg7[%dma_start3A_129, %dma_start3A_130] : memref<10240x128xf32, #tpu.memory_space<vmem_shared>> -> memref<10240x128xf32, #tpu.memory_space<vmem_shared>>
      tpu.enqueue_indirect_dma source(%arg17 : memref<40x128xf32, #tpu.memory_space<vmem>>) target(%dma_start3A_131 : memref<10240x128xf32, #tpu.memory_space<vmem_shared>>) offsets(%arg12 : memref<40xi32, #tpu.memory_space<vmem>>) semaphore(%arg27 : memref<!tpu.dma_semaphore, #tpu.memory_space<semaphore_mem>>) {add = true}
      %dma_wait3A_132 = arith.constant 0 : i32
      %dma_wait3A_133 = arith.constant 0 : i32
      %dma_wait3A_134 = tpu.memref_slice %arg7[%dma_wait3A_132, %dma_wait3A_133] : memref<10240x128xf32, #tpu.memory_space<vmem_shared>> -> memref<10240x128xf32, #tpu.memory_space<vmem_shared>>
      tpu.wait_indirect_dma semaphore(%arg23 : memref<!tpu.dma_semaphore, #tpu.memory_space<semaphore_mem>>) src(%arg13 : memref<40x128xf32, #tpu.memory_space<vmem>>) dst(%dma_wait3A_134 : memref<10240x128xf32, #tpu.memory_space<vmem_shared>>)
      %dma_wait3A_135 = arith.constant 0 : i32
      %dma_wait3A_136 = arith.constant 0 : i32
      %dma_wait3A_137 = tpu.memref_slice %arg7[%dma_wait3A_135, %dma_wait3A_136] : memref<10240x128xf32, #tpu.memory_space<vmem_shared>> -> memref<10240x128xf32, #tpu.memory_space<vmem_shared>>
      tpu.wait_indirect_dma semaphore(%arg24 : memref<!tpu.dma_semaphore, #tpu.memory_space<semaphore_mem>>) src(%arg14 : memref<40x128xf32, #tpu.memory_space<vmem>>) dst(%dma_wait3A_137 : memref<10240x128xf32, #tpu.memory_space<vmem_shared>>)
      %dma_wait3A_138 = arith.constant 0 : i32
      %dma_wait3A_139 = arith.constant 0 : i32
      %dma_wait3A_140 = tpu.memref_slice %arg7[%dma_wait3A_138, %dma_wait3A_139] : memref<10240x128xf32, #tpu.memory_space<vmem_shared>> -> memref<10240x128xf32, #tpu.memory_space<vmem_shared>>
      tpu.wait_indirect_dma semaphore(%arg25 : memref<!tpu.dma_semaphore, #tpu.memory_space<semaphore_mem>>) src(%arg15 : memref<40x128xf32, #tpu.memory_space<vmem>>) dst(%dma_wait3A_140 : memref<10240x128xf32, #tpu.memory_space<vmem_shared>>)
      %dma_wait3A_141 = arith.constant 0 : i32
      %dma_wait3A_142 = arith.constant 0 : i32
      %dma_wait3A_143 = tpu.memref_slice %arg7[%dma_wait3A_141, %dma_wait3A_142] : memref<10240x128xf32, #tpu.memory_space<vmem_shared>> -> memref<10240x128xf32, #tpu.memory_space<vmem_shared>>
      tpu.wait_indirect_dma semaphore(%arg26 : memref<!tpu.dma_semaphore, #tpu.memory_space<semaphore_mem>>) src(%arg16 : memref<40x128xf32, #tpu.memory_space<vmem>>) dst(%dma_wait3A_143 : memref<10240x128xf32, #tpu.memory_space<vmem_shared>>)
      %dma_wait3A_144 = arith.constant 0 : i32
      %dma_wait3A_145 = arith.constant 0 : i32
      %dma_wait3A_146 = tpu.memref_slice %arg7[%dma_wait3A_144, %dma_wait3A_145] : memref<10240x128xf32, #tpu.memory_space<vmem_shared>> -> memref<10240x128xf32, #tpu.memory_space<vmem_shared>>
      tpu.wait_indirect_dma semaphore(%arg27 : memref<!tpu.dma_semaphore, #tpu.memory_space<semaphore_mem>>) src(%arg17 : memref<40x128xf32, #tpu.memory_space<vmem>>) dst(%dma_wait3A_146 : memref<10240x128xf32, #tpu.memory_space<vmem_shared>>)
    }
    %scan3A_9 = arith.constant 50 : i32
    %barrier3A_10 = arith.constant 0 : index
    tpu.barrier barrier_id(%barrier3A_10)
    "tpu.region"() ({
      %run_scoped3A = tpu.sem_alloc : memref<!tpu.dma_semaphore, #tpu.memory_space<semaphore_mem>>
      %dma_start3A = arith.constant 0 : i32
      %dma_start3A_11 = arith.constant 0 : i32
      %dma_start3A_12 = tpu.memref_slice %arg6[%arg0, %dma_start3A, %dma_start3A_11] : memref<2x10240x128xf32, #tpu.memory_space<hbm>> -> memref<1x10240x128xf32, #tpu.memory_space<hbm>>
      %dma_start3A_13 = tpu.memref_squeeze %dma_start3A_12 : memref<1x10240x128xf32, #tpu.memory_space<hbm>> -> memref<10240x128xf32, #tpu.memory_space<hbm>>
      %dma_start3A_14 = arith.constant 0 : i32
      %dma_start3A_15 = tpu.memref_slice %dma_start3A_13[%mul3A_2, %dma_start3A_14] : memref<10240x128xf32, #tpu.memory_space<hbm>> -> memref<640x128xf32, #tpu.memory_space<hbm>>
      %dma_start3A_16 = arith.constant 0 : i32
      %dma_start3A_17 = tpu.memref_slice %arg7[%mul3A_2, %dma_start3A_16] : memref<10240x128xf32, #tpu.memory_space<vmem_shared>> -> memref<640x128xf32, #tpu.memory_space<vmem_shared>>
      tpu.enqueue_dma source(%dma_start3A_17 : memref<640x128xf32, #tpu.memory_space<vmem_shared>>) target(%dma_start3A_15 : memref<640x128xf32, #tpu.memory_space<hbm>>) target_semaphore(%run_scoped3A : memref<!tpu.dma_semaphore, #tpu.memory_space<semaphore_mem>>)
      %dma_wait3A = arith.constant 0 : i32
      %dma_wait3A_18 = arith.constant 0 : i32
      %dma_wait3A_19 = tpu.memref_slice %arg6[%arg0, %dma_wait3A, %dma_wait3A_18] : memref<2x10240x128xf32, #tpu.memory_space<hbm>> -> memref<1x10240x128xf32, #tpu.memory_space<hbm>>
      %dma_wait3A_20 = tpu.memref_squeeze %dma_wait3A_19 : memref<1x10240x128xf32, #tpu.memory_space<hbm>> -> memref<10240x128xf32, #tpu.memory_space<hbm>>
      %dma_wait3A_21 = arith.constant 0 : i32
      %dma_wait3A_22 = tpu.memref_slice %dma_wait3A_20[%mul3A_2, %dma_wait3A_21] : memref<10240x128xf32, #tpu.memory_space<hbm>> -> memref<640x128xf32, #tpu.memory_space<hbm>>
      %dma_wait3A_23 = arith.constant 0 : i32
      %dma_wait3A_24 = tpu.memref_slice %arg7[%mul3A_2, %dma_wait3A_23] : memref<10240x128xf32, #tpu.memory_space<vmem_shared>> -> memref<640x128xf32, #tpu.memory_space<vmem_shared>>
      tpu.wait_dma2 semaphore(%run_scoped3A : memref<!tpu.dma_semaphore, #tpu.memory_space<semaphore_mem>>) src(%dma_wait3A_24 : memref<640x128xf32, #tpu.memory_space<vmem_shared>>) dst(%dma_wait3A_22 : memref<640x128xf32, #tpu.memory_space<hbm>>)
      tpu.yield
    }) : () -> ()
    return
  }
}

#map = affine_map<(d0, d1) -> (0, 0)>
#map1 = affine_map<(d0, d1) -> (0)>
#map2 = affine_map<(d0, d1) -> (0, 0, 0)>
module attributes {stable_mosaic.version = 14 : i64} {
  func.func @fn(%arg0: i32, %arg1: i32, %arg2: memref<10000x64xf32, #tpu.memory_space<hbm>>, %arg3: memref<320000xi32, #tpu.memory_space<hbm>>, %arg4: memref<320000xi32, #tpu.memory_space<hbm>>, %arg5: memref<10240x64xf32, #tpu.memory_space<hbm>>, %arg6: memref<2x10240x64xf32, #tpu.memory_space<hbm>>, %arg7: memref<10240x64xf32, #tpu.memory_space<vmem_shared>>, %arg8: memref<80xi32, #tpu.memory_space<vmem>>, %arg9: memref<80xi32, #tpu.memory_space<vmem>>, %arg10: memref<80xi32, #tpu.memory_space<vmem>>, %arg11: memref<80xi32, #tpu.memory_space<vmem>>, %arg12: memref<80xi32, #tpu.memory_space<vmem>>, %arg13: memref<80x64xf32, #tpu.memory_space<vmem>>, %arg14: memref<80x64xf32, #tpu.memory_space<vmem>>, %arg15: memref<80x64xf32, #tpu.memory_space<vmem>>, %arg16: memref<80x64xf32, #tpu.memory_space<vmem>>, %arg17: memref<80x64xf32, #tpu.memory_space<vmem>>, %arg18: memref<!tpu.dma_semaphore, #tpu.memory_space<semaphore_mem>>, %arg19: memref<!tpu.dma_semaphore, #tpu.memory_space<semaphore_mem>>, %arg20: memref<!tpu.dma_semaphore, #tpu.memory_space<semaphore_mem>>, %arg21: memref<!tpu.dma_semaphore, #tpu.memory_space<semaphore_mem>>, %arg22: memref<!tpu.dma_semaphore, #tpu.memory_space<semaphore_mem>>, %arg23: memref<!tpu.dma_semaphore, #tpu.memory_space<semaphore_mem>>, %arg24: memref<!tpu.dma_semaphore, #tpu.memory_space<semaphore_mem>>, %arg25: memref<!tpu.dma_semaphore, #tpu.memory_space<semaphore_mem>>, %arg26: memref<!tpu.dma_semaphore, #tpu.memory_space<semaphore_mem>>, %arg27: memref<!tpu.dma_semaphore, #tpu.memory_space<semaphore_mem>>, %arg28: memref<10000xi32, #tpu.memory_space<vmem>>, %arg29: memref<!tpu.dma_semaphore, #tpu.memory_space<semaphore_mem>>, %arg30: memref<!tpu.dma_semaphore, #tpu.memory_space<semaphore_mem>>, %arg31: memref<!tpu.dma_semaphore, #tpu.memory_space<semaphore_mem>>, %arg32: memref<!tpu.dma_semaphore, #tpu.memory_space<semaphore_mem>>, %arg33: memref<!tpu.dma_semaphore, #tpu.memory_space<semaphore_mem>>) attributes {dimension_semantics = [#tpu.dimension_semantics<core_parallel>, #tpu.dimension_semantics<subcore_parallel>], iteration_bounds = array<i64: 2, 16>, scalar_prefetch = 0 : i64, scratch_operands = 27 : i64, tpu.core_type = #tpu.core_type<sc_vector_subcore>, window_params = [{transform_indices = #map}, {transform_indices = #map1}, {transform_indices = #map1}, {transform_indices = #map}, {transform_indices = #map2}]} {
    %mul3A = arith.constant 16 : i32
    %mul3A_0 = arith.muli %arg0, %mul3A : i32
    %add3A = arith.addi %mul3A_0, %arg1 : i32
    %mul3A_1 = arith.constant 640 : i32
    %mul3A_2 = arith.muli %arg1, %mul3A_1 : i32
    %mul3A_3 = arith.constant 10000 : i32
    %mul3A_4 = arith.muli %add3A, %mul3A_3 : i32
    "tpu.region"() ({
      %run_scoped3A = tpu.sem_alloc : memref<!tpu.dma_semaphore, #tpu.memory_space<semaphore_mem>>
      %dma_start3A = arith.constant 0 : i32
      %dma_start3A_11 = tpu.memref_slice %arg7[%mul3A_2, %dma_start3A] : memref<10240x64xf32, #tpu.memory_space<vmem_shared>> -> memref<640x64xf32, #tpu.memory_space<vmem_shared>>
      %dma_start3A_12 = arith.constant 0 : i32
      %dma_start3A_13 = tpu.memref_slice %arg5[%mul3A_2, %dma_start3A_12] : memref<10240x64xf32, #tpu.memory_space<hbm>> -> memref<640x64xf32, #tpu.memory_space<hbm>>
      tpu.enqueue_dma source(%dma_start3A_13 : memref<640x64xf32, #tpu.memory_space<hbm>>) target(%dma_start3A_11 : memref<640x64xf32, #tpu.memory_space<vmem_shared>>) target_semaphore(%run_scoped3A : memref<!tpu.dma_semaphore, #tpu.memory_space<semaphore_mem>>)
      %dma_wait3A = arith.constant 0 : i32
      %dma_wait3A_14 = tpu.memref_slice %arg7[%mul3A_2, %dma_wait3A] : memref<10240x64xf32, #tpu.memory_space<vmem_shared>> -> memref<640x64xf32, #tpu.memory_space<vmem_shared>>
      %dma_wait3A_15 = arith.constant 0 : i32
      %dma_wait3A_16 = tpu.memref_slice %arg5[%mul3A_2, %dma_wait3A_15] : memref<10240x64xf32, #tpu.memory_space<hbm>> -> memref<640x64xf32, #tpu.memory_space<hbm>>
      tpu.wait_dma2 semaphore(%run_scoped3A : memref<!tpu.dma_semaphore, #tpu.memory_space<semaphore_mem>>) src(%dma_wait3A_16 : memref<640x64xf32, #tpu.memory_space<hbm>>) dst(%dma_wait3A_14 : memref<640x64xf32, #tpu.memory_space<vmem_shared>>)
      tpu.yield
    }) : () -> ()
    "tpu.region"() ({
      %run_scoped3A = tpu.sem_alloc : memref<!tpu.dma_semaphore, #tpu.memory_space<semaphore_mem>>
      %dma_start3A = tpu.memref_slice %arg3[%mul3A_4] : memref<320000xi32, #tpu.memory_space<hbm>> -> memref<10000xi32, #tpu.memory_space<hbm>>
      %dma_start3A_11 = tpu.memref_slice %arg3[%mul3A_4] : memref<320000xi32, #tpu.memory_space<hbm>> -> memref<10000xi32, #tpu.memory_space<hbm>>
      tpu.enqueue_dma source(%dma_start3A_11 : memref<10000xi32, #tpu.memory_space<hbm>>) target(%arg28 : memref<10000xi32, #tpu.memory_space<vmem>>) target_semaphore(%run_scoped3A : memref<!tpu.dma_semaphore, #tpu.memory_space<semaphore_mem>>)
      %dma_wait3A = tpu.memref_slice %arg3[%mul3A_4] : memref<320000xi32, #tpu.memory_space<hbm>> -> memref<10000xi32, #tpu.memory_space<hbm>>
      %dma_wait3A_12 = tpu.memref_slice %arg3[%mul3A_4] : memref<320000xi32, #tpu.memory_space<hbm>> -> memref<10000xi32, #tpu.memory_space<hbm>>
      tpu.wait_dma2 semaphore(%run_scoped3A : memref<!tpu.dma_semaphore, #tpu.memory_space<semaphore_mem>>) src(%dma_wait3A_12 : memref<10000xi32, #tpu.memory_space<hbm>>) dst(%arg28 : memref<10000xi32, #tpu.memory_space<vmem>>)
      tpu.yield
    }) : () -> ()
    %barrier3A = arith.constant 0 : index
    tpu.barrier barrier_id(%barrier3A)
    %scan3A = arith.constant 0 : i32
    %scan3A_5 = arith.constant 0 : i32
    %scan3A_6 = arith.constant 25 : i32
    %scan3A_7 = arith.addi %scan3A_5, %scan3A_6 : i32
    %scan3A_8 = arith.constant 1 : i32
    scf.for %scan3A_11 = %scan3A_5 to %scan3A_7 step %scan3A_8  : i32 {
      %mul3A_12 = arith.constant 5 : i32
      %mul3A_13 = arith.muli %scan3A_11, %mul3A_12 : i32
      %add3A_14 = arith.constant 0 : i32
      %add3A_15 = arith.addi %mul3A_13, %add3A_14 : i32
      %mul3A_16 = arith.constant 80 : i32
      %mul3A_17 = arith.muli %add3A_15, %mul3A_16 : i32
      %add3A_18 = arith.addi %mul3A_4, %mul3A_17 : i32
      %dma_start3A = tpu.memref_slice %arg4[%add3A_18] : memref<320000xi32, #tpu.memory_space<hbm>> -> memref<80xi32, #tpu.memory_space<hbm>>
      %dma_start3A_19 = tpu.memref_slice %arg4[%add3A_18] : memref<320000xi32, #tpu.memory_space<hbm>> -> memref<80xi32, #tpu.memory_space<hbm>>
      tpu.enqueue_dma source(%dma_start3A_19 : memref<80xi32, #tpu.memory_space<hbm>>) target(%arg8 : memref<80xi32, #tpu.memory_space<vmem>>) target_semaphore(%arg18 : memref<!tpu.dma_semaphore, #tpu.memory_space<semaphore_mem>>)
      %add3A_20 = arith.constant 0 : i32
      %add3A_21 = arith.addi %mul3A_13, %add3A_20 : i32
      %mul3A_22 = arith.constant 80 : i32
      %mul3A_23 = arith.muli %add3A_21, %mul3A_22 : i32
      %dma_start3A_24 = tpu.memref_slice %arg28[%mul3A_23] : memref<10000xi32, #tpu.memory_space<vmem>> -> memref<80xi32, #tpu.memory_space<vmem>>
      %dma_start3A_25 = arith.constant 0 : i32
      %dma_start3A_26 = arith.constant 0 : i32
      %dma_start3A_27 = tpu.memref_slice %arg2[%dma_start3A_25, %dma_start3A_26] : memref<10000x64xf32, #tpu.memory_space<hbm>> -> memref<10000x64xf32, #tpu.memory_space<hbm>>
      tpu.enqueue_indirect_dma source(%dma_start3A_27 : memref<10000x64xf32, #tpu.memory_space<hbm>>) target(%arg13 : memref<80x64xf32, #tpu.memory_space<vmem>>) offsets(%dma_start3A_24 : memref<80xi32, #tpu.memory_space<vmem>>) semaphore(%arg29 : memref<!tpu.dma_semaphore, #tpu.memory_space<semaphore_mem>>)
      %add3A_28 = arith.constant 1 : i32
      %add3A_29 = arith.addi %mul3A_13, %add3A_28 : i32
      %mul3A_30 = arith.constant 80 : i32
      %mul3A_31 = arith.muli %add3A_29, %mul3A_30 : i32
      %add3A_32 = arith.addi %mul3A_4, %mul3A_31 : i32
      %dma_start3A_33 = tpu.memref_slice %arg4[%add3A_32] : memref<320000xi32, #tpu.memory_space<hbm>> -> memref<80xi32, #tpu.memory_space<hbm>>
      %dma_start3A_34 = tpu.memref_slice %arg4[%add3A_32] : memref<320000xi32, #tpu.memory_space<hbm>> -> memref<80xi32, #tpu.memory_space<hbm>>
      tpu.enqueue_dma source(%dma_start3A_34 : memref<80xi32, #tpu.memory_space<hbm>>) target(%arg9 : memref<80xi32, #tpu.memory_space<vmem>>) target_semaphore(%arg19 : memref<!tpu.dma_semaphore, #tpu.memory_space<semaphore_mem>>)
      %add3A_35 = arith.constant 1 : i32
      %add3A_36 = arith.addi %mul3A_13, %add3A_35 : i32
      %mul3A_37 = arith.constant 80 : i32
      %mul3A_38 = arith.muli %add3A_36, %mul3A_37 : i32
      %dma_start3A_39 = tpu.memref_slice %arg28[%mul3A_38] : memref<10000xi32, #tpu.memory_space<vmem>> -> memref<80xi32, #tpu.memory_space<vmem>>
      %dma_start3A_40 = arith.constant 0 : i32
      %dma_start3A_41 = arith.constant 0 : i32
      %dma_start3A_42 = tpu.memref_slice %arg2[%dma_start3A_40, %dma_start3A_41] : memref<10000x64xf32, #tpu.memory_space<hbm>> -> memref<10000x64xf32, #tpu.memory_space<hbm>>
      tpu.enqueue_indirect_dma source(%dma_start3A_42 : memref<10000x64xf32, #tpu.memory_space<hbm>>) target(%arg14 : memref<80x64xf32, #tpu.memory_space<vmem>>) offsets(%dma_start3A_39 : memref<80xi32, #tpu.memory_space<vmem>>) semaphore(%arg30 : memref<!tpu.dma_semaphore, #tpu.memory_space<semaphore_mem>>)
      %add3A_43 = arith.constant 2 : i32
      %add3A_44 = arith.addi %mul3A_13, %add3A_43 : i32
      %mul3A_45 = arith.constant 80 : i32
      %mul3A_46 = arith.muli %add3A_44, %mul3A_45 : i32
      %add3A_47 = arith.addi %mul3A_4, %mul3A_46 : i32
      %dma_start3A_48 = tpu.memref_slice %arg4[%add3A_47] : memref<320000xi32, #tpu.memory_space<hbm>> -> memref<80xi32, #tpu.memory_space<hbm>>
      %dma_start3A_49 = tpu.memref_slice %arg4[%add3A_47] : memref<320000xi32, #tpu.memory_space<hbm>> -> memref<80xi32, #tpu.memory_space<hbm>>
      tpu.enqueue_dma source(%dma_start3A_49 : memref<80xi32, #tpu.memory_space<hbm>>) target(%arg10 : memref<80xi32, #tpu.memory_space<vmem>>) target_semaphore(%arg20 : memref<!tpu.dma_semaphore, #tpu.memory_space<semaphore_mem>>)
      %add3A_50 = arith.constant 2 : i32
      %add3A_51 = arith.addi %mul3A_13, %add3A_50 : i32
      %mul3A_52 = arith.constant 80 : i32
      %mul3A_53 = arith.muli %add3A_51, %mul3A_52 : i32
      %dma_start3A_54 = tpu.memref_slice %arg28[%mul3A_53] : memref<10000xi32, #tpu.memory_space<vmem>> -> memref<80xi32, #tpu.memory_space<vmem>>
      %dma_start3A_55 = arith.constant 0 : i32
      %dma_start3A_56 = arith.constant 0 : i32
      %dma_start3A_57 = tpu.memref_slice %arg2[%dma_start3A_55, %dma_start3A_56] : memref<10000x64xf32, #tpu.memory_space<hbm>> -> memref<10000x64xf32, #tpu.memory_space<hbm>>
      tpu.enqueue_indirect_dma source(%dma_start3A_57 : memref<10000x64xf32, #tpu.memory_space<hbm>>) target(%arg15 : memref<80x64xf32, #tpu.memory_space<vmem>>) offsets(%dma_start3A_54 : memref<80xi32, #tpu.memory_space<vmem>>) semaphore(%arg31 : memref<!tpu.dma_semaphore, #tpu.memory_space<semaphore_mem>>)
      %add3A_58 = arith.constant 3 : i32
      %add3A_59 = arith.addi %mul3A_13, %add3A_58 : i32
      %mul3A_60 = arith.constant 80 : i32
      %mul3A_61 = arith.muli %add3A_59, %mul3A_60 : i32
      %add3A_62 = arith.addi %mul3A_4, %mul3A_61 : i32
      %dma_start3A_63 = tpu.memref_slice %arg4[%add3A_62] : memref<320000xi32, #tpu.memory_space<hbm>> -> memref<80xi32, #tpu.memory_space<hbm>>
      %dma_start3A_64 = tpu.memref_slice %arg4[%add3A_62] : memref<320000xi32, #tpu.memory_space<hbm>> -> memref<80xi32, #tpu.memory_space<hbm>>
      tpu.enqueue_dma source(%dma_start3A_64 : memref<80xi32, #tpu.memory_space<hbm>>) target(%arg11 : memref<80xi32, #tpu.memory_space<vmem>>) target_semaphore(%arg21 : memref<!tpu.dma_semaphore, #tpu.memory_space<semaphore_mem>>)
      %add3A_65 = arith.constant 3 : i32
      %add3A_66 = arith.addi %mul3A_13, %add3A_65 : i32
      %mul3A_67 = arith.constant 80 : i32
      %mul3A_68 = arith.muli %add3A_66, %mul3A_67 : i32
      %dma_start3A_69 = tpu.memref_slice %arg28[%mul3A_68] : memref<10000xi32, #tpu.memory_space<vmem>> -> memref<80xi32, #tpu.memory_space<vmem>>
      %dma_start3A_70 = arith.constant 0 : i32
      %dma_start3A_71 = arith.constant 0 : i32
      %dma_start3A_72 = tpu.memref_slice %arg2[%dma_start3A_70, %dma_start3A_71] : memref<10000x64xf32, #tpu.memory_space<hbm>> -> memref<10000x64xf32, #tpu.memory_space<hbm>>
      tpu.enqueue_indirect_dma source(%dma_start3A_72 : memref<10000x64xf32, #tpu.memory_space<hbm>>) target(%arg16 : memref<80x64xf32, #tpu.memory_space<vmem>>) offsets(%dma_start3A_69 : memref<80xi32, #tpu.memory_space<vmem>>) semaphore(%arg32 : memref<!tpu.dma_semaphore, #tpu.memory_space<semaphore_mem>>)
      %add3A_73 = arith.constant 4 : i32
      %add3A_74 = arith.addi %mul3A_13, %add3A_73 : i32
      %mul3A_75 = arith.constant 80 : i32
      %mul3A_76 = arith.muli %add3A_74, %mul3A_75 : i32
      %add3A_77 = arith.addi %mul3A_4, %mul3A_76 : i32
      %dma_start3A_78 = tpu.memref_slice %arg4[%add3A_77] : memref<320000xi32, #tpu.memory_space<hbm>> -> memref<80xi32, #tpu.memory_space<hbm>>
      %dma_start3A_79 = tpu.memref_slice %arg4[%add3A_77] : memref<320000xi32, #tpu.memory_space<hbm>> -> memref<80xi32, #tpu.memory_space<hbm>>
      tpu.enqueue_dma source(%dma_start3A_79 : memref<80xi32, #tpu.memory_space<hbm>>) target(%arg12 : memref<80xi32, #tpu.memory_space<vmem>>) target_semaphore(%arg22 : memref<!tpu.dma_semaphore, #tpu.memory_space<semaphore_mem>>)
      %add3A_80 = arith.constant 4 : i32
      %add3A_81 = arith.addi %mul3A_13, %add3A_80 : i32
      %mul3A_82 = arith.constant 80 : i32
      %mul3A_83 = arith.muli %add3A_81, %mul3A_82 : i32
      %dma_start3A_84 = tpu.memref_slice %arg28[%mul3A_83] : memref<10000xi32, #tpu.memory_space<vmem>> -> memref<80xi32, #tpu.memory_space<vmem>>
      %dma_start3A_85 = arith.constant 0 : i32
      %dma_start3A_86 = arith.constant 0 : i32
      %dma_start3A_87 = tpu.memref_slice %arg2[%dma_start3A_85, %dma_start3A_86] : memref<10000x64xf32, #tpu.memory_space<hbm>> -> memref<10000x64xf32, #tpu.memory_space<hbm>>
      tpu.enqueue_indirect_dma source(%dma_start3A_87 : memref<10000x64xf32, #tpu.memory_space<hbm>>) target(%arg17 : memref<80x64xf32, #tpu.memory_space<vmem>>) offsets(%dma_start3A_84 : memref<80xi32, #tpu.memory_space<vmem>>) semaphore(%arg33 : memref<!tpu.dma_semaphore, #tpu.memory_space<semaphore_mem>>)
      %dma_wait3A = tpu.memref_slice %arg4[%add3A_18] : memref<320000xi32, #tpu.memory_space<hbm>> -> memref<80xi32, #tpu.memory_space<hbm>>
      %dma_wait3A_88 = tpu.memref_slice %arg4[%add3A_18] : memref<320000xi32, #tpu.memory_space<hbm>> -> memref<80xi32, #tpu.memory_space<hbm>>
      tpu.wait_dma2 semaphore(%arg18 : memref<!tpu.dma_semaphore, #tpu.memory_space<semaphore_mem>>) src(%dma_wait3A_88 : memref<80xi32, #tpu.memory_space<hbm>>) dst(%arg8 : memref<80xi32, #tpu.memory_space<vmem>>)
      %dma_wait3A_89 = tpu.memref_slice %arg28[%mul3A_23] : memref<10000xi32, #tpu.memory_space<vmem>> -> memref<80xi32, #tpu.memory_space<vmem>>
      %dma_wait3A_90 = arith.constant 0 : i32
      %dma_wait3A_91 = arith.constant 0 : i32
      %dma_wait3A_92 = tpu.memref_slice %arg2[%dma_wait3A_90, %dma_wait3A_91] : memref<10000x64xf32, #tpu.memory_space<hbm>> -> memref<10000x64xf32, #tpu.memory_space<hbm>>
      tpu.wait_indirect_dma semaphore(%arg29 : memref<!tpu.dma_semaphore, #tpu.memory_space<semaphore_mem>>) src(%dma_wait3A_92 : memref<10000x64xf32, #tpu.memory_space<hbm>>) dst(%arg13 : memref<80x64xf32, #tpu.memory_space<vmem>>)
      %dma_start3A_93 = arith.constant 0 : i32
      %dma_start3A_94 = arith.constant 0 : i32
      %dma_start3A_95 = tpu.memref_slice %arg7[%dma_start3A_93, %dma_start3A_94] : memref<10240x64xf32, #tpu.memory_space<vmem_shared>> -> memref<10240x64xf32, #tpu.memory_space<vmem_shared>>
      tpu.enqueue_indirect_dma source(%arg13 : memref<80x64xf32, #tpu.memory_space<vmem>>) target(%dma_start3A_95 : memref<10240x64xf32, #tpu.memory_space<vmem_shared>>) offsets(%arg8 : memref<80xi32, #tpu.memory_space<vmem>>) semaphore(%arg23 : memref<!tpu.dma_semaphore, #tpu.memory_space<semaphore_mem>>) {add = true}
      %dma_wait3A_96 = tpu.memref_slice %arg4[%add3A_32] : memref<320000xi32, #tpu.memory_space<hbm>> -> memref<80xi32, #tpu.memory_space<hbm>>
      %dma_wait3A_97 = tpu.memref_slice %arg4[%add3A_32] : memref<320000xi32, #tpu.memory_space<hbm>> -> memref<80xi32, #tpu.memory_space<hbm>>
      tpu.wait_dma2 semaphore(%arg19 : memref<!tpu.dma_semaphore, #tpu.memory_space<semaphore_mem>>) src(%dma_wait3A_97 : memref<80xi32, #tpu.memory_space<hbm>>) dst(%arg9 : memref<80xi32, #tpu.memory_space<vmem>>)
      %dma_wait3A_98 = tpu.memref_slice %arg28[%mul3A_38] : memref<10000xi32, #tpu.memory_space<vmem>> -> memref<80xi32, #tpu.memory_space<vmem>>
      %dma_wait3A_99 = arith.constant 0 : i32
      %dma_wait3A_100 = arith.constant 0 : i32
      %dma_wait3A_101 = tpu.memref_slice %arg2[%dma_wait3A_99, %dma_wait3A_100] : memref<10000x64xf32, #tpu.memory_space<hbm>> -> memref<10000x64xf32, #tpu.memory_space<hbm>>
      tpu.wait_indirect_dma semaphore(%arg30 : memref<!tpu.dma_semaphore, #tpu.memory_space<semaphore_mem>>) src(%dma_wait3A_101 : memref<10000x64xf32, #tpu.memory_space<hbm>>) dst(%arg14 : memref<80x64xf32, #tpu.memory_space<vmem>>)
      %dma_start3A_102 = arith.constant 0 : i32
      %dma_start3A_103 = arith.constant 0 : i32
      %dma_start3A_104 = tpu.memref_slice %arg7[%dma_start3A_102, %dma_start3A_103] : memref<10240x64xf32, #tpu.memory_space<vmem_shared>> -> memref<10240x64xf32, #tpu.memory_space<vmem_shared>>
      tpu.enqueue_indirect_dma source(%arg14 : memref<80x64xf32, #tpu.memory_space<vmem>>) target(%dma_start3A_104 : memref<10240x64xf32, #tpu.memory_space<vmem_shared>>) offsets(%arg9 : memref<80xi32, #tpu.memory_space<vmem>>) semaphore(%arg24 : memref<!tpu.dma_semaphore, #tpu.memory_space<semaphore_mem>>) {add = true}
      %dma_wait3A_105 = tpu.memref_slice %arg4[%add3A_47] : memref<320000xi32, #tpu.memory_space<hbm>> -> memref<80xi32, #tpu.memory_space<hbm>>
      %dma_wait3A_106 = tpu.memref_slice %arg4[%add3A_47] : memref<320000xi32, #tpu.memory_space<hbm>> -> memref<80xi32, #tpu.memory_space<hbm>>
      tpu.wait_dma2 semaphore(%arg20 : memref<!tpu.dma_semaphore, #tpu.memory_space<semaphore_mem>>) src(%dma_wait3A_106 : memref<80xi32, #tpu.memory_space<hbm>>) dst(%arg10 : memref<80xi32, #tpu.memory_space<vmem>>)
      %dma_wait3A_107 = tpu.memref_slice %arg28[%mul3A_53] : memref<10000xi32, #tpu.memory_space<vmem>> -> memref<80xi32, #tpu.memory_space<vmem>>
      %dma_wait3A_108 = arith.constant 0 : i32
      %dma_wait3A_109 = arith.constant 0 : i32
      %dma_wait3A_110 = tpu.memref_slice %arg2[%dma_wait3A_108, %dma_wait3A_109] : memref<10000x64xf32, #tpu.memory_space<hbm>> -> memref<10000x64xf32, #tpu.memory_space<hbm>>
      tpu.wait_indirect_dma semaphore(%arg31 : memref<!tpu.dma_semaphore, #tpu.memory_space<semaphore_mem>>) src(%dma_wait3A_110 : memref<10000x64xf32, #tpu.memory_space<hbm>>) dst(%arg15 : memref<80x64xf32, #tpu.memory_space<vmem>>)
      %dma_start3A_111 = arith.constant 0 : i32
      %dma_start3A_112 = arith.constant 0 : i32
      %dma_start3A_113 = tpu.memref_slice %arg7[%dma_start3A_111, %dma_start3A_112] : memref<10240x64xf32, #tpu.memory_space<vmem_shared>> -> memref<10240x64xf32, #tpu.memory_space<vmem_shared>>
      tpu.enqueue_indirect_dma source(%arg15 : memref<80x64xf32, #tpu.memory_space<vmem>>) target(%dma_start3A_113 : memref<10240x64xf32, #tpu.memory_space<vmem_shared>>) offsets(%arg10 : memref<80xi32, #tpu.memory_space<vmem>>) semaphore(%arg25 : memref<!tpu.dma_semaphore, #tpu.memory_space<semaphore_mem>>) {add = true}
      %dma_wait3A_114 = tpu.memref_slice %arg4[%add3A_62] : memref<320000xi32, #tpu.memory_space<hbm>> -> memref<80xi32, #tpu.memory_space<hbm>>
      %dma_wait3A_115 = tpu.memref_slice %arg4[%add3A_62] : memref<320000xi32, #tpu.memory_space<hbm>> -> memref<80xi32, #tpu.memory_space<hbm>>
      tpu.wait_dma2 semaphore(%arg21 : memref<!tpu.dma_semaphore, #tpu.memory_space<semaphore_mem>>) src(%dma_wait3A_115 : memref<80xi32, #tpu.memory_space<hbm>>) dst(%arg11 : memref<80xi32, #tpu.memory_space<vmem>>)
      %dma_wait3A_116 = tpu.memref_slice %arg28[%mul3A_68] : memref<10000xi32, #tpu.memory_space<vmem>> -> memref<80xi32, #tpu.memory_space<vmem>>
      %dma_wait3A_117 = arith.constant 0 : i32
      %dma_wait3A_118 = arith.constant 0 : i32
      %dma_wait3A_119 = tpu.memref_slice %arg2[%dma_wait3A_117, %dma_wait3A_118] : memref<10000x64xf32, #tpu.memory_space<hbm>> -> memref<10000x64xf32, #tpu.memory_space<hbm>>
      tpu.wait_indirect_dma semaphore(%arg32 : memref<!tpu.dma_semaphore, #tpu.memory_space<semaphore_mem>>) src(%dma_wait3A_119 : memref<10000x64xf32, #tpu.memory_space<hbm>>) dst(%arg16 : memref<80x64xf32, #tpu.memory_space<vmem>>)
      %dma_start3A_120 = arith.constant 0 : i32
      %dma_start3A_121 = arith.constant 0 : i32
      %dma_start3A_122 = tpu.memref_slice %arg7[%dma_start3A_120, %dma_start3A_121] : memref<10240x64xf32, #tpu.memory_space<vmem_shared>> -> memref<10240x64xf32, #tpu.memory_space<vmem_shared>>
      tpu.enqueue_indirect_dma source(%arg16 : memref<80x64xf32, #tpu.memory_space<vmem>>) target(%dma_start3A_122 : memref<10240x64xf32, #tpu.memory_space<vmem_shared>>) offsets(%arg11 : memref<80xi32, #tpu.memory_space<vmem>>) semaphore(%arg26 : memref<!tpu.dma_semaphore, #tpu.memory_space<semaphore_mem>>) {add = true}
      %dma_wait3A_123 = tpu.memref_slice %arg4[%add3A_77] : memref<320000xi32, #tpu.memory_space<hbm>> -> memref<80xi32, #tpu.memory_space<hbm>>
      %dma_wait3A_124 = tpu.memref_slice %arg4[%add3A_77] : memref<320000xi32, #tpu.memory_space<hbm>> -> memref<80xi32, #tpu.memory_space<hbm>>
      tpu.wait_dma2 semaphore(%arg22 : memref<!tpu.dma_semaphore, #tpu.memory_space<semaphore_mem>>) src(%dma_wait3A_124 : memref<80xi32, #tpu.memory_space<hbm>>) dst(%arg12 : memref<80xi32, #tpu.memory_space<vmem>>)
      %dma_wait3A_125 = tpu.memref_slice %arg28[%mul3A_83] : memref<10000xi32, #tpu.memory_space<vmem>> -> memref<80xi32, #tpu.memory_space<vmem>>
      %dma_wait3A_126 = arith.constant 0 : i32
      %dma_wait3A_127 = arith.constant 0 : i32
      %dma_wait3A_128 = tpu.memref_slice %arg2[%dma_wait3A_126, %dma_wait3A_127] : memref<10000x64xf32, #tpu.memory_space<hbm>> -> memref<10000x64xf32, #tpu.memory_space<hbm>>
      tpu.wait_indirect_dma semaphore(%arg33 : memref<!tpu.dma_semaphore, #tpu.memory_space<semaphore_mem>>) src(%dma_wait3A_128 : memref<10000x64xf32, #tpu.memory_space<hbm>>) dst(%arg17 : memref<80x64xf32, #tpu.memory_space<vmem>>)
      %dma_start3A_129 = arith.constant 0 : i32
      %dma_start3A_130 = arith.constant 0 : i32
      %dma_start3A_131 = tpu.memref_slice %arg7[%dma_start3A_129, %dma_start3A_130] : memref<10240x64xf32, #tpu.memory_space<vmem_shared>> -> memref<10240x64xf32, #tpu.memory_space<vmem_shared>>
      tpu.enqueue_indirect_dma source(%arg17 : memref<80x64xf32, #tpu.memory_space<vmem>>) target(%dma_start3A_131 : memref<10240x64xf32, #tpu.memory_space<vmem_shared>>) offsets(%arg12 : memref<80xi32, #tpu.memory_space<vmem>>) semaphore(%arg27 : memref<!tpu.dma_semaphore, #tpu.memory_space<semaphore_mem>>) {add = true}
      %dma_wait3A_132 = arith.constant 0 : i32
      %dma_wait3A_133 = arith.constant 0 : i32
      %dma_wait3A_134 = tpu.memref_slice %arg7[%dma_wait3A_132, %dma_wait3A_133] : memref<10240x64xf32, #tpu.memory_space<vmem_shared>> -> memref<10240x64xf32, #tpu.memory_space<vmem_shared>>
      tpu.wait_indirect_dma semaphore(%arg23 : memref<!tpu.dma_semaphore, #tpu.memory_space<semaphore_mem>>) src(%arg13 : memref<80x64xf32, #tpu.memory_space<vmem>>) dst(%dma_wait3A_134 : memref<10240x64xf32, #tpu.memory_space<vmem_shared>>)
      %dma_wait3A_135 = arith.constant 0 : i32
      %dma_wait3A_136 = arith.constant 0 : i32
      %dma_wait3A_137 = tpu.memref_slice %arg7[%dma_wait3A_135, %dma_wait3A_136] : memref<10240x64xf32, #tpu.memory_space<vmem_shared>> -> memref<10240x64xf32, #tpu.memory_space<vmem_shared>>
      tpu.wait_indirect_dma semaphore(%arg24 : memref<!tpu.dma_semaphore, #tpu.memory_space<semaphore_mem>>) src(%arg14 : memref<80x64xf32, #tpu.memory_space<vmem>>) dst(%dma_wait3A_137 : memref<10240x64xf32, #tpu.memory_space<vmem_shared>>)
      %dma_wait3A_138 = arith.constant 0 : i32
      %dma_wait3A_139 = arith.constant 0 : i32
      %dma_wait3A_140 = tpu.memref_slice %arg7[%dma_wait3A_138, %dma_wait3A_139] : memref<10240x64xf32, #tpu.memory_space<vmem_shared>> -> memref<10240x64xf32, #tpu.memory_space<vmem_shared>>
      tpu.wait_indirect_dma semaphore(%arg25 : memref<!tpu.dma_semaphore, #tpu.memory_space<semaphore_mem>>) src(%arg15 : memref<80x64xf32, #tpu.memory_space<vmem>>) dst(%dma_wait3A_140 : memref<10240x64xf32, #tpu.memory_space<vmem_shared>>)
      %dma_wait3A_141 = arith.constant 0 : i32
      %dma_wait3A_142 = arith.constant 0 : i32
      %dma_wait3A_143 = tpu.memref_slice %arg7[%dma_wait3A_141, %dma_wait3A_142] : memref<10240x64xf32, #tpu.memory_space<vmem_shared>> -> memref<10240x64xf32, #tpu.memory_space<vmem_shared>>
      tpu.wait_indirect_dma semaphore(%arg26 : memref<!tpu.dma_semaphore, #tpu.memory_space<semaphore_mem>>) src(%arg16 : memref<80x64xf32, #tpu.memory_space<vmem>>) dst(%dma_wait3A_143 : memref<10240x64xf32, #tpu.memory_space<vmem_shared>>)
      %dma_wait3A_144 = arith.constant 0 : i32
      %dma_wait3A_145 = arith.constant 0 : i32
      %dma_wait3A_146 = tpu.memref_slice %arg7[%dma_wait3A_144, %dma_wait3A_145] : memref<10240x64xf32, #tpu.memory_space<vmem_shared>> -> memref<10240x64xf32, #tpu.memory_space<vmem_shared>>
      tpu.wait_indirect_dma semaphore(%arg27 : memref<!tpu.dma_semaphore, #tpu.memory_space<semaphore_mem>>) src(%arg17 : memref<80x64xf32, #tpu.memory_space<vmem>>) dst(%dma_wait3A_146 : memref<10240x64xf32, #tpu.memory_space<vmem_shared>>)
    }
    %scan3A_9 = arith.constant 25 : i32
    %barrier3A_10 = arith.constant 0 : index
    tpu.barrier barrier_id(%barrier3A_10)
    "tpu.region"() ({
      %run_scoped3A = tpu.sem_alloc : memref<!tpu.dma_semaphore, #tpu.memory_space<semaphore_mem>>
      %dma_start3A = arith.constant 0 : i32
      %dma_start3A_11 = arith.constant 0 : i32
      %dma_start3A_12 = tpu.memref_slice %arg6[%arg0, %dma_start3A, %dma_start3A_11] : memref<2x10240x64xf32, #tpu.memory_space<hbm>> -> memref<1x10240x64xf32, #tpu.memory_space<hbm>>
      %dma_start3A_13 = tpu.memref_squeeze %dma_start3A_12 : memref<1x10240x64xf32, #tpu.memory_space<hbm>> -> memref<10240x64xf32, #tpu.memory_space<hbm>>
      %dma_start3A_14 = arith.constant 0 : i32
      %dma_start3A_15 = tpu.memref_slice %dma_start3A_13[%mul3A_2, %dma_start3A_14] : memref<10240x64xf32, #tpu.memory_space<hbm>> -> memref<640x64xf32, #tpu.memory_space<hbm>>
      %dma_start3A_16 = arith.constant 0 : i32
      %dma_start3A_17 = tpu.memref_slice %arg7[%mul3A_2, %dma_start3A_16] : memref<10240x64xf32, #tpu.memory_space<vmem_shared>> -> memref<640x64xf32, #tpu.memory_space<vmem_shared>>
      tpu.enqueue_dma source(%dma_start3A_17 : memref<640x64xf32, #tpu.memory_space<vmem_shared>>) target(%dma_start3A_15 : memref<640x64xf32, #tpu.memory_space<hbm>>) target_semaphore(%run_scoped3A : memref<!tpu.dma_semaphore, #tpu.memory_space<semaphore_mem>>)
      %dma_wait3A = arith.constant 0 : i32
      %dma_wait3A_18 = arith.constant 0 : i32
      %dma_wait3A_19 = tpu.memref_slice %arg6[%arg0, %dma_wait3A, %dma_wait3A_18] : memref<2x10240x64xf32, #tpu.memory_space<hbm>> -> memref<1x10240x64xf32, #tpu.memory_space<hbm>>
      %dma_wait3A_20 = tpu.memref_squeeze %dma_wait3A_19 : memref<1x10240x64xf32, #tpu.memory_space<hbm>> -> memref<10240x64xf32, #tpu.memory_space<hbm>>
      %dma_wait3A_21 = arith.constant 0 : i32
      %dma_wait3A_22 = tpu.memref_slice %dma_wait3A_20[%mul3A_2, %dma_wait3A_21] : memref<10240x64xf32, #tpu.memory_space<hbm>> -> memref<640x64xf32, #tpu.memory_space<hbm>>
      %dma_wait3A_23 = arith.constant 0 : i32
      %dma_wait3A_24 = tpu.memref_slice %arg7[%mul3A_2, %dma_wait3A_23] : memref<10240x64xf32, #tpu.memory_space<vmem_shared>> -> memref<640x64xf32, #tpu.memory_space<vmem_shared>>
      tpu.wait_dma2 semaphore(%run_scoped3A : memref<!tpu.dma_semaphore, #tpu.memory_space<semaphore_mem>>) src(%dma_wait3A_24 : memref<640x64xf32, #tpu.memory_space<vmem_shared>>) dst(%dma_wait3A_22 : memref<640x64xf32, #tpu.memory_space<hbm>>)
      tpu.yield
    }) : () -> ()
    return
  }
}

#map = affine_map<(d0, d1) -> (0, 0)>
#map1 = affine_map<(d0, d1) -> (0)>
#map2 = affine_map<(d0, d1) -> (0, 0, 0)>
module attributes {stable_mosaic.version = 14 : i64} {
  func.func @fn(%arg0: i32, %arg1: i32, %arg2: memref<10000x128xf32, #tpu.memory_space<hbm>>, %arg3: memref<320000xi32, #tpu.memory_space<hbm>>, %arg4: memref<320000xi32, #tpu.memory_space<hbm>>, %arg5: memref<10240x128xf32, #tpu.memory_space<hbm>>, %arg6: memref<2x10240x128xf32, #tpu.memory_space<hbm>>, %arg7: memref<10240x128xf32, #tpu.memory_space<vmem_shared>>, %arg8: memref<40xi32, #tpu.memory_space<vmem>>, %arg9: memref<40xi32, #tpu.memory_space<vmem>>, %arg10: memref<40xi32, #tpu.memory_space<vmem>>, %arg11: memref<40xi32, #tpu.memory_space<vmem>>, %arg12: memref<40xi32, #tpu.memory_space<vmem>>, %arg13: memref<40x128xf32, #tpu.memory_space<vmem>>, %arg14: memref<40x128xf32, #tpu.memory_space<vmem>>, %arg15: memref<40x128xf32, #tpu.memory_space<vmem>>, %arg16: memref<40x128xf32, #tpu.memory_space<vmem>>, %arg17: memref<40x128xf32, #tpu.memory_space<vmem>>, %arg18: memref<!tpu.dma_semaphore, #tpu.memory_space<semaphore_mem>>, %arg19: memref<!tpu.dma_semaphore, #tpu.memory_space<semaphore_mem>>, %arg20: memref<!tpu.dma_semaphore, #tpu.memory_space<semaphore_mem>>, %arg21: memref<!tpu.dma_semaphore, #tpu.memory_space<semaphore_mem>>, %arg22: memref<!tpu.dma_semaphore, #tpu.memory_space<semaphore_mem>>, %arg23: memref<!tpu.dma_semaphore, #tpu.memory_space<semaphore_mem>>, %arg24: memref<!tpu.dma_semaphore, #tpu.memory_space<semaphore_mem>>, %arg25: memref<!tpu.dma_semaphore, #tpu.memory_space<semaphore_mem>>, %arg26: memref<!tpu.dma_semaphore, #tpu.memory_space<semaphore_mem>>, %arg27: memref<!tpu.dma_semaphore, #tpu.memory_space<semaphore_mem>>, %arg28: memref<10000xi32, #tpu.memory_space<vmem>>, %arg29: memref<!tpu.dma_semaphore, #tpu.memory_space<semaphore_mem>>, %arg30: memref<!tpu.dma_semaphore, #tpu.memory_space<semaphore_mem>>, %arg31: memref<!tpu.dma_semaphore, #tpu.memory_space<semaphore_mem>>, %arg32: memref<!tpu.dma_semaphore, #tpu.memory_space<semaphore_mem>>, %arg33: memref<!tpu.dma_semaphore, #tpu.memory_space<semaphore_mem>>) attributes {dimension_semantics = [#tpu.dimension_semantics<core_parallel>, #tpu.dimension_semantics<subcore_parallel>], iteration_bounds = array<i64: 2, 16>, scalar_prefetch = 0 : i64, scratch_operands = 27 : i64, tpu.core_type = #tpu.core_type<sc_vector_subcore>, window_params = [{transform_indices = #map}, {transform_indices = #map1}, {transform_indices = #map1}, {transform_indices = #map}, {transform_indices = #map2}]} {
    %mul3A = arith.constant 16 : i32
    %mul3A_0 = arith.muli %arg0, %mul3A : i32
    %add3A = arith.addi %mul3A_0, %arg1 : i32
    %mul3A_1 = arith.constant 640 : i32
    %mul3A_2 = arith.muli %arg1, %mul3A_1 : i32
    %mul3A_3 = arith.constant 10000 : i32
    %mul3A_4 = arith.muli %add3A, %mul3A_3 : i32
    "tpu.region"() ({
      %run_scoped3A = tpu.sem_alloc : memref<!tpu.dma_semaphore, #tpu.memory_space<semaphore_mem>>
      %dma_start3A = arith.constant 0 : i32
      %dma_start3A_11 = tpu.memref_slice %arg7[%mul3A_2, %dma_start3A] : memref<10240x128xf32, #tpu.memory_space<vmem_shared>> -> memref<640x128xf32, #tpu.memory_space<vmem_shared>>
      %dma_start3A_12 = arith.constant 0 : i32
      %dma_start3A_13 = tpu.memref_slice %arg5[%mul3A_2, %dma_start3A_12] : memref<10240x128xf32, #tpu.memory_space<hbm>> -> memref<640x128xf32, #tpu.memory_space<hbm>>
      tpu.enqueue_dma source(%dma_start3A_13 : memref<640x128xf32, #tpu.memory_space<hbm>>) target(%dma_start3A_11 : memref<640x128xf32, #tpu.memory_space<vmem_shared>>) target_semaphore(%run_scoped3A : memref<!tpu.dma_semaphore, #tpu.memory_space<semaphore_mem>>)
      %dma_wait3A = arith.constant 0 : i32
      %dma_wait3A_14 = tpu.memref_slice %arg7[%mul3A_2, %dma_wait3A] : memref<10240x128xf32, #tpu.memory_space<vmem_shared>> -> memref<640x128xf32, #tpu.memory_space<vmem_shared>>
      %dma_wait3A_15 = arith.constant 0 : i32
      %dma_wait3A_16 = tpu.memref_slice %arg5[%mul3A_2, %dma_wait3A_15] : memref<10240x128xf32, #tpu.memory_space<hbm>> -> memref<640x128xf32, #tpu.memory_space<hbm>>
      tpu.wait_dma2 semaphore(%run_scoped3A : memref<!tpu.dma_semaphore, #tpu.memory_space<semaphore_mem>>) src(%dma_wait3A_16 : memref<640x128xf32, #tpu.memory_space<hbm>>) dst(%dma_wait3A_14 : memref<640x128xf32, #tpu.memory_space<vmem_shared>>)
      tpu.yield
    }) : () -> ()
    "tpu.region"() ({
      %run_scoped3A = tpu.sem_alloc : memref<!tpu.dma_semaphore, #tpu.memory_space<semaphore_mem>>
      %dma_start3A = tpu.memref_slice %arg3[%mul3A_4] : memref<320000xi32, #tpu.memory_space<hbm>> -> memref<10000xi32, #tpu.memory_space<hbm>>
      %dma_start3A_11 = tpu.memref_slice %arg3[%mul3A_4] : memref<320000xi32, #tpu.memory_space<hbm>> -> memref<10000xi32, #tpu.memory_space<hbm>>
      tpu.enqueue_dma source(%dma_start3A_11 : memref<10000xi32, #tpu.memory_space<hbm>>) target(%arg28 : memref<10000xi32, #tpu.memory_space<vmem>>) target_semaphore(%run_scoped3A : memref<!tpu.dma_semaphore, #tpu.memory_space<semaphore_mem>>)
      %dma_wait3A = tpu.memref_slice %arg3[%mul3A_4] : memref<320000xi32, #tpu.memory_space<hbm>> -> memref<10000xi32, #tpu.memory_space<hbm>>
      %dma_wait3A_12 = tpu.memref_slice %arg3[%mul3A_4] : memref<320000xi32, #tpu.memory_space<hbm>> -> memref<10000xi32, #tpu.memory_space<hbm>>
      tpu.wait_dma2 semaphore(%run_scoped3A : memref<!tpu.dma_semaphore, #tpu.memory_space<semaphore_mem>>) src(%dma_wait3A_12 : memref<10000xi32, #tpu.memory_space<hbm>>) dst(%arg28 : memref<10000xi32, #tpu.memory_space<vmem>>)
      tpu.yield
    }) : () -> ()
    %barrier3A = arith.constant 0 : index
    tpu.barrier barrier_id(%barrier3A)
    %scan3A = arith.constant 0 : i32
    %scan3A_5 = arith.constant 0 : i32
    %scan3A_6 = arith.constant 50 : i32
    %scan3A_7 = arith.addi %scan3A_5, %scan3A_6 : i32
    %scan3A_8 = arith.constant 1 : i32
    scf.for %scan3A_11 = %scan3A_5 to %scan3A_7 step %scan3A_8  : i32 {
      %mul3A_12 = arith.constant 5 : i32
      %mul3A_13 = arith.muli %scan3A_11, %mul3A_12 : i32
      %add3A_14 = arith.constant 0 : i32
      %add3A_15 = arith.addi %mul3A_13, %add3A_14 : i32
      %mul3A_16 = arith.constant 40 : i32
      %mul3A_17 = arith.muli %add3A_15, %mul3A_16 : i32
      %add3A_18 = arith.addi %mul3A_4, %mul3A_17 : i32
      %dma_start3A = tpu.memref_slice %arg4[%add3A_18] : memref<320000xi32, #tpu.memory_space<hbm>> -> memref<40xi32, #tpu.memory_space<hbm>>
      %dma_start3A_19 = tpu.memref_slice %arg4[%add3A_18] : memref<320000xi32, #tpu.memory_space<hbm>> -> memref<40xi32, #tpu.memory_space<hbm>>
      tpu.enqueue_dma source(%dma_start3A_19 : memref<40xi32, #tpu.memory_space<hbm>>) target(%arg8 : memref<40xi32, #tpu.memory_space<vmem>>) target_semaphore(%arg18 : memref<!tpu.dma_semaphore, #tpu.memory_space<semaphore_mem>>)
      %add3A_20 = arith.constant 0 : i32
      %add3A_21 = arith.addi %mul3A_13, %add3A_20 : i32
      %mul3A_22 = arith.constant 40 : i32
      %mul3A_23 = arith.muli %add3A_21, %mul3A_22 : i32
      %dma_start3A_24 = tpu.memref_slice %arg28[%mul3A_23] : memref<10000xi32, #tpu.memory_space<vmem>> -> memref<40xi32, #tpu.memory_space<vmem>>
      %dma_start3A_25 = arith.constant 0 : i32
      %dma_start3A_26 = arith.constant 0 : i32
      %dma_start3A_27 = tpu.memref_slice %arg2[%dma_start3A_25, %dma_start3A_26] : memref<10000x128xf32, #tpu.memory_space<hbm>> -> memref<10000x128xf32, #tpu.memory_space<hbm>>
      tpu.enqueue_indirect_dma source(%dma_start3A_27 : memref<10000x128xf32, #tpu.memory_space<hbm>>) target(%arg13 : memref<40x128xf32, #tpu.memory_space<vmem>>) offsets(%dma_start3A_24 : memref<40xi32, #tpu.memory_space<vmem>>) semaphore(%arg29 : memref<!tpu.dma_semaphore, #tpu.memory_space<semaphore_mem>>)
      %add3A_28 = arith.constant 1 : i32
      %add3A_29 = arith.addi %mul3A_13, %add3A_28 : i32
      %mul3A_30 = arith.constant 40 : i32
      %mul3A_31 = arith.muli %add3A_29, %mul3A_30 : i32
      %add3A_32 = arith.addi %mul3A_4, %mul3A_31 : i32
      %dma_start3A_33 = tpu.memref_slice %arg4[%add3A_32] : memref<320000xi32, #tpu.memory_space<hbm>> -> memref<40xi32, #tpu.memory_space<hbm>>
      %dma_start3A_34 = tpu.memref_slice %arg4[%add3A_32] : memref<320000xi32, #tpu.memory_space<hbm>> -> memref<40xi32, #tpu.memory_space<hbm>>
      tpu.enqueue_dma source(%dma_start3A_34 : memref<40xi32, #tpu.memory_space<hbm>>) target(%arg9 : memref<40xi32, #tpu.memory_space<vmem>>) target_semaphore(%arg19 : memref<!tpu.dma_semaphore, #tpu.memory_space<semaphore_mem>>)
      %add3A_35 = arith.constant 1 : i32
      %add3A_36 = arith.addi %mul3A_13, %add3A_35 : i32
      %mul3A_37 = arith.constant 40 : i32
      %mul3A_38 = arith.muli %add3A_36, %mul3A_37 : i32
      %dma_start3A_39 = tpu.memref_slice %arg28[%mul3A_38] : memref<10000xi32, #tpu.memory_space<vmem>> -> memref<40xi32, #tpu.memory_space<vmem>>
      %dma_start3A_40 = arith.constant 0 : i32
      %dma_start3A_41 = arith.constant 0 : i32
      %dma_start3A_42 = tpu.memref_slice %arg2[%dma_start3A_40, %dma_start3A_41] : memref<10000x128xf32, #tpu.memory_space<hbm>> -> memref<10000x128xf32, #tpu.memory_space<hbm>>
      tpu.enqueue_indirect_dma source(%dma_start3A_42 : memref<10000x128xf32, #tpu.memory_space<hbm>>) target(%arg14 : memref<40x128xf32, #tpu.memory_space<vmem>>) offsets(%dma_start3A_39 : memref<40xi32, #tpu.memory_space<vmem>>) semaphore(%arg30 : memref<!tpu.dma_semaphore, #tpu.memory_space<semaphore_mem>>)
      %add3A_43 = arith.constant 2 : i32
      %add3A_44 = arith.addi %mul3A_13, %add3A_43 : i32
      %mul3A_45 = arith.constant 40 : i32
      %mul3A_46 = arith.muli %add3A_44, %mul3A_45 : i32
      %add3A_47 = arith.addi %mul3A_4, %mul3A_46 : i32
      %dma_start3A_48 = tpu.memref_slice %arg4[%add3A_47] : memref<320000xi32, #tpu.memory_space<hbm>> -> memref<40xi32, #tpu.memory_space<hbm>>
      %dma_start3A_49 = tpu.memref_slice %arg4[%add3A_47] : memref<320000xi32, #tpu.memory_space<hbm>> -> memref<40xi32, #tpu.memory_space<hbm>>
      tpu.enqueue_dma source(%dma_start3A_49 : memref<40xi32, #tpu.memory_space<hbm>>) target(%arg10 : memref<40xi32, #tpu.memory_space<vmem>>) target_semaphore(%arg20 : memref<!tpu.dma_semaphore, #tpu.memory_space<semaphore_mem>>)
      %add3A_50 = arith.constant 2 : i32
      %add3A_51 = arith.addi %mul3A_13, %add3A_50 : i32
      %mul3A_52 = arith.constant 40 : i32
      %mul3A_53 = arith.muli %add3A_51, %mul3A_52 : i32
      %dma_start3A_54 = tpu.memref_slice %arg28[%mul3A_53] : memref<10000xi32, #tpu.memory_space<vmem>> -> memref<40xi32, #tpu.memory_space<vmem>>
      %dma_start3A_55 = arith.constant 0 : i32
      %dma_start3A_56 = arith.constant 0 : i32
      %dma_start3A_57 = tpu.memref_slice %arg2[%dma_start3A_55, %dma_start3A_56] : memref<10000x128xf32, #tpu.memory_space<hbm>> -> memref<10000x128xf32, #tpu.memory_space<hbm>>
      tpu.enqueue_indirect_dma source(%dma_start3A_57 : memref<10000x128xf32, #tpu.memory_space<hbm>>) target(%arg15 : memref<40x128xf32, #tpu.memory_space<vmem>>) offsets(%dma_start3A_54 : memref<40xi32, #tpu.memory_space<vmem>>) semaphore(%arg31 : memref<!tpu.dma_semaphore, #tpu.memory_space<semaphore_mem>>)
      %add3A_58 = arith.constant 3 : i32
      %add3A_59 = arith.addi %mul3A_13, %add3A_58 : i32
      %mul3A_60 = arith.constant 40 : i32
      %mul3A_61 = arith.muli %add3A_59, %mul3A_60 : i32
      %add3A_62 = arith.addi %mul3A_4, %mul3A_61 : i32
      %dma_start3A_63 = tpu.memref_slice %arg4[%add3A_62] : memref<320000xi32, #tpu.memory_space<hbm>> -> memref<40xi32, #tpu.memory_space<hbm>>
      %dma_start3A_64 = tpu.memref_slice %arg4[%add3A_62] : memref<320000xi32, #tpu.memory_space<hbm>> -> memref<40xi32, #tpu.memory_space<hbm>>
      tpu.enqueue_dma source(%dma_start3A_64 : memref<40xi32, #tpu.memory_space<hbm>>) target(%arg11 : memref<40xi32, #tpu.memory_space<vmem>>) target_semaphore(%arg21 : memref<!tpu.dma_semaphore, #tpu.memory_space<semaphore_mem>>)
      %add3A_65 = arith.constant 3 : i32
      %add3A_66 = arith.addi %mul3A_13, %add3A_65 : i32
      %mul3A_67 = arith.constant 40 : i32
      %mul3A_68 = arith.muli %add3A_66, %mul3A_67 : i32
      %dma_start3A_69 = tpu.memref_slice %arg28[%mul3A_68] : memref<10000xi32, #tpu.memory_space<vmem>> -> memref<40xi32, #tpu.memory_space<vmem>>
      %dma_start3A_70 = arith.constant 0 : i32
      %dma_start3A_71 = arith.constant 0 : i32
      %dma_start3A_72 = tpu.memref_slice %arg2[%dma_start3A_70, %dma_start3A_71] : memref<10000x128xf32, #tpu.memory_space<hbm>> -> memref<10000x128xf32, #tpu.memory_space<hbm>>
      tpu.enqueue_indirect_dma source(%dma_start3A_72 : memref<10000x128xf32, #tpu.memory_space<hbm>>) target(%arg16 : memref<40x128xf32, #tpu.memory_space<vmem>>) offsets(%dma_start3A_69 : memref<40xi32, #tpu.memory_space<vmem>>) semaphore(%arg32 : memref<!tpu.dma_semaphore, #tpu.memory_space<semaphore_mem>>)
      %add3A_73 = arith.constant 4 : i32
      %add3A_74 = arith.addi %mul3A_13, %add3A_73 : i32
      %mul3A_75 = arith.constant 40 : i32
      %mul3A_76 = arith.muli %add3A_74, %mul3A_75 : i32
      %add3A_77 = arith.addi %mul3A_4, %mul3A_76 : i32
      %dma_start3A_78 = tpu.memref_slice %arg4[%add3A_77] : memref<320000xi32, #tpu.memory_space<hbm>> -> memref<40xi32, #tpu.memory_space<hbm>>
      %dma_start3A_79 = tpu.memref_slice %arg4[%add3A_77] : memref<320000xi32, #tpu.memory_space<hbm>> -> memref<40xi32, #tpu.memory_space<hbm>>
      tpu.enqueue_dma source(%dma_start3A_79 : memref<40xi32, #tpu.memory_space<hbm>>) target(%arg12 : memref<40xi32, #tpu.memory_space<vmem>>) target_semaphore(%arg22 : memref<!tpu.dma_semaphore, #tpu.memory_space<semaphore_mem>>)
      %add3A_80 = arith.constant 4 : i32
      %add3A_81 = arith.addi %mul3A_13, %add3A_80 : i32
      %mul3A_82 = arith.constant 40 : i32
      %mul3A_83 = arith.muli %add3A_81, %mul3A_82 : i32
      %dma_start3A_84 = tpu.memref_slice %arg28[%mul3A_83] : memref<10000xi32, #tpu.memory_space<vmem>> -> memref<40xi32, #tpu.memory_space<vmem>>
      %dma_start3A_85 = arith.constant 0 : i32
      %dma_start3A_86 = arith.constant 0 : i32
      %dma_start3A_87 = tpu.memref_slice %arg2[%dma_start3A_85, %dma_start3A_86] : memref<10000x128xf32, #tpu.memory_space<hbm>> -> memref<10000x128xf32, #tpu.memory_space<hbm>>
      tpu.enqueue_indirect_dma source(%dma_start3A_87 : memref<10000x128xf32, #tpu.memory_space<hbm>>) target(%arg17 : memref<40x128xf32, #tpu.memory_space<vmem>>) offsets(%dma_start3A_84 : memref<40xi32, #tpu.memory_space<vmem>>) semaphore(%arg33 : memref<!tpu.dma_semaphore, #tpu.memory_space<semaphore_mem>>)
      %dma_wait3A = tpu.memref_slice %arg4[%add3A_18] : memref<320000xi32, #tpu.memory_space<hbm>> -> memref<40xi32, #tpu.memory_space<hbm>>
      %dma_wait3A_88 = tpu.memref_slice %arg4[%add3A_18] : memref<320000xi32, #tpu.memory_space<hbm>> -> memref<40xi32, #tpu.memory_space<hbm>>
      tpu.wait_dma2 semaphore(%arg18 : memref<!tpu.dma_semaphore, #tpu.memory_space<semaphore_mem>>) src(%dma_wait3A_88 : memref<40xi32, #tpu.memory_space<hbm>>) dst(%arg8 : memref<40xi32, #tpu.memory_space<vmem>>)
      %dma_wait3A_89 = tpu.memref_slice %arg28[%mul3A_23] : memref<10000xi32, #tpu.memory_space<vmem>> -> memref<40xi32, #tpu.memory_space<vmem>>
      %dma_wait3A_90 = arith.constant 0 : i32
      %dma_wait3A_91 = arith.constant 0 : i32
      %dma_wait3A_92 = tpu.memref_slice %arg2[%dma_wait3A_90, %dma_wait3A_91] : memref<10000x128xf32, #tpu.memory_space<hbm>> -> memref<10000x128xf32, #tpu.memory_space<hbm>>
      tpu.wait_indirect_dma semaphore(%arg29 : memref<!tpu.dma_semaphore, #tpu.memory_space<semaphore_mem>>) src(%dma_wait3A_92 : memref<10000x128xf32, #tpu.memory_space<hbm>>) dst(%arg13 : memref<40x128xf32, #tpu.memory_space<vmem>>)
      %dma_start3A_93 = arith.constant 0 : i32
      %dma_start3A_94 = arith.constant 0 : i32
      %dma_start3A_95 = tpu.memref_slice %arg7[%dma_start3A_93, %dma_start3A_94] : memref<10240x128xf32, #tpu.memory_space<vmem_shared>> -> memref<10240x128xf32, #tpu.memory_space<vmem_shared>>
      tpu.enqueue_indirect_dma source(%arg13 : memref<40x128xf32, #tpu.memory_space<vmem>>) target(%dma_start3A_95 : memref<10240x128xf32, #tpu.memory_space<vmem_shared>>) offsets(%arg8 : memref<40xi32, #tpu.memory_space<vmem>>) semaphore(%arg23 : memref<!tpu.dma_semaphore, #tpu.memory_space<semaphore_mem>>) {add = true}
      %dma_wait3A_96 = tpu.memref_slice %arg4[%add3A_32] : memref<320000xi32, #tpu.memory_space<hbm>> -> memref<40xi32, #tpu.memory_space<hbm>>
      %dma_wait3A_97 = tpu.memref_slice %arg4[%add3A_32] : memref<320000xi32, #tpu.memory_space<hbm>> -> memref<40xi32, #tpu.memory_space<hbm>>
      tpu.wait_dma2 semaphore(%arg19 : memref<!tpu.dma_semaphore, #tpu.memory_space<semaphore_mem>>) src(%dma_wait3A_97 : memref<40xi32, #tpu.memory_space<hbm>>) dst(%arg9 : memref<40xi32, #tpu.memory_space<vmem>>)
      %dma_wait3A_98 = tpu.memref_slice %arg28[%mul3A_38] : memref<10000xi32, #tpu.memory_space<vmem>> -> memref<40xi32, #tpu.memory_space<vmem>>
      %dma_wait3A_99 = arith.constant 0 : i32
      %dma_wait3A_100 = arith.constant 0 : i32
      %dma_wait3A_101 = tpu.memref_slice %arg2[%dma_wait3A_99, %dma_wait3A_100] : memref<10000x128xf32, #tpu.memory_space<hbm>> -> memref<10000x128xf32, #tpu.memory_space<hbm>>
      tpu.wait_indirect_dma semaphore(%arg30 : memref<!tpu.dma_semaphore, #tpu.memory_space<semaphore_mem>>) src(%dma_wait3A_101 : memref<10000x128xf32, #tpu.memory_space<hbm>>) dst(%arg14 : memref<40x128xf32, #tpu.memory_space<vmem>>)
      %dma_start3A_102 = arith.constant 0 : i32
      %dma_start3A_103 = arith.constant 0 : i32
      %dma_start3A_104 = tpu.memref_slice %arg7[%dma_start3A_102, %dma_start3A_103] : memref<10240x128xf32, #tpu.memory_space<vmem_shared>> -> memref<10240x128xf32, #tpu.memory_space<vmem_shared>>
      tpu.enqueue_indirect_dma source(%arg14 : memref<40x128xf32, #tpu.memory_space<vmem>>) target(%dma_start3A_104 : memref<10240x128xf32, #tpu.memory_space<vmem_shared>>) offsets(%arg9 : memref<40xi32, #tpu.memory_space<vmem>>) semaphore(%arg24 : memref<!tpu.dma_semaphore, #tpu.memory_space<semaphore_mem>>) {add = true}
      %dma_wait3A_105 = tpu.memref_slice %arg4[%add3A_47] : memref<320000xi32, #tpu.memory_space<hbm>> -> memref<40xi32, #tpu.memory_space<hbm>>
      %dma_wait3A_106 = tpu.memref_slice %arg4[%add3A_47] : memref<320000xi32, #tpu.memory_space<hbm>> -> memref<40xi32, #tpu.memory_space<hbm>>
      tpu.wait_dma2 semaphore(%arg20 : memref<!tpu.dma_semaphore, #tpu.memory_space<semaphore_mem>>) src(%dma_wait3A_106 : memref<40xi32, #tpu.memory_space<hbm>>) dst(%arg10 : memref<40xi32, #tpu.memory_space<vmem>>)
      %dma_wait3A_107 = tpu.memref_slice %arg28[%mul3A_53] : memref<10000xi32, #tpu.memory_space<vmem>> -> memref<40xi32, #tpu.memory_space<vmem>>
      %dma_wait3A_108 = arith.constant 0 : i32
      %dma_wait3A_109 = arith.constant 0 : i32
      %dma_wait3A_110 = tpu.memref_slice %arg2[%dma_wait3A_108, %dma_wait3A_109] : memref<10000x128xf32, #tpu.memory_space<hbm>> -> memref<10000x128xf32, #tpu.memory_space<hbm>>
      tpu.wait_indirect_dma semaphore(%arg31 : memref<!tpu.dma_semaphore, #tpu.memory_space<semaphore_mem>>) src(%dma_wait3A_110 : memref<10000x128xf32, #tpu.memory_space<hbm>>) dst(%arg15 : memref<40x128xf32, #tpu.memory_space<vmem>>)
      %dma_start3A_111 = arith.constant 0 : i32
      %dma_start3A_112 = arith.constant 0 : i32
      %dma_start3A_113 = tpu.memref_slice %arg7[%dma_start3A_111, %dma_start3A_112] : memref<10240x128xf32, #tpu.memory_space<vmem_shared>> -> memref<10240x128xf32, #tpu.memory_space<vmem_shared>>
      tpu.enqueue_indirect_dma source(%arg15 : memref<40x128xf32, #tpu.memory_space<vmem>>) target(%dma_start3A_113 : memref<10240x128xf32, #tpu.memory_space<vmem_shared>>) offsets(%arg10 : memref<40xi32, #tpu.memory_space<vmem>>) semaphore(%arg25 : memref<!tpu.dma_semaphore, #tpu.memory_space<semaphore_mem>>) {add = true}
      %dma_wait3A_114 = tpu.memref_slice %arg4[%add3A_62] : memref<320000xi32, #tpu.memory_space<hbm>> -> memref<40xi32, #tpu.memory_space<hbm>>
      %dma_wait3A_115 = tpu.memref_slice %arg4[%add3A_62] : memref<320000xi32, #tpu.memory_space<hbm>> -> memref<40xi32, #tpu.memory_space<hbm>>
      tpu.wait_dma2 semaphore(%arg21 : memref<!tpu.dma_semaphore, #tpu.memory_space<semaphore_mem>>) src(%dma_wait3A_115 : memref<40xi32, #tpu.memory_space<hbm>>) dst(%arg11 : memref<40xi32, #tpu.memory_space<vmem>>)
      %dma_wait3A_116 = tpu.memref_slice %arg28[%mul3A_68] : memref<10000xi32, #tpu.memory_space<vmem>> -> memref<40xi32, #tpu.memory_space<vmem>>
      %dma_wait3A_117 = arith.constant 0 : i32
      %dma_wait3A_118 = arith.constant 0 : i32
      %dma_wait3A_119 = tpu.memref_slice %arg2[%dma_wait3A_117, %dma_wait3A_118] : memref<10000x128xf32, #tpu.memory_space<hbm>> -> memref<10000x128xf32, #tpu.memory_space<hbm>>
      tpu.wait_indirect_dma semaphore(%arg32 : memref<!tpu.dma_semaphore, #tpu.memory_space<semaphore_mem>>) src(%dma_wait3A_119 : memref<10000x128xf32, #tpu.memory_space<hbm>>) dst(%arg16 : memref<40x128xf32, #tpu.memory_space<vmem>>)
      %dma_start3A_120 = arith.constant 0 : i32
      %dma_start3A_121 = arith.constant 0 : i32
      %dma_start3A_122 = tpu.memref_slice %arg7[%dma_start3A_120, %dma_start3A_121] : memref<10240x128xf32, #tpu.memory_space<vmem_shared>> -> memref<10240x128xf32, #tpu.memory_space<vmem_shared>>
      tpu.enqueue_indirect_dma source(%arg16 : memref<40x128xf32, #tpu.memory_space<vmem>>) target(%dma_start3A_122 : memref<10240x128xf32, #tpu.memory_space<vmem_shared>>) offsets(%arg11 : memref<40xi32, #tpu.memory_space<vmem>>) semaphore(%arg26 : memref<!tpu.dma_semaphore, #tpu.memory_space<semaphore_mem>>) {add = true}
      %dma_wait3A_123 = tpu.memref_slice %arg4[%add3A_77] : memref<320000xi32, #tpu.memory_space<hbm>> -> memref<40xi32, #tpu.memory_space<hbm>>
      %dma_wait3A_124 = tpu.memref_slice %arg4[%add3A_77] : memref<320000xi32, #tpu.memory_space<hbm>> -> memref<40xi32, #tpu.memory_space<hbm>>
      tpu.wait_dma2 semaphore(%arg22 : memref<!tpu.dma_semaphore, #tpu.memory_space<semaphore_mem>>) src(%dma_wait3A_124 : memref<40xi32, #tpu.memory_space<hbm>>) dst(%arg12 : memref<40xi32, #tpu.memory_space<vmem>>)
      %dma_wait3A_125 = tpu.memref_slice %arg28[%mul3A_83] : memref<10000xi32, #tpu.memory_space<vmem>> -> memref<40xi32, #tpu.memory_space<vmem>>
      %dma_wait3A_126 = arith.constant 0 : i32
      %dma_wait3A_127 = arith.constant 0 : i32
      %dma_wait3A_128 = tpu.memref_slice %arg2[%dma_wait3A_126, %dma_wait3A_127] : memref<10000x128xf32, #tpu.memory_space<hbm>> -> memref<10000x128xf32, #tpu.memory_space<hbm>>
      tpu.wait_indirect_dma semaphore(%arg33 : memref<!tpu.dma_semaphore, #tpu.memory_space<semaphore_mem>>) src(%dma_wait3A_128 : memref<10000x128xf32, #tpu.memory_space<hbm>>) dst(%arg17 : memref<40x128xf32, #tpu.memory_space<vmem>>)
      %dma_start3A_129 = arith.constant 0 : i32
      %dma_start3A_130 = arith.constant 0 : i32
      %dma_start3A_131 = tpu.memref_slice %arg7[%dma_start3A_129, %dma_start3A_130] : memref<10240x128xf32, #tpu.memory_space<vmem_shared>> -> memref<10240x128xf32, #tpu.memory_space<vmem_shared>>
      tpu.enqueue_indirect_dma source(%arg17 : memref<40x128xf32, #tpu.memory_space<vmem>>) target(%dma_start3A_131 : memref<10240x128xf32, #tpu.memory_space<vmem_shared>>) offsets(%arg12 : memref<40xi32, #tpu.memory_space<vmem>>) semaphore(%arg27 : memref<!tpu.dma_semaphore, #tpu.memory_space<semaphore_mem>>) {add = true}
      %dma_wait3A_132 = arith.constant 0 : i32
      %dma_wait3A_133 = arith.constant 0 : i32
      %dma_wait3A_134 = tpu.memref_slice %arg7[%dma_wait3A_132, %dma_wait3A_133] : memref<10240x128xf32, #tpu.memory_space<vmem_shared>> -> memref<10240x128xf32, #tpu.memory_space<vmem_shared>>
      tpu.wait_indirect_dma semaphore(%arg23 : memref<!tpu.dma_semaphore, #tpu.memory_space<semaphore_mem>>) src(%arg13 : memref<40x128xf32, #tpu.memory_space<vmem>>) dst(%dma_wait3A_134 : memref<10240x128xf32, #tpu.memory_space<vmem_shared>>)
      %dma_wait3A_135 = arith.constant 0 : i32
      %dma_wait3A_136 = arith.constant 0 : i32
      %dma_wait3A_137 = tpu.memref_slice %arg7[%dma_wait3A_135, %dma_wait3A_136] : memref<10240x128xf32, #tpu.memory_space<vmem_shared>> -> memref<10240x128xf32, #tpu.memory_space<vmem_shared>>
      tpu.wait_indirect_dma semaphore(%arg24 : memref<!tpu.dma_semaphore, #tpu.memory_space<semaphore_mem>>) src(%arg14 : memref<40x128xf32, #tpu.memory_space<vmem>>) dst(%dma_wait3A_137 : memref<10240x128xf32, #tpu.memory_space<vmem_shared>>)
      %dma_wait3A_138 = arith.constant 0 : i32
      %dma_wait3A_139 = arith.constant 0 : i32
      %dma_wait3A_140 = tpu.memref_slice %arg7[%dma_wait3A_138, %dma_wait3A_139] : memref<10240x128xf32, #tpu.memory_space<vmem_shared>> -> memref<10240x128xf32, #tpu.memory_space<vmem_shared>>
      tpu.wait_indirect_dma semaphore(%arg25 : memref<!tpu.dma_semaphore, #tpu.memory_space<semaphore_mem>>) src(%arg15 : memref<40x128xf32, #tpu.memory_space<vmem>>) dst(%dma_wait3A_140 : memref<10240x128xf32, #tpu.memory_space<vmem_shared>>)
      %dma_wait3A_141 = arith.constant 0 : i32
      %dma_wait3A_142 = arith.constant 0 : i32
      %dma_wait3A_143 = tpu.memref_slice %arg7[%dma_wait3A_141, %dma_wait3A_142] : memref<10240x128xf32, #tpu.memory_space<vmem_shared>> -> memref<10240x128xf32, #tpu.memory_space<vmem_shared>>
      tpu.wait_indirect_dma semaphore(%arg26 : memref<!tpu.dma_semaphore, #tpu.memory_space<semaphore_mem>>) src(%arg16 : memref<40x128xf32, #tpu.memory_space<vmem>>) dst(%dma_wait3A_143 : memref<10240x128xf32, #tpu.memory_space<vmem_shared>>)
      %dma_wait3A_144 = arith.constant 0 : i32
      %dma_wait3A_145 = arith.constant 0 : i32
      %dma_wait3A_146 = tpu.memref_slice %arg7[%dma_wait3A_144, %dma_wait3A_145] : memref<10240x128xf32, #tpu.memory_space<vmem_shared>> -> memref<10240x128xf32, #tpu.memory_space<vmem_shared>>
      tpu.wait_indirect_dma semaphore(%arg27 : memref<!tpu.dma_semaphore, #tpu.memory_space<semaphore_mem>>) src(%arg17 : memref<40x128xf32, #tpu.memory_space<vmem>>) dst(%dma_wait3A_146 : memref<10240x128xf32, #tpu.memory_space<vmem_shared>>)
    }
    %scan3A_9 = arith.constant 50 : i32
    %barrier3A_10 = arith.constant 0 : index
    tpu.barrier barrier_id(%barrier3A_10)
    "tpu.region"() ({
      %run_scoped3A = tpu.sem_alloc : memref<!tpu.dma_semaphore, #tpu.memory_space<semaphore_mem>>
      %dma_start3A = arith.constant 0 : i32
      %dma_start3A_11 = arith.constant 0 : i32
      %dma_start3A_12 = tpu.memref_slice %arg6[%arg0, %dma_start3A, %dma_start3A_11] : memref<2x10240x128xf32, #tpu.memory_space<hbm>> -> memref<1x10240x128xf32, #tpu.memory_space<hbm>>
      %dma_start3A_13 = tpu.memref_squeeze %dma_start3A_12 : memref<1x10240x128xf32, #tpu.memory_space<hbm>> -> memref<10240x128xf32, #tpu.memory_space<hbm>>
      %dma_start3A_14 = arith.constant 0 : i32
      %dma_start3A_15 = tpu.memref_slice %dma_start3A_13[%mul3A_2, %dma_start3A_14] : memref<10240x128xf32, #tpu.memory_space<hbm>> -> memref<640x128xf32, #tpu.memory_space<hbm>>
      %dma_start3A_16 = arith.constant 0 : i32
      %dma_start3A_17 = tpu.memref_slice %arg7[%mul3A_2, %dma_start3A_16] : memref<10240x128xf32, #tpu.memory_space<vmem_shared>> -> memref<640x128xf32, #tpu.memory_space<vmem_shared>>
      tpu.enqueue_dma source(%dma_start3A_17 : memref<640x128xf32, #tpu.memory_space<vmem_shared>>) target(%dma_start3A_15 : memref<640x128xf32, #tpu.memory_space<hbm>>) target_semaphore(%run_scoped3A : memref<!tpu.dma_semaphore, #tpu.memory_space<semaphore_mem>>)
      %dma_wait3A = arith.constant 0 : i32
      %dma_wait3A_18 = arith.constant 0 : i32
      %dma_wait3A_19 = tpu.memref_slice %arg6[%arg0, %dma_wait3A, %dma_wait3A_18] : memref<2x10240x128xf32, #tpu.memory_space<hbm>> -> memref<1x10240x128xf32, #tpu.memory_space<hbm>>
      %dma_wait3A_20 = tpu.memref_squeeze %dma_wait3A_19 : memref<1x10240x128xf32, #tpu.memory_space<hbm>> -> memref<10240x128xf32, #tpu.memory_space<hbm>>
      %dma_wait3A_21 = arith.constant 0 : i32
      %dma_wait3A_22 = tpu.memref_slice %dma_wait3A_20[%mul3A_2, %dma_wait3A_21] : memref<10240x128xf32, #tpu.memory_space<hbm>> -> memref<640x128xf32, #tpu.memory_space<hbm>>
      %dma_wait3A_23 = arith.constant 0 : i32
      %dma_wait3A_24 = tpu.memref_slice %arg7[%mul3A_2, %dma_wait3A_23] : memref<10240x128xf32, #tpu.memory_space<vmem_shared>> -> memref<640x128xf32, #tpu.memory_space<vmem_shared>>
      tpu.wait_dma2 semaphore(%run_scoped3A : memref<!tpu.dma_semaphore, #tpu.memory_space<semaphore_mem>>) src(%dma_wait3A_24 : memref<640x128xf32, #tpu.memory_space<vmem_shared>>) dst(%dma_wait3A_22 : memref<640x128xf32, #tpu.memory_space<hbm>>)
      tpu.yield
    }) : () -> ()
    return
  }
}

module attributes {stable_mosaic.version = 14 : i64} {
  func.func @_transform_body(%arg0: i32, %arg1: memref<512x128xf32, #tpu.memory_space<vmem>>, %arg2: memref<128x128xf32, #tpu.memory_space<vmem>>, %arg3: memref<128x128xf32, #tpu.memory_space<vmem>>, %arg4: memref<1x128xf32, #tpu.memory_space<vmem>>, %arg5: memref<512x128xf32, #tpu.memory_space<vmem>>, %arg6: memref<512x128xf32, #tpu.memory_space<vmem>>) attributes {dimension_semantics = [#tpu.dimension_semantics<arbitrary>], iteration_bounds = array<i64: 20>, scalar_prefetch = 0 : i64, scratch_operands = 0 : i64, tpu.core_type = #tpu.core_type<tc>, window_params = [{transform_indices = @transform_0, window_bounds = array<i64: 512, 128>}, {pipeline_mode = #tpu.pipeline_mode<synchronous>, transform_indices = @transform_1, window_bounds = array<i64: 128, 128>}, {pipeline_mode = #tpu.pipeline_mode<synchronous>, transform_indices = @transform_2, window_bounds = array<i64: 128, 128>}, {pipeline_mode = #tpu.pipeline_mode<synchronous>, transform_indices = @transform_3, window_bounds = array<i64: 1, 128>}, {transform_indices = @transform_4, window_bounds = array<i64: 512, 128>}, {transform_indices = @transform_5, window_bounds = array<i64: 512, 128>}]} {
    %get3A = arith.constant 0 : index
    %get3A_0 = arith.constant 0 : index
    %get3A_1 = vector.load %arg1[%get3A, %get3A_0] : memref<512x128xf32, #tpu.memory_space<vmem>>, vector<512x128xf32>
    %get3A_2 = arith.constant 0 : index
    %get3A_3 = arith.constant 0 : index
    %get3A_4 = vector.load %arg2[%get3A_2, %get3A_3] : memref<128x128xf32, #tpu.memory_space<vmem>>, vector<128x128xf32>
    %dot_general3A = arith.constant dense<0.000000e+00> : vector<512x128xf32>
    %dot_general3A_5 = tpu.matmul %get3A_1, %get3A_4, %dot_general3A {dimension_numbers = #tpu.dot_dimension_numbers<[1], [0], [0], [1], [0, 0, 1, 1], [], []>, transpose_lhs_hint = false} : vector<512x128xf32>, vector<128x128xf32>, vector<512x128xf32> -> vector<512x128xf32>
    %get3A_6 = arith.constant 0 : index
    %get3A_7 = arith.constant 0 : index
    %get3A_8 = vector.load %arg4[%get3A_6, %get3A_7] : memref<1x128xf32, #tpu.memory_space<vmem>>, vector<1x128xf32>
    %add3A = vector.broadcast %get3A_8 : vector<1x128xf32> to vector<512x128xf32>
    %add3A_9 = arith.addf %dot_general3A_5, %add3A : vector<512x128xf32>
    %swap3A = arith.constant 0 : index
    %swap3A_10 = arith.constant 0 : index
    %swap3A_11 = vector.load %arg5[%swap3A, %swap3A_10] : memref<512x128xf32, #tpu.memory_space<vmem>>, vector<512x128xf32>
    tpu.vector_store %arg5[%swap3A, %swap3A_10], %add3A_9 {strides = array<i32>} : memref<512x128xf32, #tpu.memory_space<vmem>>, vector<512x128xf32>,
    %get3A_12 = arith.constant 0 : index
    %get3A_13 = arith.constant 0 : index
    %get3A_14 = vector.load %arg3[%get3A_12, %get3A_13] : memref<128x128xf32, #tpu.memory_space<vmem>>, vector<128x128xf32>
    %dot_general3A_15 = arith.constant dense<0.000000e+00> : vector<512x128xf32>
    %dot_general3A_16 = tpu.matmul %get3A_1, %get3A_14, %dot_general3A_15 {dimension_numbers = #tpu.dot_dimension_numbers<[1], [0], [0], [1], [0, 0, 1, 1], [], []>, transpose_lhs_hint = false} : vector<512x128xf32>, vector<128x128xf32>, vector<512x128xf32> -> vector<512x128xf32>
    %swap3A_17 = arith.constant 0 : index
    %swap3A_18 = arith.constant 0 : index
    %swap3A_19 = vector.load %arg6[%swap3A_17, %swap3A_18] : memref<512x128xf32, #tpu.memory_space<vmem>>, vector<512x128xf32>
    tpu.vector_store %arg6[%swap3A_17, %swap3A_18], %dot_general3A_16 {strides = array<i32>} : memref<512x128xf32, #tpu.memory_space<vmem>>, vector<512x128xf32>,
    return
  }
  func.func @transform_0(%arg0: i32) -> (i32, i32) {
    %c0_i32 = arith.constant 0 : i32
    %c0_i32_0 = arith.constant 0 : i32
    return %arg0, %c0_i32 : i32, i32
  }
  func.func @transform_1(%arg0: i32) -> (i32, i32) {
    %c0_i32 = arith.constant 0 : i32
    %c0_i32_0 = arith.constant 0 : i32
    %c0_i32_1 = arith.constant 0 : i32
    return %c0_i32, %c0_i32_0 : i32, i32
  }
  func.func @transform_2(%arg0: i32) -> (i32, i32) {
    %c0_i32 = arith.constant 0 : i32
    %c0_i32_0 = arith.constant 0 : i32
    %c0_i32_1 = arith.constant 0 : i32
    return %c0_i32, %c0_i32_0 : i32, i32
  }
  func.func @transform_3(%arg0: i32) -> (i32, i32) {
    %c0_i32 = arith.constant 0 : i32
    %c0_i32_0 = arith.constant 0 : i32
    %c0_i32_1 = arith.constant 0 : i32
    return %c0_i32, %c0_i32_0 : i32, i32
  }
  func.func @transform_4(%arg0: i32) -> (i32, i32) {
    %c0_i32 = arith.constant 0 : i32
    %c0_i32_0 = arith.constant 0 : i32
    return %arg0, %c0_i32 : i32, i32
  }
  func.func @transform_5(%arg0: i32) -> (i32, i32) {
    %c0_i32 = arith.constant 0 : i32
    %c0_i32_0 = arith.constant 0 : i32
    return %arg0, %c0_i32 : i32, i32
  }
}

module attributes {stable_mosaic.version = 14 : i64} {
  func.func @_combine_transform_body(%arg0: i32, %arg1: memref<512x128xf32, #tpu.memory_space<vmem>>, %arg2: memref<2x512x128xf32, #tpu.memory_space<vmem>>, %arg3: memref<2x512x128xf32, #tpu.memory_space<vmem>>, %arg4: memref<128x64xf32, #tpu.memory_space<vmem>>, %arg5: memref<128x64xf32, #tpu.memory_space<vmem>>, %arg6: memref<1x64xf32, #tpu.memory_space<vmem>>, %arg7: memref<512x64xf32, #tpu.memory_space<vmem>>, %arg8: memref<512x64xf32, #tpu.memory_space<vmem>>) attributes {dimension_semantics = [#tpu.dimension_semantics<arbitrary>], iteration_bounds = array<i64: 20>, scalar_prefetch = 0 : i64, scratch_operands = 0 : i64, tpu.core_type = #tpu.core_type<tc>, window_params = [{transform_indices = @transform_0, window_bounds = array<i64: 512, 128>}, {transform_indices = @transform_1, window_bounds = array<i64: 2, 512, 128>}, {transform_indices = @transform_2, window_bounds = array<i64: 2, 512, 128>}, {pipeline_mode = #tpu.pipeline_mode<synchronous>, transform_indices = @transform_3, window_bounds = array<i64: 128, 64>}, {pipeline_mode = #tpu.pipeline_mode<synchronous>, transform_indices = @transform_4, window_bounds = array<i64: 128, 64>}, {pipeline_mode = #tpu.pipeline_mode<synchronous>, transform_indices = @transform_5, window_bounds = array<i64: 1, 64>}, {transform_indices = @transform_6, window_bounds = array<i64: 512, 64>}, {transform_indices = @transform_7, window_bounds = array<i64: 512, 64>}]} {
    %get3A = arith.constant 0 : index
    %get3A_0 = arith.constant 0 : index
    %get3A_1 = arith.constant 0 : index
    %get3A_2 = vector.load %arg2[%get3A, %get3A_0, %get3A_1] : memref<2x512x128xf32, #tpu.memory_space<vmem>>, vector<1x512x128xf32>
    %get3A_3 = vector.shape_cast %get3A_2 : vector<1x512x128xf32> to vector<512x128xf32>
    %get3A_4 = arith.constant 1 : index
    %get3A_5 = arith.constant 0 : index
    %get3A_6 = arith.constant 0 : index
    %get3A_7 = vector.load %arg2[%get3A_4, %get3A_5, %get3A_6] : memref<2x512x128xf32, #tpu.memory_space<vmem>>, vector<1x512x128xf32>
    %get3A_8 = vector.shape_cast %get3A_7 : vector<1x512x128xf32> to vector<512x128xf32>
    %add3A = arith.addf %get3A_3, %get3A_8 : vector<512x128xf32>
    %get3A_9 = arith.constant 0 : index
    %get3A_10 = arith.constant 0 : index
    %get3A_11 = arith.constant 0 : index
    %get3A_12 = vector.load %arg3[%get3A_9, %get3A_10, %get3A_11] : memref<2x512x128xf32, #tpu.memory_space<vmem>>, vector<1x512x128xf32>
    %get3A_13 = vector.shape_cast %get3A_12 : vector<1x512x128xf32> to vector<512x128xf32>
    %get3A_14 = arith.constant 1 : index
    %get3A_15 = arith.constant 0 : index
    %get3A_16 = arith.constant 0 : index
    %get3A_17 = vector.load %arg3[%get3A_14, %get3A_15, %get3A_16] : memref<2x512x128xf32, #tpu.memory_space<vmem>>, vector<1x512x128xf32>
    %get3A_18 = vector.shape_cast %get3A_17 : vector<1x512x128xf32> to vector<512x128xf32>
    %add3A_19 = arith.addf %get3A_13, %get3A_18 : vector<512x128xf32>
    %max3A = arith.constant 1.000000e+00 : f32
    %max3A_20 = vector.broadcast %max3A : f32 to vector<512x128xf32>
    %max3A_21 = arith.maximumf %add3A_19, %max3A_20 : vector<512x128xf32>
    %div3A = arith.constant 1.000000e+00 : f32
    %div3A_22 = vector.broadcast %div3A : f32 to vector<512x128xf32>
    %div3A_23 = arith.divf %div3A_22, %max3A_21 : vector<512x128xf32>
    %get3A_24 = arith.constant 0 : index
    %get3A_25 = arith.constant 0 : index
    %get3A_26 = vector.load %arg1[%get3A_24, %get3A_25] : memref<512x128xf32, #tpu.memory_space<vmem>>, vector<512x128xf32>
    %mul3A = arith.mulf %add3A, %div3A_23 : vector<512x128xf32>
    %add3A_27 = arith.addf %get3A_26, %mul3A : vector<512x128xf32>
    %max3A_28 = arith.constant 0.000000e+00 : f32
    %max3A_29 = vector.broadcast %max3A_28 : f32 to vector<512x128xf32>
    %max3A_30 = arith.maximumf %add3A_27, %max3A_29 : vector<512x128xf32>
    %get3A_31 = arith.constant 0 : index
    %get3A_32 = arith.constant 0 : index
    %get3A_33 = vector.load %arg4[%get3A_31, %get3A_32] : memref<128x64xf32, #tpu.memory_space<vmem>>, vector<128x64xf32>
    %dot_general3A = arith.constant dense<0.000000e+00> : vector<512x64xf32>
    %dot_general3A_34 = tpu.matmul %max3A_30, %get3A_33, %dot_general3A {dimension_numbers = #tpu.dot_dimension_numbers<[1], [0], [0], [1], [0, 0, 1, 1], [], []>, transpose_lhs_hint = false} : vector<512x128xf32>, vector<128x64xf32>, vector<512x64xf32> -> vector<512x64xf32>
    %get3A_35 = arith.constant 0 : index
    %get3A_36 = arith.constant 0 : index
    %get3A_37 = vector.load %arg6[%get3A_35, %get3A_36] : memref<1x64xf32, #tpu.memory_space<vmem>>, vector<1x64xf32>
    %add3A_38 = vector.broadcast %get3A_37 : vector<1x64xf32> to vector<512x64xf32>
    %add3A_39 = arith.addf %dot_general3A_34, %add3A_38 : vector<512x64xf32>
    %swap3A = arith.constant 0 : index
    %swap3A_40 = arith.constant 0 : index
    %swap3A_41 = vector.load %arg7[%swap3A, %swap3A_40] : memref<512x64xf32, #tpu.memory_space<vmem>>, vector<512x64xf32>
    tpu.vector_store %arg7[%swap3A, %swap3A_40], %add3A_39 {strides = array<i32>} : memref<512x64xf32, #tpu.memory_space<vmem>>, vector<512x64xf32>,
    %get3A_42 = arith.constant 0 : index
    %get3A_43 = arith.constant 0 : index
    %get3A_44 = vector.load %arg5[%get3A_42, %get3A_43] : memref<128x64xf32, #tpu.memory_space<vmem>>, vector<128x64xf32>
    %dot_general3A_45 = arith.constant dense<0.000000e+00> : vector<512x64xf32>
    %dot_general3A_46 = tpu.matmul %max3A_30, %get3A_44, %dot_general3A_45 {dimension_numbers = #tpu.dot_dimension_numbers<[1], [0], [0], [1], [0, 0, 1, 1], [], []>, transpose_lhs_hint = false} : vector<512x128xf32>, vector<128x64xf32>, vector<512x64xf32> -> vector<512x64xf32>
    %swap3A_47 = arith.constant 0 : index
    %swap3A_48 = arith.constant 0 : index
    %swap3A_49 = vector.load %arg8[%swap3A_47, %swap3A_48] : memref<512x64xf32, #tpu.memory_space<vmem>>, vector<512x64xf32>
    tpu.vector_store %arg8[%swap3A_47, %swap3A_48], %dot_general3A_46 {strides = array<i32>} : memref<512x64xf32, #tpu.memory_space<vmem>>, vector<512x64xf32>,
    return
  }
  func.func @transform_0(%arg0: i32) -> (i32, i32) {
    %c0_i32 = arith.constant 0 : i32
    %c0_i32_0 = arith.constant 0 : i32
    return %arg0, %c0_i32 : i32, i32
  }
  func.func @transform_1(%arg0: i32) -> (i32, i32, i32) {
    %c0_i32 = arith.constant 0 : i32
    %c0_i32_0 = arith.constant 0 : i32
    %c0_i32_1 = arith.constant 0 : i32
    return %c0_i32, %arg0, %c0_i32_0 : i32, i32, i32
  }
  func.func @transform_2(%arg0: i32) -> (i32, i32, i32) {
    %c0_i32 = arith.constant 0 : i32
    %c0_i32_0 = arith.constant 0 : i32
    %c0_i32_1 = arith.constant 0 : i32
    return %c0_i32, %arg0, %c0_i32_0 : i32, i32, i32
  }
  func.func @transform_3(%arg0: i32) -> (i32, i32) {
    %c0_i32 = arith.constant 0 : i32
    %c0_i32_0 = arith.constant 0 : i32
    %c0_i32_1 = arith.constant 0 : i32
    return %c0_i32, %c0_i32_0 : i32, i32
  }
  func.func @transform_4(%arg0: i32) -> (i32, i32) {
    %c0_i32 = arith.constant 0 : i32
    %c0_i32_0 = arith.constant 0 : i32
    %c0_i32_1 = arith.constant 0 : i32
    return %c0_i32, %c0_i32_0 : i32, i32
  }
  func.func @transform_5(%arg0: i32) -> (i32, i32) {
    %c0_i32 = arith.constant 0 : i32
    %c0_i32_0 = arith.constant 0 : i32
    %c0_i32_1 = arith.constant 0 : i32
    return %c0_i32, %c0_i32_0 : i32, i32
  }
  func.func @transform_6(%arg0: i32) -> (i32, i32) {
    %c0_i32 = arith.constant 0 : i32
    %c0_i32_0 = arith.constant 0 : i32
    return %arg0, %c0_i32 : i32, i32
  }
  func.func @transform_7(%arg0: i32) -> (i32, i32) {
    %c0_i32 = arith.constant 0 : i32
    %c0_i32_0 = arith.constant 0 : i32
    return %arg0, %c0_i32 : i32, i32
  }
}

module attributes {stable_mosaic.version = 14 : i64} {
  func.func @_combine_transform_body(%arg0: i32, %arg1: memref<512x128xf32, #tpu.memory_space<vmem>>, %arg2: memref<2x512x128xf32, #tpu.memory_space<vmem>>, %arg3: memref<2x512x128xf32, #tpu.memory_space<vmem>>, %arg4: memref<128x128xf32, #tpu.memory_space<vmem>>, %arg5: memref<128x128xf32, #tpu.memory_space<vmem>>, %arg6: memref<1x128xf32, #tpu.memory_space<vmem>>, %arg7: memref<512x128xf32, #tpu.memory_space<vmem>>, %arg8: memref<512x128xf32, #tpu.memory_space<vmem>>) attributes {dimension_semantics = [#tpu.dimension_semantics<arbitrary>], iteration_bounds = array<i64: 20>, scalar_prefetch = 0 : i64, scratch_operands = 0 : i64, tpu.core_type = #tpu.core_type<tc>, window_params = [{transform_indices = @transform_0, window_bounds = array<i64: 512, 128>}, {transform_indices = @transform_1, window_bounds = array<i64: 2, 512, 128>}, {transform_indices = @transform_2, window_bounds = array<i64: 2, 512, 128>}, {pipeline_mode = #tpu.pipeline_mode<synchronous>, transform_indices = @transform_3, window_bounds = array<i64: 128, 128>}, {pipeline_mode = #tpu.pipeline_mode<synchronous>, transform_indices = @transform_4, window_bounds = array<i64: 128, 128>}, {pipeline_mode = #tpu.pipeline_mode<synchronous>, transform_indices = @transform_5, window_bounds = array<i64: 1, 128>}, {transform_indices = @transform_6, window_bounds = array<i64: 512, 128>}, {transform_indices = @transform_7, window_bounds = array<i64: 512, 128>}]} {
    %get3A = arith.constant 0 : index
    %get3A_0 = arith.constant 0 : index
    %get3A_1 = arith.constant 0 : index
    %get3A_2 = vector.load %arg2[%get3A, %get3A_0, %get3A_1] : memref<2x512x128xf32, #tpu.memory_space<vmem>>, vector<1x512x128xf32>
    %get3A_3 = vector.shape_cast %get3A_2 : vector<1x512x128xf32> to vector<512x128xf32>
    %get3A_4 = arith.constant 1 : index
    %get3A_5 = arith.constant 0 : index
    %get3A_6 = arith.constant 0 : index
    %get3A_7 = vector.load %arg2[%get3A_4, %get3A_5, %get3A_6] : memref<2x512x128xf32, #tpu.memory_space<vmem>>, vector<1x512x128xf32>
    %get3A_8 = vector.shape_cast %get3A_7 : vector<1x512x128xf32> to vector<512x128xf32>
    %add3A = arith.addf %get3A_3, %get3A_8 : vector<512x128xf32>
    %get3A_9 = arith.constant 0 : index
    %get3A_10 = arith.constant 0 : index
    %get3A_11 = arith.constant 0 : index
    %get3A_12 = vector.load %arg3[%get3A_9, %get3A_10, %get3A_11] : memref<2x512x128xf32, #tpu.memory_space<vmem>>, vector<1x512x128xf32>
    %get3A_13 = vector.shape_cast %get3A_12 : vector<1x512x128xf32> to vector<512x128xf32>
    %get3A_14 = arith.constant 1 : index
    %get3A_15 = arith.constant 0 : index
    %get3A_16 = arith.constant 0 : index
    %get3A_17 = vector.load %arg3[%get3A_14, %get3A_15, %get3A_16] : memref<2x512x128xf32, #tpu.memory_space<vmem>>, vector<1x512x128xf32>
    %get3A_18 = vector.shape_cast %get3A_17 : vector<1x512x128xf32> to vector<512x128xf32>
    %add3A_19 = arith.addf %get3A_13, %get3A_18 : vector<512x128xf32>
    %max3A = arith.constant 1.000000e+00 : f32
    %max3A_20 = vector.broadcast %max3A : f32 to vector<512x128xf32>
    %max3A_21 = arith.maximumf %add3A_19, %max3A_20 : vector<512x128xf32>
    %div3A = arith.constant 1.000000e+00 : f32
    %div3A_22 = vector.broadcast %div3A : f32 to vector<512x128xf32>
    %div3A_23 = arith.divf %div3A_22, %max3A_21 : vector<512x128xf32>
    %get3A_24 = arith.constant 0 : index
    %get3A_25 = arith.constant 0 : index
    %get3A_26 = vector.load %arg1[%get3A_24, %get3A_25] : memref<512x128xf32, #tpu.memory_space<vmem>>, vector<512x128xf32>
    %mul3A = arith.mulf %add3A, %div3A_23 : vector<512x128xf32>
    %add3A_27 = arith.addf %get3A_26, %mul3A : vector<512x128xf32>
    %max3A_28 = arith.constant 0.000000e+00 : f32
    %max3A_29 = vector.broadcast %max3A_28 : f32 to vector<512x128xf32>
    %max3A_30 = arith.maximumf %add3A_27, %max3A_29 : vector<512x128xf32>
    %get3A_31 = arith.constant 0 : index
    %get3A_32 = arith.constant 0 : index
    %get3A_33 = vector.load %arg4[%get3A_31, %get3A_32] : memref<128x128xf32, #tpu.memory_space<vmem>>, vector<128x128xf32>
    %dot_general3A = arith.constant dense<0.000000e+00> : vector<512x128xf32>
    %dot_general3A_34 = tpu.matmul %max3A_30, %get3A_33, %dot_general3A {dimension_numbers = #tpu.dot_dimension_numbers<[1], [0], [0], [1], [0, 0, 1, 1], [], []>, transpose_lhs_hint = false} : vector<512x128xf32>, vector<128x128xf32>, vector<512x128xf32> -> vector<512x128xf32>
    %get3A_35 = arith.constant 0 : index
    %get3A_36 = arith.constant 0 : index
    %get3A_37 = vector.load %arg6[%get3A_35, %get3A_36] : memref<1x128xf32, #tpu.memory_space<vmem>>, vector<1x128xf32>
    %add3A_38 = vector.broadcast %get3A_37 : vector<1x128xf32> to vector<512x128xf32>
    %add3A_39 = arith.addf %dot_general3A_34, %add3A_38 : vector<512x128xf32>
    %swap3A = arith.constant 0 : index
    %swap3A_40 = arith.constant 0 : index
    %swap3A_41 = vector.load %arg7[%swap3A, %swap3A_40] : memref<512x128xf32, #tpu.memory_space<vmem>>, vector<512x128xf32>
    tpu.vector_store %arg7[%swap3A, %swap3A_40], %add3A_39 {strides = array<i32>} : memref<512x128xf32, #tpu.memory_space<vmem>>, vector<512x128xf32>,
    %get3A_42 = arith.constant 0 : index
    %get3A_43 = arith.constant 0 : index
    %get3A_44 = vector.load %arg5[%get3A_42, %get3A_43] : memref<128x128xf32, #tpu.memory_space<vmem>>, vector<128x128xf32>
    %dot_general3A_45 = arith.constant dense<0.000000e+00> : vector<512x128xf32>
    %dot_general3A_46 = tpu.matmul %max3A_30, %get3A_44, %dot_general3A_45 {dimension_numbers = #tpu.dot_dimension_numbers<[1], [0], [0], [1], [0, 0, 1, 1], [], []>, transpose_lhs_hint = false} : vector<512x128xf32>, vector<128x128xf32>, vector<512x128xf32> -> vector<512x128xf32>
    %swap3A_47 = arith.constant 0 : index
    %swap3A_48 = arith.constant 0 : index
    %swap3A_49 = vector.load %arg8[%swap3A_47, %swap3A_48] : memref<512x128xf32, #tpu.memory_space<vmem>>, vector<512x128xf32>
    tpu.vector_store %arg8[%swap3A_47, %swap3A_48], %dot_general3A_46 {strides = array<i32>} : memref<512x128xf32, #tpu.memory_space<vmem>>, vector<512x128xf32>,
    return
  }
  func.func @transform_0(%arg0: i32) -> (i32, i32) {
    %c0_i32 = arith.constant 0 : i32
    %c0_i32_0 = arith.constant 0 : i32
    return %arg0, %c0_i32 : i32, i32
  }
  func.func @transform_1(%arg0: i32) -> (i32, i32, i32) {
    %c0_i32 = arith.constant 0 : i32
    %c0_i32_0 = arith.constant 0 : i32
    %c0_i32_1 = arith.constant 0 : i32
    return %c0_i32, %arg0, %c0_i32_0 : i32, i32, i32
  }
  func.func @transform_2(%arg0: i32) -> (i32, i32, i32) {
    %c0_i32 = arith.constant 0 : i32
    %c0_i32_0 = arith.constant 0 : i32
    %c0_i32_1 = arith.constant 0 : i32
    return %c0_i32, %arg0, %c0_i32_0 : i32, i32, i32
  }
  func.func @transform_3(%arg0: i32) -> (i32, i32) {
    %c0_i32 = arith.constant 0 : i32
    %c0_i32_0 = arith.constant 0 : i32
    %c0_i32_1 = arith.constant 0 : i32
    return %c0_i32, %c0_i32_0 : i32, i32
  }
  func.func @transform_4(%arg0: i32) -> (i32, i32) {
    %c0_i32 = arith.constant 0 : i32
    %c0_i32_0 = arith.constant 0 : i32
    %c0_i32_1 = arith.constant 0 : i32
    return %c0_i32, %c0_i32_0 : i32, i32
  }
  func.func @transform_5(%arg0: i32) -> (i32, i32) {
    %c0_i32 = arith.constant 0 : i32
    %c0_i32_0 = arith.constant 0 : i32
    %c0_i32_1 = arith.constant 0 : i32
    return %c0_i32, %c0_i32_0 : i32, i32
  }
  func.func @transform_6(%arg0: i32) -> (i32, i32) {
    %c0_i32 = arith.constant 0 : i32
    %c0_i32_0 = arith.constant 0 : i32
    return %arg0, %c0_i32 : i32, i32
  }
  func.func @transform_7(%arg0: i32) -> (i32, i32) {
    %c0_i32 = arith.constant 0 : i32
    %c0_i32_0 = arith.constant 0 : i32
    return %arg0, %c0_i32 : i32, i32
  }
}

module attributes {stable_mosaic.version = 14 : i64} {
  func.func @_final_body(%arg0: i32, %arg1: memref<512x64xf32, #tpu.memory_space<vmem>>, %arg2: memref<2x512x64xf32, #tpu.memory_space<vmem>>, %arg3: memref<2x512x128xf32, #tpu.memory_space<vmem>>, %arg4: memref<512x64xf32, #tpu.memory_space<vmem>>) attributes {dimension_semantics = [#tpu.dimension_semantics<arbitrary>], iteration_bounds = array<i64: 20>, scalar_prefetch = 0 : i64, scratch_operands = 0 : i64, tpu.core_type = #tpu.core_type<tc>, window_params = [{transform_indices = @transform_0, window_bounds = array<i64: 512, 64>}, {transform_indices = @transform_1, window_bounds = array<i64: 2, 512, 64>}, {transform_indices = @transform_2, window_bounds = array<i64: 2, 512, 128>}, {transform_indices = @transform_3, window_bounds = array<i64: 512, 64>}]} {
    %get3A = arith.constant 0 : index
    %get3A_0 = arith.constant 0 : index
    %get3A_1 = arith.constant 0 : index
    %get3A_2 = vector.load %arg2[%get3A, %get3A_0, %get3A_1] : memref<2x512x64xf32, #tpu.memory_space<vmem>>, vector<1x512x64xf32>
    %get3A_3 = vector.shape_cast %get3A_2 : vector<1x512x64xf32> to vector<512x64xf32>
    %get3A_4 = arith.constant 1 : index
    %get3A_5 = arith.constant 0 : index
    %get3A_6 = arith.constant 0 : index
    %get3A_7 = vector.load %arg2[%get3A_4, %get3A_5, %get3A_6] : memref<2x512x64xf32, #tpu.memory_space<vmem>>, vector<1x512x64xf32>
    %get3A_8 = vector.shape_cast %get3A_7 : vector<1x512x64xf32> to vector<512x64xf32>
    %add3A = arith.addf %get3A_3, %get3A_8 : vector<512x64xf32>
    %get3A_9 = arith.constant 0 : index
    %get3A_10 = arith.constant 0 : index
    %get3A_11 = arith.constant 0 : index
    %get3A_12 = vector.load %arg3[%get3A_9, %get3A_10, %get3A_11] : memref<2x512x128xf32, #tpu.memory_space<vmem>>, vector<1x512x128xf32>
    %get3A_13 = vector.shape_cast %get3A_12 : vector<1x512x128xf32> to vector<512x128xf32>
    %slice3A = vector.extract_strided_slice %get3A_13 {offsets = [0, 0], sizes = [512, 64], strides = [1, 1]} : vector<512x128xf32> to vector<512x64xf32>
    %get3A_14 = arith.constant 1 : index
    %get3A_15 = arith.constant 0 : index
    %get3A_16 = arith.constant 0 : index
    %get3A_17 = vector.load %arg3[%get3A_14, %get3A_15, %get3A_16] : memref<2x512x128xf32, #tpu.memory_space<vmem>>, vector<1x512x128xf32>
    %get3A_18 = vector.shape_cast %get3A_17 : vector<1x512x128xf32> to vector<512x128xf32>
    %slice3A_19 = vector.extract_strided_slice %get3A_18 {offsets = [0, 0], sizes = [512, 64], strides = [1, 1]} : vector<512x128xf32> to vector<512x64xf32>
    %add3A_20 = arith.addf %slice3A, %slice3A_19 : vector<512x64xf32>
    %max3A = arith.constant 1.000000e+00 : f32
    %max3A_21 = vector.broadcast %max3A : f32 to vector<512x64xf32>
    %max3A_22 = arith.maximumf %add3A_20, %max3A_21 : vector<512x64xf32>
    %div3A = arith.constant 1.000000e+00 : f32
    %div3A_23 = vector.broadcast %div3A : f32 to vector<512x64xf32>
    %div3A_24 = arith.divf %div3A_23, %max3A_22 : vector<512x64xf32>
    %get3A_25 = arith.constant 0 : index
    %get3A_26 = arith.constant 0 : index
    %get3A_27 = vector.load %arg1[%get3A_25, %get3A_26] : memref<512x64xf32, #tpu.memory_space<vmem>>, vector<512x64xf32>
    %mul3A = arith.mulf %add3A, %div3A_24 : vector<512x64xf32>
    %add3A_28 = arith.addf %get3A_27, %mul3A : vector<512x64xf32>
    %swap3A = arith.constant 0 : index
    %swap3A_29 = arith.constant 0 : index
    %swap3A_30 = vector.load %arg4[%swap3A, %swap3A_29] : memref<512x64xf32, #tpu.memory_space<vmem>>, vector<512x64xf32>
    tpu.vector_store %arg4[%swap3A, %swap3A_29], %add3A_28 {strides = array<i32>} : memref<512x64xf32, #tpu.memory_space<vmem>>, vector<512x64xf32>,
    return
  }
  func.func @transform_0(%arg0: i32) -> (i32, i32) {
    %c0_i32 = arith.constant 0 : i32
    %c0_i32_0 = arith.constant 0 : i32
    return %arg0, %c0_i32 : i32, i32
  }
  func.func @transform_1(%arg0: i32) -> (i32, i32, i32) {
    %c0_i32 = arith.constant 0 : i32
    %c0_i32_0 = arith.constant 0 : i32
    %c0_i32_1 = arith.constant 0 : i32
    return %c0_i32, %arg0, %c0_i32_0 : i32, i32, i32
  }
  func.func @transform_2(%arg0: i32) -> (i32, i32, i32) {
    %c0_i32 = arith.constant 0 : i32
    %c0_i32_0 = arith.constant 0 : i32
    %c0_i32_1 = arith.constant 0 : i32
    return %c0_i32, %arg0, %c0_i32_0 : i32, i32, i32
  }
  func.func @transform_3(%arg0: i32) -> (i32, i32) {
    %c0_i32 = arith.constant 0 : i32
    %c0_i32_0 = arith.constant 0 : i32
    return %arg0, %c0_i32 : i32, i32
  }
}

</mosaic_0001>

<sc_bundles>
// kernel: kernel.10.cloned.1.call-start
scs
__scs_entry_jumppad:
0x0: {  	(pc) =	sbr.rel $0x88, $3  }
0x1: {  	(tag) =	ssettag $0x0;
	lr =	simm.s32 $0x1  }
0x2: {  	[smem:$0x3F96] =	sst lr;
	_ =	strace $0xD0000000  }
0x3: {  	_ = 	snop  }
0x4: {  	_ = 	snop  }
0x5: {  	_ = 	snop  }
0x6: {  	_ = 	snop  }
0x7: {  	_ = 	snop  }
__scs_overlays_trampoline_lowered:
0x8: {  	[smem:$0x3FA5] =	sst s0  }
0x9: {  	[smem:$0x3FA6] =	sst s1  }
0xa: {  	[smem:$0x3FA7] =	sst s2  }
0xb: {  	[smem:$0x3FA8] =	sst s3  }
0xc: {  	[smem:$0x3FA9] =	sst s4  }
0xd: {  	[smem:$0x3FAA] =	sst s5  }
0xe: {  	[smem:$0x3FAB] =	sst s6  }
0xf: {  	[smem:$0x3FAC] =	sst s7  }
0x10: {  	[smem:$0x3FAD] =	sst s8  }
0x11: {  	[smem:$0x3FAE] =	sst s9;
	s0 =	simm.s32 @!p0 $0x0  }
0x12: {  	s1 =	sld [smem:$0x3F94];
	s0 =	simm.s32 @p0 $0x1  }
0x13: {  	[smem:$0x3FAF] =	sst s0;
	s0 =	simm.s32 @!p1 $0x0  }
0x14: {  	s2 =	sld [smem:$0x3F93];
	s0 =	simm.s32 @p1 $0x1  }
0x15: {  	[smem:$0x3FB0] =	sst s0;
	s0 =	simm.s32 @!p2 $0x0  }
0x16: {  	s3 =	sld [smem:$0x3FDB];
	s0 =	simm.s32 @p2 $0x1  }
0x17: {  	s4 =	simm.s32 $0x1BF5;
	[smem:$0x3FB2] =	sst s0  }
0x18: {  	s0 =	sld [smem:$0x3F95];
	_ =	swait.ge [sflag:s4], $0x0  }
0x19: {  	s7 =	sld [smem:$0x3F96]  }
0x1a: {  	s8 =	sadd.s32 $0xFFFFE003, lr  }
0x1b: {  	s9 =	sadd.s32 $0xFFFFFEF7, lr;
	s5 =	simm.s32 $0xFFFFFFFF;
	p2 =	slt.u32 s8, $0xFFFFF086  }
0x1c: {  	p1 =	slt.u32 s9, $0xF7A;
	s5 =	simm.s32 @!p2 $0x0  }
0x1d: {  	s5 =	simm.s32 @p1 $0x1;
	p0 =	seq.s32 s7, s2  }
0x1e: {  	s7 =	smul.u32 @!p0 $0xF7A, s2;
	p2 =	seq.s32 @!p0 s5, $0x0  }
0x1f: {  	s9 =	smul.u32 $0xF7A, s1;
	s8 =	simm.s32 @!p0 $0x1BF5;
	p2 =	por !p2, p0  }
0x20: {  	[sflag:s8] =	ssyncset.s32 @!p0 $0xFFFFF086;
	s6 =	sadd.s32 @!p0 s3, s7;
	s7 =	simm.s32 @!p0 $0x108  }
0x21: {  	s3 =	sadd.s32 s3, s9;
	s6 =	sadd.s32 @!p0 $0x88, s6;
	s7 =	simm.s32 @p2 $0x1082  }
0x22: {  	[simem:s7], [sflag:s8] =	dma.local @!p0 [hbm:s6], $0xF7A  }
0x23: {  	s9 =	sor.u32 $0xD0000000, s2;
	s6 =	simm.s32 $0x108;
	_ =	swait.ge @!p0 [sflag:s8], $0x0  }
0x24: {  	s3 =	sadd.s32 $0x88, s3;
	s6 =	simm.s32 @!p1 $0x1082;
	[sflag:s4] =	ssyncset.s32 $0xFFFFF086  }
0x25: {  	[simem:s6], [sflag:s4] =	dma.local [hbm:s3], $0xF7A  }
0x26: {  	[smem:$0x3F96] =	sst s1;
	(tag) =	ssettag s2;
	_ =	strace s9  }
0x27: {  	s1 =	sld [smem:$0x3FA6]  }
0x28: {  	s2 =	sld [smem:$0x3FA7]  }
0x29: {  	s4 =	sld [smem:$0x3FA9]  }
0x2a: {  	p0 =	seq.s32 s5, $0x0;
	s5 =	sld [smem:$0x3FAA]  }
0x2b: {  	s6 =	sld [smem:$0x3FAB]  }
0x2c: {  	s7 =	sld [smem:$0x3FAC]  }
0x2d: {  	s3 =	simm.s32 $0x108;
	s8 =	sld [smem:$0x3FAD]  }
0x2e: {  	s3 =	simm.s32 @!p0 $0x1082;
	s9 =	sld [smem:$0x3FAE]  }
0x2f: {  	lr =	sadd.s32 s0, s3;
	s0 =	sld [smem:$0x3FA5]  }
0x30: {  	s3 =	sld [smem:$0x3FA8]  }
0x31: {  	[smem:$0x3FB1] =	sst s10  }
0x32: {  	s10 =	sld [smem:$0x3FAF];
	_ =	sdelay $0x3  }
0x33: {  	p0 =	seq.s32 s10, $0x1;
	s10 =	sld [smem:$0x3FB1];
	_ =	sdelay $0x3  }
0x34: {  	[smem:$0x3FB1] =	sst s10  }
0x35: {  	s10 =	sld [smem:$0x3FB0];
	_ =	sdelay $0x3  }
0x36: {  	p1 =	seq.s32 s10, $0x1;
	s10 =	sld [smem:$0x3FB1];
	_ =	sdelay $0x3  }
0x37: {  	[smem:$0x3FB1] =	sst s10  }
0x38: {  	s10 =	sld [smem:$0x3FB2]  }
0x39: {  	_ = 	snop;
	(pc) =	sbr.ind lr, $3  }
0x3a: {  	_ = 	snop  }
0x3b: {  	_ = 	snop  }
0x3c: {  	p2 =	seq.s32 s10, $0x1;
	s10 =	sld [smem:$0x3FB1]  }
0x3d: {  	_ =	shalt  }
0x3e: {  	_ =	shalt  }
0x3f: {  	_ =	shalt  }
0x40: {  	_ =	shalt  }
0x41: {  	_ =	shalt  }
0x42: {  	_ =	shalt  }
0x43: {  	_ =	shalt  }
0x44: {  	_ =	shalt  }
0x45: {  	_ =	shalt  }
0x46: {  	_ =	shalt  }
0x47: {  	_ =	shalt  }
0x48: {  	_ =	shalt  }
0x49: {  	_ =	shalt  }
0x4a: {  	_ =	shalt  }
0x4b: {  	_ =	shalt  }
0x4c: {  	_ =	shalt  }
0x4d: {  	_ =	shalt  }
0x4e: {  	_ =	shalt  }
0x4f: {  	_ =	shalt  }
0x50: {  	_ =	shalt  }
0x51: {  	_ =	shalt  }
0x52: {  	_ =	shalt  }
0x53: {  	_ =	shalt  }
0x54: {  	_ =	shalt  }
0x55: {  	_ =	shalt  }
0x56: {  	_ =	shalt  }
0x57: {  	_ =	shalt  }
0x58: {  	_ =	shalt  }
0x59: {  	_ =	shalt  }
0x5a: {  	_ =	shalt  }
0x5b: {  	_ =	shalt  }
0x5c: {  	_ =	shalt  }
0x5d: {  	_ =	shalt  }
0x5e: {  	_ =	shalt  }
0x5f: {  	_ =	shalt  }
0x60: {  	_ =	shalt  }
0x61: {  	_ =	shalt  }
0x62: {  	_ =	shalt  }
0x63: {  	_ =	shalt  }
0x64: {  	_ =	shalt  }
0x65: {  	_ =	shalt  }
0x66: {  	_ =	shalt  }
0x67: {  	_ =	shalt  }
0x68: {  	_ =	shalt  }
0x69: {  	_ =	shalt  }
0x6a: {  	_ =	shalt  }
0x6b: {  	_ =	shalt  }
0x6c: {  	_ =	shalt  }
0x6d: {  	_ =	shalt  }
0x6e: {  	_ =	shalt  }
0x6f: {  	_ =	shalt  }
0x70: {  	_ =	shalt  }
0x71: {  	_ =	shalt  }
0x72: {  	_ =	shalt  }
0x73: {  	_ =	shalt  }
0x74: {  	_ =	shalt  }
0x75: {  	_ =	shalt  }
0x76: {  	_ =	shalt  }
0x77: {  	_ =	shalt  }
0x78: {  	_ =	shalt  }
0x79: {  	_ =	shalt  }
0x7a: {  	_ =	shalt  }
0x7b: {  	_ =	shalt  }
0x7c: {  	_ =	shalt  }
0x7d: {  	_ =	shalt  }
0x7e: {  	_ =	shalt  }
0x7f: {  	_ =	shalt  }
0x80: {  	_ =	shalt  }
0x81: {  	_ =	shalt  }
0x82: {  	_ =	shalt  }
0x83: {  	_ =	shalt  }
0x84: {  	_ =	shalt  }
0x85: {  	_ =	shalt  }
0x86: {  	_ =	shalt  }
0x87: {  	_ =	shalt  }
.Lfunc_end0:
.L_simem_size_0:
called_computation_lowered:
.L_overlay_start_0:
0x88: {  	s2 =	sld [smem:$0x3FD9]  }
0x89: {  	s3 =	sld [smem:$0x3FFE];
	_ =	sdelay $0x1  }
0x8a: {  	s1 =	srdreg.scid  }
0x8b: {  	s0 =	sand.u32 $0x1, s1  }
0x8c: {  	s17 =	sshll.u32 s0, $0xA;
	s2 =	sadd.s32 s3, s2  }
0x8d: {  	s2 =	sadd.s32 s2, s17  }
0x8e: {  	[smem:$0x3FBD] =	sst s2  }
0x8f: {  	_ = 	snop  }
0x90: {  	(tm) =	ssettm $0x1  }
0x91: {  	s18 =	sld [smem:$0x3FFB];
	_ =	sdelay $0x3  }
0x92: {  	_ =	strace s18  }
0x93: {  	s2 =	sld [smem:$0x3FFC];
	_ =	sdelay $0x3  }
0x94: {  	_ =	strace s2  }
0x95: {  	s2 =	sld [smem:$0x3FFD];
	_ =	sdelay $0x3  }
0x96: {  	_ =	strace s2  }
0x97: {  	_ =	strace $0x8FFFFFFF  }
0x98: {  	s19 =	sld [smem:$0x3FDB];
	_ =	sdelay $0x1  }
0x99: {  	s20 =	simm.s32 $_scs_section_size  }
0x9a: {  	s4 =	simm.s32 $_size__tile_overlayer_lowered;
	s5 =	simm.s32 $_tile_overlayer_lowered  }
0x9b: {  	s6 =	simm.s32 $0x1BFF;
	s21 =	sshll.u32 s5, $0x1;
	s3 =	sadd.s32 s20, s19  }
0x9c: {  	s22 =	simm.s32 $0x0;
	s4 =	sshll.u32 s4, $0x1;
	s5 =	sadd.s32 s21, s3  }
0x9d: {  	[timem:s22], [sflag:s6] =	dma.local [hbm:s5], s4  }
0x9e: {  	_ =	swait.ge [sflag:s6], s4  }
0x9f: {  	s4 =	ssub.s32 $0x0, s4;
	[sflag:s6] =	ssyncset.done $0x0  }
0xa0: {  	[sflag:s6] =	ssyncadd.s32 s4;
	_ =	sdelay $0x1  }
0xa1: {  	s23 =	simm.s32 $0x1B8B  }
0xa2: {  	_ =	swait.ge [sflag:s23], $0x1  }
0xa3: {  	[sflag:s23] =	ssyncset.done $0x0  }
0xa4: {  	[sflag:s23] =	ssyncadd.s32 $0xFFFFFFFF  }
0xa5: {  	s4 =	sld [smem:$0x0]  }
0xa6: {  	s5 =	sand.u32 $0xFFFFFFFE, s1  }
0xa7: {  	p0 =	sne.s32 s1, s5  }
0xa8: {  	s5 =	sshll.u32 @p0 s5, $0xE  }
0xa9: {  	s5 =	sadd.s32 @p0 $0x11B8D, s5;
	s6 =	sshll.u32 @p0 s4, $0x11  }
0xaa: {  	s5 =	sor.u32 @p0 s6, s5  }
0xab: {  	[sflag:s5] =	ssyncadd.remote.s32 @p0 $0x1;
	_ =	sdelay $0x1  }
0xac: {  	s5 =	simm.s32 @p0 $0x1B8D  }
0xad: {  	_ =	swait.eq @p0 [sflag:s5], $0x1  }
0xae: {  	[sflag:s5] =	ssyncadd.s32 @p0 $0xFFFFFFFF  }
0xaf: {  	s6 =	sshll.u32 @!p0 s1, $0xE  }
0xb0: {  	s6 =	sor.u32 @!p0 $0x4000, s6;
	s5 =	simm.s32 @!p0 $0x1B8D  }
0xb1: {  	s4 =	sshll.u32 @!p0 s4, $0x11;
	s6 =	sadd.s32 @!p0 $0x11B8D, s6;
	_ =	swait.eq @!p0 [sflag:s5], $0x1  }
0xb2: {  	s4 =	sor.u32 @!p0 s4, s6;
	[sflag:s5] =	ssyncadd.s32 @!p0 $0xFFFFFFFF  }
0xb3: {  	s25 =	simm.s32 $0x1B8E;
	s24 =	sld [smem:$0x3FFE];
	[sflag:s4] =	ssyncadd.remote.s32 @!p0 $0x1  }
0xb4: {  	s26 =	simm.s32 $execute0_lowered;
	[smem:$0x3FD2] =	sst s25  }
0xb5: {  	s5 =	sshll.u32 s26, $0x1;
	_ =	strace $0x80000049;
	[dreg:$0x1] =	wrdreg $0xFFFFFFFF  }
0xb6: {  	s28 =	simm.s32 $_size_execute0_lowered;
	s3 =	sadd.s32 s3, s5;
	[dreg:$0x0] =	wrdreg $0x0  }
0xb7: {  	s5 =	sshll.u32 s28, $0x1;
	[dreg:$0x2] =	wrdreg s3  }
0xb8: {  	[dreg:$0x3] =	wrdreg s5  }
0xb9: {  	[dreg:$0x4] =	wrdreg $0xC0  }
0xba: {  	_ =	task [dreg:s22], $0x5FFFF  }
0xbb: {  	[dreg:$0x1] =	wrdreg $0xFFFFFFFF  }
0xbc: {  	[dreg:$0x0] =	wrdreg $0x60  }
0xbd: {  	[dreg:$0x2] =	wrdreg s24  }
0xbe: {  	[dreg:$0x3] =	wrdreg $0x0  }
0xbf: {  	[dreg:$0x4] =	wrdreg $0x9  }
0xc0: {  	_ =	task.clear_ibuf [dreg:s22], $0x5FFFF;
	_ =	strace $0x90000049  }
0xc1: {  	s29 =	simm.s32 $0x9;
	_ =	strace $0x8000004B  }
0xc2: {  	_ =	swait.ge [sflag:s29], $0x1  }
0xc3: {  	[sflag:s29] =	ssyncadd.s32 $0xFFFFFFFF  }
0xc4: {  	_ =	strace $0x9000004B  }
0xc5: {  	_ =	sfence  }
0xc6: {  	s30 =	sld [smem:$0x0];
	_ =	sdelay $0x2  }
0xc7: {  	s31 =	sshll.u32 s1, $0xD;
	s1 =	sshrl.u32 s1, $0x2  }
0xc8: {  	s4 =	sand.u32 $0x4000, s31;
	s1 =	sadd.s32 s1, s30  }
0xc9: {  	s0 =	sor.u32 s4, s0;
	s1 =	sshll.u32 s1, $0x11  }
0xca: {  	s0 =	sor.u32 s1, s0  }
0xcb: {  	s0 =	sadd.s32 $0x8F2B, s0  }
0xcc: {  	[sflag:s0] =	ssyncadd.remote.s32 $0x1  }
0xcd: {  	_ =	sfence.sel $0xFFFF  }
0xce: {  	[dreg:$0x0] =	wrdreg $0xFFFFFFFF;
	(pc) =	sbr.abs _section_cstart, $3  }
0xcf: {  	[dreg:$0x1] =	wrdreg $0xFFFFFFFF  }
0xd0: {  	_ =	task.clear_ibuf [dreg:s22], $0x2FFFF;
	_ =	strace $0x9FFFFFFF  }
0xd1: {  	(tm) =	ssettm $0x7FFFFFFF  }
tec
execute0_lowered:
.L_overlay_start_1:
0x0: {  	(tag) =	ssettag $0x1  }
0x1: {  	s0 =	rddreg [dreg:$0x0]  }
0x2: {  	s2 =	rddreg [dreg:$0x1]  }
0x3: {  	s3 =	simm.s32 $0x0;
	s12 =	stileid.u32;
	s1 =	srdreg.scid  }
0x4: {  	s28 =	simm.s32 $0x4;
	s29 =	simm.s32 $0x5;
	s30 =	simm.s32 $0x6  }
0x5: {  	s31 =	simm.s32 $0x7;
	s13 =	simm.s32 $0x14280;
	s14 =	simm.s32 $0x15680  }
0x6: {  	[smem:$0x7FF] =	sst s3;
	s4 =	smul.u32 $0x2800, s12;
	s1 =	sand.u32 $0x1, s1  }
0x7: {  	s6 =	sadd.s32 $0xB5400, s0;
	s15 =	sadd.s32 $0x2600, s0;
	s7 =	smul.u32 $0x50000, s12  }
0x8: {  	s11 =	smul.u32 $0x2710, s12;
	s17 =	sshll.u32 s12, $0x6;
	_ =	strace $0x8000004A  }
0x9: {  	s5 =	smul.u32 $0x28000, s1;
	[dreg:$0x6] =	wrdreg s6;
	s9 =	ssub.s32 $0x2, s1  }
0xa: {  	s1 =	smul.u32 $0x27100, s1;
	s8 =	sadd.s32 s4, s0;
	s10 =	sshrl.u32 s9, $0x1  }
0xb: {  	s7 =	sshrl.u32 s7, $0x2;
	s0 =	sadd.s32 s5, s0;
	s16 =	ssub.s32 s9, s10  }
0xc: {  	s7 =	sadd.s32 s7, s2;
	s8 =	sadd.s32 $0x3D400, s8;
	s1 =	sadd.s32 s11, s1  }
0xd: {  	s10 =	sor.u32 $0x1C0B, s17;
	s17 =	simm.s32 $0x14000;
	s11 =	simm.s32 $0x0  }
0xe: {  	[dreg:$0x7] =	wrdreg s8;
	s0 =	sadd.s32 $0xDC600, s0;
	s18 =	sadd.s32 $0xA0, s1  }
0xf: {  	s5 =	smax.u32 s16, $0x1;
	s20 =	sadd.s32 $0x78, s1;
	s21 =	sadd.s32 $0x50, s1  }
0x10: {  	s25 =	sadd.s32 $0x28, s1;
	s1 =	sshrl.u32 s1, $0x3;
	s6 =	sshrl.u32 s7, $0x3  }
0x11: {  	s7 =	simm.s32 $0xB;
	[dreg:$0x8] =	wrdreg s10;
	s16 =	simm.s32 $0x17E80  }
0x12: {  	[dreg:$0x9] =	wrdreg s5;
	s19 =	sshrl.u32 s18, $0x3;
	s8 =	sshrl.u32 s20, $0x3  }
0x13: {  	s23 =	sshrl.u32 s21, $0x3;
	s26 =	sshrl.u32 s25, $0x3;
	s9 =	sadd.s32 s1, s15  }
0x14: {  	s18 =	simm.s32 $0x14080;
	s20 =	simm.s32 $0x14180;
	s21 =	simm.s32 $0x14200  }
0x15: {  	s0 =	sadd.s32 s4, s0;
	s25 =	simm.s32 $0x2;
	s1 =	simm.s32 $0x9  }
0x16: {  	[dreg:$0xa] =	wrdreg s6;
	s5 =	sadd.s32 s19, s15;
	s22 =	sadd.s32 s8, s15  }
0x17: {  	s24 =	sadd.s32 s23, s15;
	s8 =	sadd.s32 s26, s15;
	[dreg:$0xb] =	wrdreg s0  }
0x18: {  	s19 =	simm.s32 $0x14100;
	s23 =	simm.s32 $0x28;
	[dreg:$0x3] =	wrdreg s5  }
0x19: {  	s26 =	simm.s32 $0x3;
	s0 =	simm.s32 $0x8;
	[dreg:$0x4] =	wrdreg s22  }
0x1a: {  	[dreg:$0x5] =	wrdreg s24;
	s22 =	simm.s32 $0x1;
	s5 =	simm.s32 $0xA  }
.LBB2_1:
0x1b: {  	[dreg:$0xc] =	wrdreg s11  }
0x1c: {  	s4 =	rddreg [dreg:$0x7]  }
0x1d: {  	[spmem:s6], [sflag:s10] =	dma.local [hbm:s4], $0x2800  }
0x1e: {  	_ =	swait.ge [sflag:s7], $0x2800  }
0x1f: {  	[sflag:s7] =	ssyncset.done $0x0  }
0x20: {  	s11 =	simm.s32 $0x14280;
	s10 =	rddreg [dreg:$0x6];
	[sflag:s7] =	ssyncadd.s32 $0xFFFFD800  }
0x21: {  	[tilespmem:s11], [sflag:$0xB] =	stream.linear.gather [hbm4b:s10+s3], $0x1400, $0x38;
	[tilespmem:$0x1A680] =	vst v63  }
0x22: {  	_ =	swait.ge [sflag:s7], $0x1400  }
0x23: {  	[sflag:s7] =	ssyncset.done $0x0  }
0x24: {  	s15 =	simm.s32 $0x15680;
	[sflag:s7] =	ssyncadd.s32 $0xFFFFEC00  }
0x25: {  	[tilespmem:s15], [sflag:$0xB] =	stream.linear.gather [hbm4b:s10+s3], $0x1400, $0x38;
	[tilespmem:$0x1A680] =	vst v63  }
0x26: {  	_ =	swait.ge [sflag:s7], $0x1400  }
0x27: {  	[sflag:s7] =	ssyncset.done $0x0  }
0x28: {  	s24 =	simm.s32 $0x16A80;
	[sflag:s7] =	ssyncadd.s32 $0xFFFFEC00  }
0x29: {  	[tilespmem:s24], [sflag:$0xB] =	stream.linear.gather [hbm4b:s10+s3], $0x1400, $0x38;
	[tilespmem:$0x1A680] =	vst v63  }
0x2a: {  	_ =	swait.ge [sflag:s7], $0x1400  }
0x2b: {  	[sflag:s7] =	ssyncset.done $0x0  }
0x2c: {  	s12 =	simm.s32 $0x17E80;
	[sflag:s7] =	ssyncadd.s32 $0xFFFFEC00  }
0x2d: {  	[tilespmem:s12], [sflag:$0xB] =	stream.linear.gather [hbm4b:s10+s3], $0x1400, $0x38;
	[tilespmem:$0x1A680] =	vst v63  }
0x2e: {  	_ =	swait.ge [sflag:s7], $0x1400  }
0x2f: {  	[sflag:s7] =	ssyncset.done $0x0  }
0x30: {  	s12 =	simm.s32 $0x19280;
	[sflag:s7] =	ssyncadd.s32 $0xFFFFEC00  }
0x31: {  	[tilespmem:s12], [sflag:$0xB] =	stream.linear.gather [hbm4b:s10+s3], $0x1400, $0x38;
	[tilespmem:$0x1A680] =	vst v63  }
0x32: {  	_ =	swait.ge [sflag:s7], $0x1400  }
0x33: {  	[sflag:s7] =	ssyncset.done $0x0  }
0x34: {  	[sflag:s7] =	ssyncadd.s32 $0xFFFFEC00  }
0x35: {  	s7 =	sadd.s32 $0x0, s9;
	[bflag:$0x0] =	sbarrier.arrive $0xFFFF  }
0x36: {  	[tilespmem:s17], [sflag:$0x1] =	stream.linear.gather [hbm4b:s7+s3], $0x28, $0x38;
	[tilespmem:$0x1A680] =	vst v63  }
0x37: {  	s10 =	sadd.s32 $0x0, s8;
	s4 =	rddreg [dreg:$0x5]  }
0x38: {  	[tilespmem:s18], [sflag:$0x2] =	stream.linear.gather [hbm4b:s10+s3], $0x28, $0x38;
	[tilespmem:$0x1A680] =	vst v63  }
0x39: {  	s7 =	rddreg [dreg:$0x4];
	s4 =	sadd.s32 $0x0, s4  }
0x3a: {  	[tilespmem:s19], [sflag:$0x3] =	stream.linear.gather [hbm4b:s4+s3], $0x28, $0x38;
	[tilespmem:$0x1A680] =	vst v63  }
0x3b: {  	s6 =	rddreg [dreg:$0x3];
	s7 =	sadd.s32 $0x0, s7  }
0x3c: {  	[tilespmem:s20], [sflag:$0x4] =	stream.linear.gather [hbm4b:s7+s3], $0x28, $0x38;
	[tilespmem:$0x1A680] =	vst v63  }
0x3d: {  	s10 =	sadd.s32 $0x0, s6  }
0x3e: {  	[tilespmem:s21], [sflag:$0x5] =	stream.linear.gather [hbm4b:s10+s3], $0x28, $0x38;
	[tilespmem:$0x1A680] =	vst v63  }
0x3f: {  	_ =	swait.ge [sflag:s22], $0x28  }
0x40: {  	[sflag:s22] =	ssyncset.done $0x0  }
0x41: {  	[sflag:s22] =	ssyncadd.s32 $0xFFFFFFD8  }
0x42: {  	[spmem:s2] =	stream.indirect.scatter.add.f32 [tilespmem:s11], [sflag:$0x6], $0x80, s17, s23, $0xb8;
	[tilespmem:$0x1A680] =	vst v63  }
0x43: {  	_ =	swait.ge [sflag:s25], $0x28  }
0x44: {  	[sflag:s25] =	ssyncset.done $0x0  }
0x45: {  	[sflag:s25] =	ssyncadd.s32 $0xFFFFFFD8  }
0x46: {  	[spmem:s2] =	stream.indirect.scatter.add.f32 [tilespmem:s15], [sflag:$0x7], $0x80, s18, s23, $0xb8;
	[tilespmem:$0x1A680] =	vst v63  }
0x47: {  	_ =	swait.ge [sflag:s26], $0x28  }
0x48: {  	[sflag:s26] =	ssyncset.done $0x0  }
0x49: {  	[sflag:s26] =	ssyncadd.s32 $0xFFFFFFD8  }
0x4a: {  	[spmem:s2] =	stream.indirect.scatter.add.f32 [tilespmem:s24], [sflag:$0x8], $0x80, s19, s23, $0xb8;
	[tilespmem:$0x1A680] =	vst v63  }
0x4b: {  	_ =	swait.ge [sflag:s28], $0x28  }
0x4c: {  	[sflag:s28] =	ssyncset.done $0x0  }
0x4d: {  	s24 =	simm.s32 $0x17E80;
	[sflag:s28] =	ssyncadd.s32 $0xFFFFFFD8  }
0x4e: {  	[spmem:s2] =	stream.indirect.scatter.add.f32 [tilespmem:s24], [sflag:$0x9], $0x80, s20, s23, $0xb8;
	[tilespmem:$0x1A680] =	vst v63  }
0x4f: {  	_ =	swait.ge [sflag:s29], $0x28  }
0x50: {  	[sflag:s29] =	ssyncset.done $0x0  }
0x51: {  	[sflag:s29] =	ssyncadd.s32 $0xFFFFFFD8  }
0x52: {  	[spmem:s2] =	stream.indirect.scatter.add.f32 [tilespmem:s12], [sflag:$0xA], $0x80, s21, s23, $0xb8;
	[tilespmem:$0x1A680] =	vst v63  }
0x53: {  	_ =	swait.ge [sflag:s30], $0x1400  }
0x54: {  	[sflag:s30] =	ssyncset.done $0x0  }
0x55: {  	[sflag:s30] =	ssyncadd.s32 $0xFFFFEC00  }
0x56: {  	_ =	swait.ge [sflag:s31], $0x1400  }
0x57: {  	[sflag:s31] =	ssyncset.done $0x0  }
0x58: {  	[sflag:s31] =	ssyncadd.s32 $0xFFFFEC00  }
0x59: {  	_ =	swait.ge [sflag:s0], $0x1400  }
0x5a: {  	[sflag:s0] =	ssyncset.done $0x0  }
0x5b: {  	[sflag:s0] =	ssyncadd.s32 $0xFFFFEC00  }
0x5c: {  	_ =	swait.ge [sflag:s1], $0x1400  }
0x5d: {  	[sflag:s1] =	ssyncset.done $0x0  }
0x5e: {  	[sflag:s1] =	ssyncadd.s32 $0xFFFFEC00  }
0x5f: {  	s6 =	simm.s32 $0x32;
	s15 =	simm.s32 $0x16A80;
	_ =	swait.ge [sflag:s5], $0x1400  }
0x60: {  	s24 =	simm.s32 $0x19;
	s10 =	rddreg [dreg:$0x5];
	[sflag:s5] =	ssyncset.done $0x0  }
.LBB2_2:
0x61: {  	s7 =	sadd.s32 s24, s9;
	[sflag:s5] =	ssyncadd.s32 $0xFFFFEC00  }
0x62: {  	[tilespmem:s17], [sflag:$0x1] =	stream.linear.gather [hbm4b:s7+s3], $0x28, $0x38;
	[tilespmem:$0x1A680] =	vst v63  }
0x63: {  	s11 =	smov.u32 s6;
	s7 =	sadd.s32 s24, s8  }
0x64: {  	[tilespmem:s18], [sflag:$0x2] =	stream.linear.gather [hbm4b:s7+s3], $0x28, $0x38;
	[tilespmem:$0x1A680] =	vst v63  }
0x65: {  	s4 =	sadd.s32 $0x19, s6;
	s10 =	sadd.s32 s24, s10;
	s12 =	rddreg [dreg:$0x4]  }
0x66: {  	[tilespmem:s19], [sflag:$0x3] =	stream.linear.gather [hbm4b:s10+s3], $0x28, $0x38;
	[tilespmem:$0x1A680] =	vst v63  }
0x67: {  	p0 =	sne.s32 s6, $0x4C9;
	s6 =	rddreg [dreg:$0x3];
	s10 =	sadd.s32 s24, s12  }
0x68: {  	[tilespmem:s20], [sflag:$0x4] =	stream.linear.gather [hbm4b:s10+s3], $0x28, $0x38;
	[tilespmem:$0x1A680] =	vst v63  }
0x69: {  	s6 =	sadd.s32 s24, s6  }
0x6a: {  	[tilespmem:s21], [sflag:$0x5] =	stream.linear.gather [hbm4b:s6+s3], $0x28, $0x38;
	[tilespmem:$0x1A680] =	vst v63  }
0x6b: {  	_ =	swait.ge [sflag:s22], $0x28  }
0x6c: {  	[sflag:s22] =	ssyncset.done $0x0  }
0x6d: {  	[sflag:s22] =	ssyncadd.s32 $0xFFFFFFD8  }
0x6e: {  	[spmem:s2] =	stream.indirect.scatter.add.f32 [tilespmem:s13], [sflag:$0x6], $0x80, s17, s23, $0xb8;
	[tilespmem:$0x1A680] =	vst v63  }
0x6f: {  	_ =	swait.ge [sflag:s25], $0x28  }
0x70: {  	[sflag:s25] =	ssyncset.done $0x0  }
0x71: {  	[sflag:s25] =	ssyncadd.s32 $0xFFFFFFD8  }
0x72: {  	[spmem:s2] =	stream.indirect.scatter.add.f32 [tilespmem:s14], [sflag:$0x7], $0x80, s18, s23, $0xb8;
	[tilespmem:$0x1A680] =	vst v63  }
0x73: {  	_ =	swait.ge [sflag:s26], $0x28  }
0x74: {  	[sflag:s26] =	ssyncset.done $0x0  }
0x75: {  	[sflag:s26] =	ssyncadd.s32 $0xFFFFFFD8  }
0x76: {  	[spmem:s2] =	stream.indirect.scatter.add.f32 [tilespmem:s15], [sflag:$0x8], $0x80, s19, s23, $0xb8;
	[tilespmem:$0x1A680] =	vst v63  }
0x77: {  	_ =	swait.ge [sflag:s28], $0x28  }
0x78: {  	[sflag:s28] =	ssyncset.done $0x0  }
0x79: {  	[sflag:s28] =	ssyncadd.s32 $0xFFFFFFD8  }
0x7a: {  	[spmem:s2] =	stream.indirect.scatter.add.f32 [tilespmem:s16], [sflag:$0x9], $0x80, s20, s23, $0xb8;
	[tilespmem:$0x1A680] =	vst v63  }
0x7b: {  	_ =	swait.ge [sflag:s29], $0x28  }
0x7c: {  	[sflag:s29] =	ssyncset.done $0x0  }
0x7d: {  	s12 =	simm.s32 $0x19280;
	[sflag:s29] =	ssyncadd.s32 $0xFFFFFFD8  }
0x7e: {  	[spmem:s2] =	stream.indirect.scatter.add.f32 [tilespmem:s12], [sflag:$0xA], $0x80, s21, s23, $0xb8;
	[tilespmem:$0x1A680] =	vst v63  }
0x7f: {  	_ =	swait.ge [sflag:s30], $0x1400  }
0x80: {  	[sflag:s30] =	ssyncset.done $0x0  }
0x81: {  	[sflag:s30] =	ssyncadd.s32 $0xFFFFEC00  }
0x82: {  	_ =	swait.ge [sflag:s31], $0x1400  }
0x83: {  	[sflag:s31] =	ssyncset.done $0x0  }
0x84: {  	[sflag:s31] =	ssyncadd.s32 $0xFFFFEC00  }
0x85: {  	_ =	swait.ge [sflag:s0], $0x1400  }
0x86: {  	[sflag:s0] =	ssyncset.done $0x0  }
0x87: {  	[sflag:s0] =	ssyncadd.s32 $0xFFFFEC00  }
.Ltmp0:
0x88: {  	_ =	swait.ge [sflag:s1], $0x1400;
	(pc) =	sbr.rel @p0 .LBB2_2-.Ltmp0, $4  }
0x89: {  	[sflag:s1] =	ssyncset.done $0x0  }
0x8a: {  	[sflag:s1] =	ssyncadd.s32 $0xFFFFEC00  }
0x8b: {  	s24 =	smov.u32 s11;
	_ =	swait.ge [sflag:s5], $0x1400  }
0x8c: {  	s6 =	smov.u32 s4;
	s10 =	rddreg [dreg:$0x5];
	[sflag:s5] =	ssyncset.done $0x0  }
0x8d: {  	s4 =	sadd.s32 s24, s9;
	[sflag:s5] =	ssyncadd.s32 $0xFFFFEC00  }
0x8e: {  	[tilespmem:s17], [sflag:$0x1] =	stream.linear.gather [hbm4b:s4+s3], $0x28, $0x38;
	[tilespmem:$0x1A680] =	vst v63  }
0x8f: {  	s7 =	sadd.s32 s24, s8  }
0x90: {  	[tilespmem:s18], [sflag:$0x2] =	stream.linear.gather [hbm4b:s7+s3], $0x28, $0x38;
	[tilespmem:$0x1A680] =	vst v63  }
0x91: {  	s10 =	sadd.s32 s24, s10;
	s6 =	rddreg [dreg:$0x4]  }
0x92: {  	[tilespmem:s19], [sflag:$0x3] =	stream.linear.gather [hbm4b:s10+s3], $0x28, $0x38;
	[tilespmem:$0x1A680] =	vst v63  }
0x93: {  	s11 =	rddreg [dreg:$0x3];
	s6 =	sadd.s32 s24, s6  }
0x94: {  	[tilespmem:s20], [sflag:$0x4] =	stream.linear.gather [hbm4b:s6+s3], $0x28, $0x38;
	[tilespmem:$0x1A680] =	vst v63  }
0x95: {  	s4 =	sadd.s32 s24, s11  }
0x96: {  	[tilespmem:s21], [sflag:$0x5] =	stream.linear.gather [hbm4b:s4+s3], $0x28, $0x38;
	[tilespmem:$0x1A680] =	vst v63  }
0x97: {  	_ =	swait.ge [sflag:s22], $0x28  }
0x98: {  	[sflag:s22] =	ssyncset.done $0x0  }
0x99: {  	[sflag:s22] =	ssyncadd.s32 $0xFFFFFFD8  }
0x9a: {  	[spmem:s2] =	stream.indirect.scatter.add.f32 [tilespmem:s13], [sflag:$0x6], $0x80, s17, s23, $0xb8;
	[tilespmem:$0x1A680] =	vst v63  }
0x9b: {  	_ =	swait.ge [sflag:s25], $0x28  }
0x9c: {  	[sflag:s25] =	ssyncset.done $0x0  }
0x9d: {  	[sflag:s25] =	ssyncadd.s32 $0xFFFFFFD8  }
0x9e: {  	[spmem:s2] =	stream.indirect.scatter.add.f32 [tilespmem:s14], [sflag:$0x7], $0x80, s18, s23, $0xb8;
	[tilespmem:$0x1A680] =	vst v63  }
0x9f: {  	_ =	swait.ge [sflag:s26], $0x28  }
0xa0: {  	[sflag:s26] =	ssyncset.done $0x0  }
0xa1: {  	[sflag:s26] =	ssyncadd.s32 $0xFFFFFFD8  }
0xa2: {  	[spmem:s2] =	stream.indirect.scatter.add.f32 [tilespmem:s15], [sflag:$0x8], $0x80, s19, s23, $0xb8;
	[tilespmem:$0x1A680] =	vst v63  }
0xa3: {  	_ =	swait.ge [sflag:s28], $0x28  }
0xa4: {  	[sflag:s28] =	ssyncset.done $0x0  }
0xa5: {  	[sflag:s28] =	ssyncadd.s32 $0xFFFFFFD8  }
0xa6: {  	[spmem:s2] =	stream.indirect.scatter.add.f32 [tilespmem:s16], [sflag:$0x9], $0x80, s20, s23, $0xb8;
	[tilespmem:$0x1A680] =	vst v63  }
0xa7: {  	_ =	swait.ge [sflag:s29], $0x28  }
0xa8: {  	[sflag:s29] =	ssyncset.done $0x0  }
0xa9: {  	s12 =	simm.s32 $0x19280;
	[sflag:s29] =	ssyncadd.s32 $0xFFFFFFD8  }
0xaa: {  	[spmem:s2] =	stream.indirect.scatter.add.f32 [tilespmem:s12], [sflag:$0xA], $0x80, s21, s23, $0xb8;
	[tilespmem:$0x1A680] =	vst v63  }
0xab: {  	_ =	swait.ge [sflag:s30], $0x1400  }
0xac: {  	[sflag:s30] =	ssyncset.done $0x0  }
0xad: {  	[sflag:s30] =	ssyncadd.s32 $0xFFFFEC00  }
0xae: {  	_ =	swait.ge [sflag:s31], $0x1400  }
0xaf: {  	[sflag:s31] =	ssyncset.done $0x0  }
0xb0: {  	[sflag:s31] =	ssyncadd.s32 $0xFFFFEC00  }
0xb1: {  	_ =	swait.ge [sflag:s0], $0x1400  }
0xb2: {  	[sflag:s0] =	ssyncset.done $0x0  }
0xb3: {  	[sflag:s0] =	ssyncadd.s32 $0xFFFFEC00  }
0xb4: {  	_ =	swait.ge [sflag:s1], $0x1400  }
0xb5: {  	[sflag:s1] =	ssyncset.done $0x0  }
0xb6: {  	[sflag:s1] =	ssyncadd.s32 $0xFFFFEC00  }
0xb7: {  	_ =	swait.ge [sflag:s5], $0x1400  }
0xb8: {  	[sflag:s5] =	ssyncset.done $0x0  }
0xb9: {  	[sflag:s5] =	ssyncadd.s32 $0xFFFFEC00  }
0xba: {  	[bflag:$0x0] =	sbarrier.arrive $0xFFFF  }
0xbb: {  	s10 =	rddreg [dreg:$0x8]  }
0xbc: {  	s6 =	rddreg [dreg:$0xa]  }
0xbd: {  	s7 =	simm.s32 $0xB;
	s15 =	rddreg [dreg:$0xb]  }
0xbe: {  	[hbm:s15], [sflag:s10] =	dma.local [spmem:s6], $0x2800  }
0xbf: {  	_ =	swait.ge [sflag:s7], $0x2800  }
0xc0: {  	s11 =	rddreg [dreg:$0xc]  }
0xc1: {  	s24 =	rddreg [dreg:$0x9];
	s11 =	sadd.s32 $0x1, s11  }
0xc2: {  	p0 =	sne.s32 s11, s24  }
.Ltmp1:
0xc3: {  	_ = 	snop;
	(pc) =	sbr.rel @p0 .LBB2_1-.Ltmp1, $3  }
0xc4: {  	_ =	sdelay $0x1  }
0xc5: {  	[sflag:s7] =	ssyncset.done $0x0  }
0xc6: {  	[sflag:s7] =	ssyncadd.s32 $0xFFFFD800  }
0xc7: {  	_ =	sfence.sel $0x180000  }
0xc8: {  	[bflag:$0x0] =	sbarrier.arrive $0xFFFF  }
0xc9: {  	_ =	strace $0x9000004A  }
0xca: {  	s0 =	stileid.u32;
	[bflag:$0x2] =	sbarrier.arrive $0xFFFF  }
0xcb: {  	p0 =	sne.s32 s0, $0x0;
	s0 =	rddreg [dreg:$0x2]  }
0xcc: {  	s0 =	sadd.s32 @!p0 $0x100000, s0  }
0xcd: {  	[sflag:s0] =	ssyncadd.tile.s32 @!p0 $0x1;
	_ =	shalt  }
.Lfunc_end2:
_tile_overlayer_lowered:
.L_overlay_start_2:
0xce: {  	(tag) =	ssettag $0x2  }
0xcf: {  	s0 =	rddreg [dreg:$0x0];
	s2 =	stileid.u32  }
0xd0: {  	s1 =	rddreg [dreg:$0x1];
	p0 =	sne.s32 s2, $0x0  }
0xd1: {  	s3 =	rddreg [dreg:$0x2];
	[bflag:$0x3] =	sbarrier.arrive $0xFFFF;
	s2 =	simm.s32 @!p0 $0x1C0B  }
0xd2: {  	[timem:s3], [sflag:s2] =	dma.local @!p0 [hbm:s0], s1  }
0xd3: {  	s0 =	simm.s32 @!p0 $0xB  }
0xd4: {  	_ =	swait.ge @!p0 [sflag:s0], s1  }
0xd5: {  	s1 =	ssub.s32 @!p0 $0x0, s1;
	[sflag:s0] =	ssyncset.done @!p0 $0x0  }
0xd6: {  	[sflag:s0] =	ssyncadd.s32 @!p0 s1  }
0xd7: {  	[bflag:$0x3] =	sbarrier.arrive $0xFFFF  }
0xd8: {  	_ =	shalt  }

// kernel: kernel.13.cloned.1.call-start
scs
__scs_entry_jumppad:
0x0: {  	(pc) =	sbr.rel $0x88, $3  }
0x1: {  	(tag) =	ssettag $0x0;
	lr =	simm.s32 $0x1  }
0x2: {  	[smem:$0x3F96] =	sst lr;
	_ =	strace $0xD0000000  }
0x3: {  	_ = 	snop  }
0x4: {  	_ = 	snop  }
0x5: {  	_ = 	snop  }
0x6: {  	_ = 	snop  }
0x7: {  	_ = 	snop  }
__scs_overlays_trampoline_lowered:
0x8: {  	[smem:$0x3FA5] =	sst s0  }
0x9: {  	[smem:$0x3FA6] =	sst s1  }
0xa: {  	[smem:$0x3FA7] =	sst s2  }
0xb: {  	[smem:$0x3FA8] =	sst s3  }
0xc: {  	[smem:$0x3FA9] =	sst s4  }
0xd: {  	[smem:$0x3FAA] =	sst s5  }
0xe: {  	[smem:$0x3FAB] =	sst s6  }
0xf: {  	[smem:$0x3FAC] =	sst s7  }
0x10: {  	[smem:$0x3FAD] =	sst s8  }
0x11: {  	[smem:$0x3FAE] =	sst s9;
	s0 =	simm.s32 @!p0 $0x0  }
0x12: {  	s1 =	sld [smem:$0x3F94];
	s0 =	simm.s32 @p0 $0x1  }
0x13: {  	[smem:$0x3FAF] =	sst s0;
	s0 =	simm.s32 @!p1 $0x0  }
0x14: {  	s2 =	sld [smem:$0x3F93];
	s0 =	simm.s32 @p1 $0x1  }
0x15: {  	[smem:$0x3FB0] =	sst s0;
	s0 =	simm.s32 @!p2 $0x0  }
0x16: {  	s3 =	sld [smem:$0x3FDB];
	s0 =	simm.s32 @p2 $0x1  }
0x17: {  	s4 =	simm.s32 $0x1BF5;
	[smem:$0x3FB2] =	sst s0  }
0x18: {  	s0 =	sld [smem:$0x3F95];
	_ =	swait.ge [sflag:s4], $0x0  }
0x19: {  	s7 =	sld [smem:$0x3F96]  }
0x1a: {  	s8 =	sadd.s32 $0xFFFFE003, lr  }
0x1b: {  	s9 =	sadd.s32 $0xFFFFFEF7, lr;
	s5 =	simm.s32 $0xFFFFFFFF;
	p2 =	slt.u32 s8, $0xFFFFF086  }
0x1c: {  	p1 =	slt.u32 s9, $0xF7A;
	s5 =	simm.s32 @!p2 $0x0  }
0x1d: {  	s5 =	simm.s32 @p1 $0x1;
	p0 =	seq.s32 s7, s2  }
0x1e: {  	s7 =	smul.u32 @!p0 $0xF7A, s2;
	p2 =	seq.s32 @!p0 s5, $0x0  }
0x1f: {  	s9 =	smul.u32 $0xF7A, s1;
	s8 =	simm.s32 @!p0 $0x1BF5;
	p2 =	por !p2, p0  }
0x20: {  	[sflag:s8] =	ssyncset.s32 @!p0 $0xFFFFF086;
	s6 =	sadd.s32 @!p0 s3, s7;
	s7 =	simm.s32 @!p0 $0x108  }
0x21: {  	s3 =	sadd.s32 s3, s9;
	s6 =	sadd.s32 @!p0 $0x88, s6;
	s7 =	simm.s32 @p2 $0x1082  }
0x22: {  	[simem:s7], [sflag:s8] =	dma.local @!p0 [hbm:s6], $0xF7A  }
0x23: {  	s9 =	sor.u32 $0xD0000000, s2;
	s6 =	simm.s32 $0x108;
	_ =	swait.ge @!p0 [sflag:s8], $0x0  }
0x24: {  	s3 =	sadd.s32 $0x88, s3;
	s6 =	simm.s32 @!p1 $0x1082;
	[sflag:s4] =	ssyncset.s32 $0xFFFFF086  }
0x25: {  	[simem:s6], [sflag:s4] =	dma.local [hbm:s3], $0xF7A  }
0x26: {  	[smem:$0x3F96] =	sst s1;
	(tag) =	ssettag s2;
	_ =	strace s9  }
0x27: {  	s1 =	sld [smem:$0x3FA6]  }
0x28: {  	s2 =	sld [smem:$0x3FA7]  }
0x29: {  	s4 =	sld [smem:$0x3FA9]  }
0x2a: {  	p0 =	seq.s32 s5, $0x0;
	s5 =	sld [smem:$0x3FAA]  }
0x2b: {  	s6 =	sld [smem:$0x3FAB]  }
0x2c: {  	s7 =	sld [smem:$0x3FAC]  }
0x2d: {  	s3 =	simm.s32 $0x108;
	s8 =	sld [smem:$0x3FAD]  }
0x2e: {  	s3 =	simm.s32 @!p0 $0x1082;
	s9 =	sld [smem:$0x3FAE]  }
0x2f: {  	lr =	sadd.s32 s0, s3;
	s0 =	sld [smem:$0x3FA5]  }
0x30: {  	s3 =	sld [smem:$0x3FA8]  }
0x31: {  	[smem:$0x3FB1] =	sst s10  }
0x32: {  	s10 =	sld [smem:$0x3FAF];
	_ =	sdelay $0x3  }
0x33: {  	p0 =	seq.s32 s10, $0x1;
	s10 =	sld [smem:$0x3FB1];
	_ =	sdelay $0x3  }
0x34: {  	[smem:$0x3FB1] =	sst s10  }
0x35: {  	s10 =	sld [smem:$0x3FB0];
	_ =	sdelay $0x3  }
0x36: {  	p1 =	seq.s32 s10, $0x1;
	s10 =	sld [smem:$0x3FB1];
	_ =	sdelay $0x3  }
0x37: {  	[smem:$0x3FB1] =	sst s10  }
0x38: {  	s10 =	sld [smem:$0x3FB2]  }
0x39: {  	_ = 	snop;
	(pc) =	sbr.ind lr, $3  }
0x3a: {  	_ = 	snop  }
0x3b: {  	_ = 	snop  }
0x3c: {  	p2 =	seq.s32 s10, $0x1;
	s10 =	sld [smem:$0x3FB1]  }
0x3d: {  	_ =	shalt  }
0x3e: {  	_ =	shalt  }
0x3f: {  	_ =	shalt  }
0x40: {  	_ =	shalt  }
0x41: {  	_ =	shalt  }
0x42: {  	_ =	shalt  }
0x43: {  	_ =	shalt  }
0x44: {  	_ =	shalt  }
0x45: {  	_ =	shalt  }
0x46: {  	_ =	shalt  }
0x47: {  	_ =	shalt  }
0x48: {  	_ =	shalt  }
0x49: {  	_ =	shalt  }
0x4a: {  	_ =	shalt  }
0x4b: {  	_ =	shalt  }
0x4c: {  	_ =	shalt  }
0x4d: {  	_ =	shalt  }
0x4e: {  	_ =	shalt  }
0x4f: {  	_ =	shalt  }
0x50: {  	_ =	shalt  }
0x51: {  	_ =	shalt  }
0x52: {  	_ =	shalt  }
0x53: {  	_ =	shalt  }
0x54: {  	_ =	shalt  }
0x55: {  	_ =	shalt  }
0x56: {  	_ =	shalt  }
0x57: {  	_ =	shalt  }
0x58: {  	_ =	shalt  }
0x59: {  	_ =	shalt  }
0x5a: {  	_ =	shalt  }
0x5b: {  	_ =	shalt  }
0x5c: {  	_ =	shalt  }
0x5d: {  	_ =	shalt  }
0x5e: {  	_ =	shalt  }
0x5f: {  	_ =	shalt  }
0x60: {  	_ =	shalt  }
0x61: {  	_ =	shalt  }
0x62: {  	_ =	shalt  }
0x63: {  	_ =	shalt  }
0x64: {  	_ =	shalt  }
0x65: {  	_ =	shalt  }
0x66: {  	_ =	shalt  }
0x67: {  	_ =	shalt  }
0x68: {  	_ =	shalt  }
0x69: {  	_ =	shalt  }
0x6a: {  	_ =	shalt  }
0x6b: {  	_ =	shalt  }
0x6c: {  	_ =	shalt  }
0x6d: {  	_ =	shalt  }
0x6e: {  	_ =	shalt  }
0x6f: {  	_ =	shalt  }
0x70: {  	_ =	shalt  }
0x71: {  	_ =	shalt  }
0x72: {  	_ =	shalt  }
0x73: {  	_ =	shalt  }
0x74: {  	_ =	shalt  }
0x75: {  	_ =	shalt  }
0x76: {  	_ =	shalt  }
0x77: {  	_ =	shalt  }
0x78: {  	_ =	shalt  }
0x79: {  	_ =	shalt  }
0x7a: {  	_ =	shalt  }
0x7b: {  	_ =	shalt  }
0x7c: {  	_ =	shalt  }
0x7d: {  	_ =	shalt  }
0x7e: {  	_ =	shalt  }
0x7f: {  	_ =	shalt  }
0x80: {  	_ =	shalt  }
0x81: {  	_ =	shalt  }
0x82: {  	_ =	shalt  }
0x83: {  	_ =	shalt  }
0x84: {  	_ =	shalt  }
0x85: {  	_ =	shalt  }
0x86: {  	_ =	shalt  }
0x87: {  	_ =	shalt  }
.Lfunc_end0:
.L_simem_size_0:
called_computation.1_lowered:
.L_overlay_start_0:
0x88: {  	s2 =	sld [smem:$0x3FD9]  }
0x89: {  	s3 =	sld [smem:$0x3FFE];
	_ =	sdelay $0x1  }
0x8a: {  	s1 =	srdreg.scid  }
0x8b: {  	s0 =	sand.u32 $0x1, s1  }
0x8c: {  	s16 =	sshll.u32 s0, $0xA;
	s2 =	sadd.s32 s3, s2  }
0x8d: {  	s2 =	sadd.s32 s2, s16  }
0x8e: {  	[smem:$0x3FBD] =	sst s2  }
0x8f: {  	_ = 	snop  }
0x90: {  	(tm) =	ssettm $0x1  }
0x91: {  	s17 =	sld [smem:$0x3FFB];
	_ =	sdelay $0x3  }
0x92: {  	_ =	strace s17  }
0x93: {  	s2 =	sld [smem:$0x3FFC];
	_ =	sdelay $0x3  }
0x94: {  	_ =	strace s2  }
0x95: {  	s2 =	sld [smem:$0x3FFD];
	_ =	sdelay $0x3  }
0x96: {  	_ =	strace s2  }
0x97: {  	_ =	strace $0x8FFFFFFF  }
0x98: {  	s18 =	sld [smem:$0x3FDB];
	_ =	sdelay $0x1  }
0x99: {  	s19 =	simm.s32 $_scs_section_size  }
0x9a: {  	s4 =	simm.s32 $_size__tile_overlayer_lowered;
	s5 =	simm.s32 $_tile_overlayer_lowered  }
0x9b: {  	s22 =	simm.s32 $0x1BFF;
	s21 =	sshll.u32 s5, $0x1;
	s2 =	sadd.s32 s19, s18  }
0x9c: {  	s6 =	simm.s32 $0x0;
	s20 =	sshll.u32 s4, $0x1;
	s4 =	sadd.s32 s21, s2  }
0x9d: {  	[timem:s6], [sflag:s22] =	dma.local [hbm:s4], s20  }
0x9e: {  	_ =	swait.ge [sflag:s22], s20  }
0x9f: {  	s3 =	ssub.s32 $0x0, s20;
	[sflag:s22] =	ssyncset.done $0x0  }
0xa0: {  	[sflag:s22] =	ssyncadd.s32 s3;
	_ =	sdelay $0x1  }
0xa1: {  	s23 =	simm.s32 $0x1B8B  }
0xa2: {  	_ =	swait.ge [sflag:s23], $0x1  }
0xa3: {  	[sflag:s23] =	ssyncset.done $0x0  }
0xa4: {  	s25 =	simm.s32 $0x1B8E;
	s24 =	sld [smem:$0x3FFE];
	[sflag:s23] =	ssyncadd.s32 $0xFFFFFFFF  }
0xa5: {  	s26 =	simm.s32 $execute0_lowered;
	[smem:$0x3FD2] =	sst s25  }
0xa6: {  	s4 =	sshll.u32 s26, $0x1;
	_ =	strace $0x80000046;
	[dreg:$0x1] =	wrdreg $0xFFFFFFFF  }
0xa7: {  	s28 =	simm.s32 $_size_execute0_lowered;
	s2 =	sadd.s32 s2, s4;
	[dreg:$0x0] =	wrdreg $0x0  }
0xa8: {  	s4 =	sshll.u32 s28, $0x1;
	[dreg:$0x2] =	wrdreg s2  }
0xa9: {  	[dreg:$0x3] =	wrdreg s4  }
0xaa: {  	[dreg:$0x4] =	wrdreg $0xC0  }
0xab: {  	_ =	task [dreg:s6], $0x5FFFF  }
0xac: {  	[dreg:$0x1] =	wrdreg $0xFFFFFFFF  }
0xad: {  	[dreg:$0x0] =	wrdreg $0x60  }
0xae: {  	[dreg:$0x2] =	wrdreg s24  }
0xaf: {  	[dreg:$0x3] =	wrdreg $0x0  }
0xb0: {  	[dreg:$0x4] =	wrdreg $0xA  }
0xb1: {  	_ =	task.clear_ibuf [dreg:s6], $0x5FFFF;
	_ =	strace $0x90000046  }
0xb2: {  	s29 =	simm.s32 $0xA;
	_ =	strace $0x80000048  }
0xb3: {  	_ =	swait.ge [sflag:s29], $0x1  }
0xb4: {  	[sflag:s29] =	ssyncadd.s32 $0xFFFFFFFF  }
0xb5: {  	_ =	strace $0x90000048  }
0xb6: {  	_ =	sfence  }
0xb7: {  	s30 =	sld [smem:$0x0];
	_ =	sdelay $0x2  }
0xb8: {  	s31 =	sshll.u32 s1, $0xD;
	s1 =	sshrl.u32 s1, $0x2  }
0xb9: {  	s3 =	sand.u32 $0x4000, s31;
	s1 =	sadd.s32 s1, s30  }
0xba: {  	s0 =	sor.u32 s3, s0;
	s1 =	sshll.u32 s1, $0x11  }
0xbb: {  	s0 =	sor.u32 s1, s0  }
0xbc: {  	s0 =	sadd.s32 $0x8F2B, s0  }
0xbd: {  	[sflag:s0] =	ssyncadd.remote.s32 $0x1  }
0xbe: {  	_ =	sfence.sel $0xFFFF  }
0xbf: {  	[dreg:$0x0] =	wrdreg $0xFFFFFFFF;
	(pc) =	sbr.abs _section_cstart, $3  }
0xc0: {  	[dreg:$0x1] =	wrdreg $0xFFFFFFFF  }
0xc1: {  	_ =	task.clear_ibuf [dreg:s6], $0x2FFFF;
	_ =	strace $0x9FFFFFFF  }
0xc2: {  	(tm) =	ssettm $0x7FFFFFFF  }
0xc3: {  	_ =	shalt  }
tec
execute0_lowered:
.L_overlay_start_1:
0x0: {  	(tag) =	ssettag $0x1  }
0x1: {  	s0 =	srdreg.scid;
	s5 =	rddreg [dreg:$0x0]  }
0x2: {  	s13 =	stileid.u32;
	s2 =	rddreg [dreg:$0x1]  }
0x3: {  	s3 =	simm.s32 $0x0;
	s28 =	simm.s32 $0xC;
	s29 =	simm.s32 $0x3  }
0x4: {  	s30 =	simm.s32 $0xD;
	s31 =	simm.s32 $0x4;
	s6 =	smul.u32 $0x2800, s13  }
0x5: {  	s0 =	sand.u32 $0x1, s0;
	[smem:$0x7FF] =	sst s3;
	s8 =	smul.u32 $0x50000, s13  }
0x6: {  	s4 =	sadd.s32 $0x16200, s5;
	s10 =	sadd.s32 $0x2600, s5;
	s11 =	smul.u32 $0x2710, s13  }
0x7: {  	s15 =	sshll.u32 s13, $0x6;
	s1 =	sshll.u32 s0, $0x4;
	s7 =	smul.u32 $0x28000, s0  }
0x8: {  	_ =	strace $0x80000047;
	s9 =	smul.u32 $0x27100, s0;
	s0 =	ssub.s32 $0x2, s0  }
0x9: {  	s1 =	sor.u32 s13, s1;
	s12 =	sadd.s32 s6, s5;
	s26 =	sshrl.u32 s0, $0x1  }
0xa: {  	s8 =	sshrl.u32 s8, $0x2;
	s13 =	simm.s32 $0x28;
	s1 =	smul.u32 $0x2710, s1  }
0xb: {  	s0 =	ssub.s32 s0, s26;
	s14 =	sadd.s32 s11, s9;
	s12 =	sadd.s32 $0x3D400, s12  }
0xc: {  	s11 =	sadd.s32 $0xA0, s14;
	[dreg:$0x8] =	wrdreg s12;
	s12 =	sor.u32 $0x1C10, s15  }
0xd: {  	s18 =	sadd.s32 $0x78, s14;
	s20 =	sadd.s32 $0x50, s14;
	s21 =	sadd.s32 $0x28, s14  }
0xe: {  	s0 =	smax.u32 s0, $0x1;
	s15 =	simm.s32 $0x0;
	s1 =	sshrl.u32 s1, $0x3  }
0xf: {  	s16 =	sshrl.u32 s11, $0x3;
	s19 =	sshrl.u32 s18, $0x3;
	s9 =	sshrl.u32 s20, $0x3  }
0x10: {  	s23 =	sshrl.u32 s21, $0x3;
	[dreg:$0xb] =	wrdreg s0;
	s0 =	simm.s32 $0x5  }
0x11: {  	s11 =	simm.s32 $0xF;
	[dreg:$0x9] =	wrdreg s12;
	s1 =	sadd.s32 s1, s5  }
0x12: {  	s5 =	sadd.s32 s7, s5;
	s7 =	sadd.s32 s8, s2;
	s17 =	sadd.s32 s16, s10  }
0x13: {  	s22 =	sadd.s32 s9, s10;
	s24 =	sadd.s32 s23, s10;
	s8 =	sshrl.u32 s14, $0x3  }
0x14: {  	s14 =	simm.s32 $0x10;
	s23 =	simm.s32 $0x14180;
	[dreg:$0x3] =	wrdreg s17  }
0x15: {  	s1 =	sadd.s32 $0xC400, s1;
	[dreg:$0x5] =	wrdreg s22;
	s5 =	sadd.s32 $0x65400, s5  }
0x16: {  	[dreg:$0x6] =	wrdreg s24;
	s25 =	sadd.s32 s8, s10;
	s8 =	simm.s32 $0x8  }
0x17: {  	s24 =	simm.s32 $0x9;
	[dreg:$0xa] =	wrdreg s1;
	s1 =	sadd.s32 s19, s10  }
0x18: {  	[dreg:$0x7] =	wrdreg s25;
	s10 =	sshrl.u32 s7, $0x3;
	s26 =	sadd.s32 s6, s5  }
0x19: {  	s5 =	simm.s32 $0x6;
	s7 =	simm.s32 $0x7;
	[dreg:$0x4] =	wrdreg s1  }
0x1a: {  	s6 =	simm.s32 $0xA;
	s25 =	simm.s32 $0x17E80;
	[dreg:$0xd] =	wrdreg s26  }
0x1b: {  	s26 =	simm.s32 $0x2;
	s1 =	simm.s32 $0xE;
	[dreg:$0xc] =	wrdreg s10  }
.LBB2_1:
0x1c: {  	[dreg:$0xe] =	wrdreg s15  }
0x1d: {  	s9 =	rddreg [dreg:$0x8]  }
0x1e: {  	[spmem:s10], [sflag:s12] =	dma.local [hbm:s9], $0x2800  }
0x1f: {  	_ =	swait.ge [sflag:s14], $0x2800  }
0x20: {  	[sflag:s14] =	ssyncset.done $0x0  }
0x21: {  	s17 =	simm.s32 $0x1A680;
	s16 =	rddreg [dreg:$0xa];
	[sflag:s14] =	ssyncadd.s32 $0xFFFFD800  }
0x22: {  	[tilespmem:s17], [sflag:$0x10] =	stream.linear.gather [hbm4b:s16+s3], $0x2710, $0x38;
	[tilespmem:$0x1CE00] =	vst v63  }
0x23: {  	_ =	swait.ge [sflag:s14], $0x2710  }
0x24: {  	[sflag:s14] =	ssyncset.done $0x0  }
0x25: {  	[sflag:s14] =	ssyncadd.s32 $0xFFFFD8F0  }
0x26: {  	[bflag:$0x0] =	sbarrier.arrive $0xFFFF  }
0x27: {  	s18 =	rddreg [dreg:$0x7]  }
0x28: {  	s12 =	simm.s32 $0x14000;
	s9 =	sadd.s32 $0x0, s18  }
0x29: {  	[tilespmem:s12], [sflag:$0x1] =	stream.linear.gather [hbm4b:s9+s3], $0x28, $0x38;
	[tilespmem:$0x1CE00] =	vst v63  }
0x2a: {  	s20 =	simm.s32 $0x1A680;
	s14 =	simm.s32 $0x14280;
	s19 =	rddreg [dreg:$0x6]  }
0x2b: {  	[tilespmem:s14], [sflag:$0xB] =	stream.indirect.gather [hbm4b:s4+s13], $0x80, s20, s13, $0xb8;
	[tilespmem:$0x1CE00] =	vst v63  }
0x2c: {  	s15 =	simm.s32 $0x14080;
	s21 =	sadd.s32 $0x0, s19  }
0x2d: {  	[tilespmem:s15], [sflag:$0x2] =	stream.linear.gather [hbm4b:s21+s3], $0x28, $0x38;
	[tilespmem:$0x1CE00] =	vst v63  }
0x2e: {  	s17 =	simm.s32 $0x1A6A8;
	s16 =	simm.s32 $0x15680;
	s22 =	rddreg [dreg:$0x5]  }
0x2f: {  	[tilespmem:s16], [sflag:$0xC] =	stream.indirect.gather [hbm4b:s4+s13], $0x80, s17, s13, $0xb8;
	[tilespmem:$0x1CE00] =	vst v63  }
0x30: {  	s18 =	sadd.s32 $0x0, s22;
	s17 =	simm.s32 $0x14100  }
0x31: {  	[tilespmem:s17], [sflag:$0x3] =	stream.linear.gather [hbm4b:s18+s3], $0x28, $0x38;
	[tilespmem:$0x1CE00] =	vst v63  }
0x32: {  	s19 =	rddreg [dreg:$0x4];
	s20 =	simm.s32 $0x1A6D0;
	s18 =	simm.s32 $0x16A80  }
0x33: {  	[tilespmem:s18], [sflag:$0xD] =	stream.indirect.gather [hbm4b:s4+s13], $0x80, s20, s13, $0xb8;
	[tilespmem:$0x1CE00] =	vst v63  }
0x34: {  	s21 =	sadd.s32 $0x0, s19;
	s19 =	simm.s32 $0x14180  }
0x35: {  	[tilespmem:s19], [sflag:$0x4] =	stream.linear.gather [hbm4b:s21+s3], $0x28, $0x38;
	[tilespmem:$0x1CE00] =	vst v63  }
0x36: {  	s22 =	rddreg [dreg:$0x3];
	s20 =	simm.s32 $0x17E80;
	s21 =	simm.s32 $0x1A6F8  }
0x37: {  	[tilespmem:s20], [sflag:$0xE] =	stream.indirect.gather [hbm4b:s4+s13], $0x80, s21, s13, $0xb8;
	[tilespmem:$0x1CE00] =	vst v63  }
0x38: {  	s22 =	sadd.s32 $0x0, s22;
	s21 =	simm.s32 $0x14200  }
0x39: {  	[tilespmem:s21], [sflag:$0x5] =	stream.linear.gather [hbm4b:s22+s3], $0x28, $0x38;
	[tilespmem:$0x1CE00] =	vst v63  }
0x3a: {  	s10 =	simm.s32 $0x1A720;
	s9 =	simm.s32 $0x19280;
	s22 =	simm.s32 $0x1  }
0x3b: {  	[tilespmem:s9], [sflag:$0xF] =	stream.indirect.gather [hbm4b:s4+s13], $0x80, s10, s13, $0xb8;
	[tilespmem:$0x1CE00] =	vst v63  }
0x3c: {  	_ =	swait.ge [sflag:s22], $0x28  }
0x3d: {  	[sflag:s22] =	ssyncset.done $0x0  }
0x3e: {  	[sflag:s22] =	ssyncadd.s32 $0xFFFFFFD8;
	s22 =	simm.s32 $0xB  }
0x3f: {  	_ =	swait.ge [sflag:s22], $0x1400  }
0x40: {  	[sflag:s22] =	ssyncset.done $0x0  }
0x41: {  	[sflag:s22] =	ssyncadd.s32 $0xFFFFEC00  }
0x42: {  	[spmem:s2] =	stream.indirect.scatter.add.f32 [tilespmem:s14], [sflag:$0x6], $0x80, s12, s13, $0xb8;
	[tilespmem:$0x1CE00] =	vst v63  }
0x43: {  	_ =	swait.ge [sflag:s26], $0x28  }
0x44: {  	[sflag:s26] =	ssyncset.done $0x0  }
0x45: {  	[sflag:s26] =	ssyncadd.s32 $0xFFFFFFD8  }
0x46: {  	_ =	swait.ge [sflag:s28], $0x1400  }
0x47: {  	[sflag:s28] =	ssyncset.done $0x0  }
0x48: {  	[sflag:s28] =	ssyncadd.s32 $0xFFFFEC00  }
0x49: {  	[spmem:s2] =	stream.indirect.scatter.add.f32 [tilespmem:s16], [sflag:$0x7], $0x80, s15, s13, $0xb8;
	[tilespmem:$0x1CE00] =	vst v63  }
0x4a: {  	_ =	swait.ge [sflag:s29], $0x28  }
0x4b: {  	[sflag:s29] =	ssyncset.done $0x0  }
0x4c: {  	[sflag:s29] =	ssyncadd.s32 $0xFFFFFFD8  }
0x4d: {  	_ =	swait.ge [sflag:s30], $0x1400  }
0x4e: {  	[sflag:s30] =	ssyncset.done $0x0  }
0x4f: {  	[sflag:s30] =	ssyncadd.s32 $0xFFFFEC00  }
0x50: {  	[spmem:s2] =	stream.indirect.scatter.add.f32 [tilespmem:s18], [sflag:$0x8], $0x80, s17, s13, $0xb8;
	[tilespmem:$0x1CE00] =	vst v63  }
0x51: {  	_ =	swait.ge [sflag:s31], $0x28  }
0x52: {  	[sflag:s31] =	ssyncset.done $0x0  }
0x53: {  	[sflag:s31] =	ssyncadd.s32 $0xFFFFFFD8  }
0x54: {  	_ =	swait.ge [sflag:s1], $0x1400  }
0x55: {  	[sflag:s1] =	ssyncset.done $0x0  }
0x56: {  	[sflag:s1] =	ssyncadd.s32 $0xFFFFEC00  }
0x57: {  	[spmem:s2] =	stream.indirect.scatter.add.f32 [tilespmem:s20], [sflag:$0x9], $0x80, s19, s13, $0xb8;
	[tilespmem:$0x1CE00] =	vst v63  }
0x58: {  	_ =	swait.ge [sflag:s0], $0x28  }
0x59: {  	[sflag:s0] =	ssyncset.done $0x0  }
0x5a: {  	[sflag:s0] =	ssyncadd.s32 $0xFFFFFFD8  }
0x5b: {  	_ =	swait.ge [sflag:s11], $0x1400  }
0x5c: {  	[sflag:s11] =	ssyncset.done $0x0  }
0x5d: {  	[sflag:s11] =	ssyncadd.s32 $0xFFFFEC00  }
0x5e: {  	[spmem:s2] =	stream.indirect.scatter.add.f32 [tilespmem:s9], [sflag:$0xA], $0x80, s21, s13, $0xb8;
	[tilespmem:$0x1CE00] =	vst v63  }
0x5f: {  	_ =	swait.ge [sflag:s5], $0x1400  }
0x60: {  	[sflag:s5] =	ssyncset.done $0x0  }
0x61: {  	[sflag:s5] =	ssyncadd.s32 $0xFFFFEC00  }
0x62: {  	_ =	swait.ge [sflag:s7], $0x1400  }
0x63: {  	[sflag:s7] =	ssyncset.done $0x0  }
0x64: {  	[sflag:s7] =	ssyncadd.s32 $0xFFFFEC00  }
0x65: {  	_ =	swait.ge [sflag:s8], $0x1400  }
0x66: {  	[sflag:s8] =	ssyncset.done $0x0  }
0x67: {  	[sflag:s8] =	ssyncadd.s32 $0xFFFFEC00  }
0x68: {  	_ =	swait.ge [sflag:s24], $0x1400  }
0x69: {  	[sflag:s24] =	ssyncset.done $0x0  }
0x6a: {  	[sflag:s24] =	ssyncadd.s32 $0xFFFFEC00  }
0x6b: {  	s12 =	simm.s32 $0x32;
	_ =	swait.ge [sflag:s6], $0x1400  }
0x6c: {  	s9 =	simm.s32 $0x19;
	s14 =	rddreg [dreg:$0x7];
	[sflag:s6] =	ssyncset.done $0x0  }
.LBB2_2:
0x6d: {  	[sflag:s6] =	ssyncadd.s32 $0xFFFFEC00  }
0x6e: {  	s10 =	sadd.s32 $0xC8, s10;
	s14 =	sadd.s32 s9, s14;
	s17 =	simm.s32 $0x14000  }
0x6f: {  	[tilespmem:s17], [sflag:$0x1] =	stream.linear.gather [hbm4b:s14+s3], $0x28, $0x38;
	[tilespmem:$0x1CE00] =	vst v63  }
0x70: {  	s16 =	rddreg [dreg:$0x6];
	s18 =	simm.s32 $0x14280;
	s20 =	sadd.s32 $0xFFFFFF60, s10  }
0x71: {  	[tilespmem:s18], [sflag:$0xB] =	stream.indirect.gather [hbm4b:s4+s13], $0x80, s20, s13, $0xb8;
	[tilespmem:$0x1CE00] =	vst v63  }
0x72: {  	s19 =	simm.s32 $0x14080;
	s21 =	sadd.s32 s9, s16  }
0x73: {  	[tilespmem:s19], [sflag:$0x2] =	stream.linear.gather [hbm4b:s21+s3], $0x28, $0x38;
	[tilespmem:$0x1CE00] =	vst v63  }
0x74: {  	s22 =	rddreg [dreg:$0x5];
	s20 =	simm.s32 $0x15680;
	s21 =	sadd.s32 $0xFFFFFF88, s10  }
0x75: {  	[tilespmem:s20], [sflag:$0xC] =	stream.indirect.gather [hbm4b:s4+s13], $0x80, s21, s13, $0xb8;
	[tilespmem:$0x1CE00] =	vst v63  }
0x76: {  	s22 =	sadd.s32 s9, s22;
	s21 =	simm.s32 $0x14100  }
0x77: {  	[tilespmem:s21], [sflag:$0x3] =	stream.linear.gather [hbm4b:s22+s3], $0x28, $0x38;
	[tilespmem:$0x1CE00] =	vst v63  }
0x78: {  	s16 =	rddreg [dreg:$0x4];
	s14 =	sadd.s32 $0xFFFFFFB0, s10;
	s22 =	simm.s32 $0x16A80  }
0x79: {  	[tilespmem:s22], [sflag:$0xD] =	stream.indirect.gather [hbm4b:s4+s13], $0x80, s14, s13, $0xb8;
	[tilespmem:$0x1CE00] =	vst v63  }
0x7a: {  	s14 =	sadd.s32 s9, s16  }
0x7b: {  	[tilespmem:s23], [sflag:$0x4] =	stream.linear.gather [hbm4b:s14+s3], $0x28, $0x38;
	[tilespmem:$0x1CE00] =	vst v63  }
0x7c: {  	s15 =	smov.u32 s12;
	s16 =	rddreg [dreg:$0x3];
	s14 =	sadd.s32 $0xFFFFFFD8, s10  }
0x7d: {  	[tilespmem:s25], [sflag:$0xE] =	stream.indirect.gather [hbm4b:s4+s13], $0x80, s14, s13, $0xb8;
	[tilespmem:$0x1CE00] =	vst v63  }
0x7e: {  	s16 =	sadd.s32 s9, s16;
	s9 =	smov.u32 s15;
	s15 =	simm.s32 $0x14200  }
0x7f: {  	[tilespmem:s15], [sflag:$0x5] =	stream.linear.gather [hbm4b:s16+s3], $0x28, $0x38;
	[tilespmem:$0x1CE00] =	vst v63  }
0x80: {  	s14 =	simm.s32 $0x19280;
	s16 =	simm.s32 $0x1  }
0x81: {  	[tilespmem:s14], [sflag:$0xF] =	stream.indirect.gather [hbm4b:s4+s13], $0x80, s10, s13, $0xb8;
	[tilespmem:$0x1CE00] =	vst v63  }
0x82: {  	_ =	swait.ge [sflag:s16], $0x28  }
0x83: {  	[sflag:s16] =	ssyncset.done $0x0  }
0x84: {  	[sflag:s16] =	ssyncadd.s32 $0xFFFFFFD8;
	s16 =	simm.s32 $0xB  }
0x85: {  	_ =	swait.ge [sflag:s16], $0x1400  }
0x86: {  	[sflag:s16] =	ssyncset.done $0x0  }
0x87: {  	[sflag:s16] =	ssyncadd.s32 $0xFFFFEC00  }
0x88: {  	[spmem:s2] =	stream.indirect.scatter.add.f32 [tilespmem:s18], [sflag:$0x6], $0x80, s17, s13, $0xb8;
	[tilespmem:$0x1CE00] =	vst v63  }
0x89: {  	_ =	swait.ge [sflag:s26], $0x28  }
0x8a: {  	[sflag:s26] =	ssyncset.done $0x0  }
0x8b: {  	[sflag:s26] =	ssyncadd.s32 $0xFFFFFFD8  }
0x8c: {  	_ =	swait.ge [sflag:s28], $0x1400  }
0x8d: {  	[sflag:s28] =	ssyncset.done $0x0  }
0x8e: {  	[sflag:s28] =	ssyncadd.s32 $0xFFFFEC00  }
0x8f: {  	[spmem:s2] =	stream.indirect.scatter.add.f32 [tilespmem:s20], [sflag:$0x7], $0x80, s19, s13, $0xb8;
	[tilespmem:$0x1CE00] =	vst v63  }
0x90: {  	_ =	swait.ge [sflag:s29], $0x28  }
0x91: {  	[sflag:s29] =	ssyncset.done $0x0  }
0x92: {  	[sflag:s29] =	ssyncadd.s32 $0xFFFFFFD8  }
0x93: {  	_ =	swait.ge [sflag:s30], $0x1400  }
0x94: {  	[sflag:s30] =	ssyncset.done $0x0  }
0x95: {  	[sflag:s30] =	ssyncadd.s32 $0xFFFFEC00  }
0x96: {  	[spmem:s2] =	stream.indirect.scatter.add.f32 [tilespmem:s22], [sflag:$0x8], $0x80, s21, s13, $0xb8;
	[tilespmem:$0x1CE00] =	vst v63  }
0x97: {  	_ =	swait.ge [sflag:s31], $0x28  }
0x98: {  	[sflag:s31] =	ssyncset.done $0x0  }
0x99: {  	[sflag:s31] =	ssyncadd.s32 $0xFFFFFFD8  }
0x9a: {  	_ =	swait.ge [sflag:s1], $0x1400  }
0x9b: {  	[sflag:s1] =	ssyncset.done $0x0  }
0x9c: {  	[sflag:s1] =	ssyncadd.s32 $0xFFFFEC00  }
0x9d: {  	[spmem:s2] =	stream.indirect.scatter.add.f32 [tilespmem:s25], [sflag:$0x9], $0x80, s23, s13, $0xb8;
	[tilespmem:$0x1CE00] =	vst v63  }
0x9e: {  	_ =	swait.ge [sflag:s0], $0x28  }
0x9f: {  	[sflag:s0] =	ssyncset.done $0x0  }
0xa0: {  	[sflag:s0] =	ssyncadd.s32 $0xFFFFFFD8  }
0xa1: {  	_ =	swait.ge [sflag:s11], $0x1400  }
0xa2: {  	[sflag:s11] =	ssyncset.done $0x0  }
0xa3: {  	[sflag:s11] =	ssyncadd.s32 $0xFFFFEC00  }
0xa4: {  	[spmem:s2] =	stream.indirect.scatter.add.f32 [tilespmem:s14], [sflag:$0xA], $0x80, s15, s13, $0xb8;
	[tilespmem:$0x1CE00] =	vst v63  }
0xa5: {  	_ =	swait.ge [sflag:s5], $0x1400  }
0xa6: {  	[sflag:s5] =	ssyncset.done $0x0  }
0xa7: {  	[sflag:s5] =	ssyncadd.s32 $0xFFFFEC00  }
0xa8: {  	_ =	swait.ge [sflag:s7], $0x1400  }
0xa9: {  	[sflag:s7] =	ssyncset.done $0x0  }
0xaa: {  	[sflag:s7] =	ssyncadd.s32 $0xFFFFEC00  }
0xab: {  	_ =	swait.ge [sflag:s8], $0x1400  }
0xac: {  	[sflag:s8] =	ssyncset.done $0x0  }
0xad: {  	p0 =	sne.s32 s12, $0x4C9;
	[sflag:s8] =	ssyncadd.s32 $0xFFFFEC00  }
.Ltmp0:
0xae: {  	_ =	swait.ge [sflag:s24], $0x1400;
	(pc) =	sbr.rel @p0 .LBB2_2-.Ltmp0, $4  }
0xaf: {  	[sflag:s24] =	ssyncset.done $0x0  }
0xb0: {  	[sflag:s24] =	ssyncadd.s32 $0xFFFFEC00  }
0xb1: {  	_ =	swait.ge [sflag:s6], $0x1400  }
0xb2: {  	s12 =	sadd.s32 $0x19, s12;
	s14 =	rddreg [dreg:$0x7];
	[sflag:s6] =	ssyncset.done $0x0  }
0xb3: {  	[sflag:s6] =	ssyncadd.s32 $0xFFFFEC00  }
0xb4: {  	s10 =	sadd.s32 $0xC8, s10;
	s12 =	sadd.s32 s9, s14;
	s15 =	simm.s32 $0x14000  }
0xb5: {  	[tilespmem:s15], [sflag:$0x1] =	stream.linear.gather [hbm4b:s12+s3], $0x28, $0x38;
	[tilespmem:$0x1CE00] =	vst v63  }
0xb6: {  	s22 =	rddreg [dreg:$0x6];
	s16 =	simm.s32 $0x14280;
	s17 =	sadd.s32 $0xFFFFFF60, s10  }
0xb7: {  	[tilespmem:s16], [sflag:$0xB] =	stream.indirect.gather [hbm4b:s4+s13], $0x80, s17, s13, $0xb8;
	[tilespmem:$0x1CE00] =	vst v63  }
0xb8: {  	s18 =	sadd.s32 s9, s22;
	s17 =	simm.s32 $0x14080  }
0xb9: {  	[tilespmem:s17], [sflag:$0x2] =	stream.linear.gather [hbm4b:s18+s3], $0x28, $0x38;
	[tilespmem:$0x1CE00] =	vst v63  }
0xba: {  	s19 =	rddreg [dreg:$0x5];
	s20 =	sadd.s32 $0xFFFFFF88, s10;
	s18 =	simm.s32 $0x15680  }
0xbb: {  	[tilespmem:s18], [sflag:$0xC] =	stream.indirect.gather [hbm4b:s4+s13], $0x80, s20, s13, $0xb8;
	[tilespmem:$0x1CE00] =	vst v63  }
0xbc: {  	s21 =	sadd.s32 s9, s19;
	s19 =	simm.s32 $0x14100  }
0xbd: {  	[tilespmem:s19], [sflag:$0x3] =	stream.linear.gather [hbm4b:s21+s3], $0x28, $0x38;
	[tilespmem:$0x1CE00] =	vst v63  }
0xbe: {  	s22 =	rddreg [dreg:$0x4];
	s20 =	simm.s32 $0x16A80;
	s21 =	sadd.s32 $0xFFFFFFB0, s10  }
0xbf: {  	[tilespmem:s20], [sflag:$0xD] =	stream.indirect.gather [hbm4b:s4+s13], $0x80, s21, s13, $0xb8;
	[tilespmem:$0x1CE00] =	vst v63  }
0xc0: {  	s22 =	sadd.s32 s9, s22;
	s21 =	simm.s32 $0x14180  }
0xc1: {  	[tilespmem:s21], [sflag:$0x4] =	stream.linear.gather [hbm4b:s22+s3], $0x28, $0x38;
	[tilespmem:$0x1CE00] =	vst v63  }
0xc2: {  	s14 =	rddreg [dreg:$0x3];
	s12 =	sadd.s32 $0xFFFFFFD8, s10;
	s22 =	simm.s32 $0x17E80  }
0xc3: {  	[tilespmem:s22], [sflag:$0xE] =	stream.indirect.gather [hbm4b:s4+s13], $0x80, s12, s13, $0xb8;
	[tilespmem:$0x1CE00] =	vst v63  }
0xc4: {  	s14 =	sadd.s32 s9, s14;
	s12 =	simm.s32 $0x14200  }
0xc5: {  	[tilespmem:s12], [sflag:$0x5] =	stream.linear.gather [hbm4b:s14+s3], $0x28, $0x38;
	[tilespmem:$0x1CE00] =	vst v63  }
0xc6: {  	s9 =	simm.s32 $0x19280;
	s14 =	simm.s32 $0x1  }
0xc7: {  	[tilespmem:s9], [sflag:$0xF] =	stream.indirect.gather [hbm4b:s4+s13], $0x80, s10, s13, $0xb8;
	[tilespmem:$0x1CE00] =	vst v63  }
0xc8: {  	_ =	swait.ge [sflag:s14], $0x28  }
0xc9: {  	[sflag:s14] =	ssyncset.done $0x0  }
0xca: {  	[sflag:s14] =	ssyncadd.s32 $0xFFFFFFD8;
	s14 =	simm.s32 $0xB  }
0xcb: {  	_ =	swait.ge [sflag:s14], $0x1400  }
0xcc: {  	[sflag:s14] =	ssyncset.done $0x0  }
0xcd: {  	[sflag:s14] =	ssyncadd.s32 $0xFFFFEC00  }
0xce: {  	[spmem:s2] =	stream.indirect.scatter.add.f32 [tilespmem:s16], [sflag:$0x6], $0x80, s15, s13, $0xb8;
	[tilespmem:$0x1CE00] =	vst v63  }
0xcf: {  	_ =	swait.ge [sflag:s26], $0x28  }
0xd0: {  	[sflag:s26] =	ssyncset.done $0x0  }
0xd1: {  	[sflag:s26] =	ssyncadd.s32 $0xFFFFFFD8  }
0xd2: {  	_ =	swait.ge [sflag:s28], $0x1400  }
0xd3: {  	[sflag:s28] =	ssyncset.done $0x0  }
0xd4: {  	[sflag:s28] =	ssyncadd.s32 $0xFFFFEC00  }
0xd5: {  	[spmem:s2] =	stream.indirect.scatter.add.f32 [tilespmem:s18], [sflag:$0x7], $0x80, s17, s13, $0xb8;
	[tilespmem:$0x1CE00] =	vst v63  }
0xd6: {  	_ =	swait.ge [sflag:s29], $0x28  }
0xd7: {  	[sflag:s29] =	ssyncset.done $0x0  }
0xd8: {  	[sflag:s29] =	ssyncadd.s32 $0xFFFFFFD8  }
0xd9: {  	_ =	swait.ge [sflag:s30], $0x1400  }
0xda: {  	[sflag:s30] =	ssyncset.done $0x0  }
0xdb: {  	[sflag:s30] =	ssyncadd.s32 $0xFFFFEC00  }
0xdc: {  	[spmem:s2] =	stream.indirect.scatter.add.f32 [tilespmem:s20], [sflag:$0x8], $0x80, s19, s13, $0xb8;
	[tilespmem:$0x1CE00] =	vst v63  }
0xdd: {  	_ =	swait.ge [sflag:s31], $0x28  }
0xde: {  	[sflag:s31] =	ssyncset.done $0x0  }
0xdf: {  	[sflag:s31] =	ssyncadd.s32 $0xFFFFFFD8  }
0xe0: {  	_ =	swait.ge [sflag:s1], $0x1400  }
0xe1: {  	[sflag:s1] =	ssyncset.done $0x0  }
0xe2: {  	[sflag:s1] =	ssyncadd.s32 $0xFFFFEC00  }
0xe3: {  	[spmem:s2] =	stream.indirect.scatter.add.f32 [tilespmem:s22], [sflag:$0x9], $0x80, s21, s13, $0xb8;
	[tilespmem:$0x1CE00] =	vst v63  }
0xe4: {  	_ =	swait.ge [sflag:s0], $0x28  }
0xe5: {  	[sflag:s0] =	ssyncset.done $0x0  }
0xe6: {  	[sflag:s0] =	ssyncadd.s32 $0xFFFFFFD8  }
0xe7: {  	_ =	swait.ge [sflag:s11], $0x1400  }
0xe8: {  	[sflag:s11] =	ssyncset.done $0x0  }
0xe9: {  	[sflag:s11] =	ssyncadd.s32 $0xFFFFEC00  }
0xea: {  	[spmem:s2] =	stream.indirect.scatter.add.f32 [tilespmem:s9], [sflag:$0xA], $0x80, s12, s13, $0xb8;
	[tilespmem:$0x1CE00] =	vst v63  }
0xeb: {  	_ =	swait.ge [sflag:s5], $0x1400  }
0xec: {  	[sflag:s5] =	ssyncset.done $0x0  }
0xed: {  	[sflag:s5] =	ssyncadd.s32 $0xFFFFEC00  }
0xee: {  	_ =	swait.ge [sflag:s7], $0x1400  }
0xef: {  	[sflag:s7] =	ssyncset.done $0x0  }
0xf0: {  	[sflag:s7] =	ssyncadd.s32 $0xFFFFEC00  }
0xf1: {  	_ =	swait.ge [sflag:s8], $0x1400  }
0xf2: {  	[sflag:s8] =	ssyncset.done $0x0  }
0xf3: {  	[sflag:s8] =	ssyncadd.s32 $0xFFFFEC00  }
0xf4: {  	_ =	swait.ge [sflag:s24], $0x1400  }
0xf5: {  	[sflag:s24] =	ssyncset.done $0x0  }
0xf6: {  	[sflag:s24] =	ssyncadd.s32 $0xFFFFEC00  }
0xf7: {  	_ =	swait.ge [sflag:s6], $0x1400  }
0xf8: {  	[sflag:s6] =	ssyncset.done $0x0  }
0xf9: {  	[sflag:s6] =	ssyncadd.s32 $0xFFFFEC00  }
0xfa: {  	[bflag:$0x0] =	sbarrier.arrive $0xFFFF  }
0xfb: {  	s12 =	rddreg [dreg:$0x9]  }
0xfc: {  	s10 =	rddreg [dreg:$0xc]  }
0xfd: {  	s14 =	simm.s32 $0x10;
	s20 =	rddreg [dreg:$0xd]  }
0xfe: {  	[hbm:s20], [sflag:s12] =	dma.local [spmem:s10], $0x2800  }
0xff: {  	_ =	swait.ge [sflag:s14], $0x2800  }
0x100: {  	s21 =	rddreg [dreg:$0xe]  }
0x101: {  	s22 =	rddreg [dreg:$0xb];
	s15 =	sadd.s32 $0x1, s21  }
0x102: {  	p0 =	sne.s32 s15, s22  }
.Ltmp1:
0x103: {  	_ = 	snop;
	(pc) =	sbr.rel @p0 .LBB2_1-.Ltmp1, $3  }
0x104: {  	_ =	sdelay $0x1  }
0x105: {  	[sflag:s14] =	ssyncset.done $0x0  }
0x106: {  	[sflag:s14] =	ssyncadd.s32 $0xFFFFD800  }
0x107: {  	_ =	sfence.sel $0x180000  }
0x108: {  	[bflag:$0x0] =	sbarrier.arrive $0xFFFF  }
0x109: {  	_ =	strace $0x90000047  }
0x10a: {  	s0 =	stileid.u32;
	[bflag:$0x2] =	sbarrier.arrive $0xFFFF  }
0x10b: {  	p0 =	sne.s32 s0, $0x0;
	s0 =	rddreg [dreg:$0x2]  }
0x10c: {  	s0 =	sadd.s32 @!p0 $0x100000, s0  }
0x10d: {  	[sflag:s0] =	ssyncadd.tile.s32 @!p0 $0x1;
	_ =	shalt  }
.Lfunc_end2:
_tile_overlayer_lowered:
.L_overlay_start_2:
0x10e: {  	(tag) =	ssettag $0x2  }
0x10f: {  	s0 =	rddreg [dreg:$0x0];
	s2 =	stileid.u32  }
0x110: {  	s1 =	rddreg [dreg:$0x1];
	p0 =	sne.s32 s2, $0x0  }
0x111: {  	s3 =	rddreg [dreg:$0x2];
	[bflag:$0x3] =	sbarrier.arrive $0xFFFF;
	s2 =	simm.s32 @!p0 $0x1C10  }
0x112: {  	[timem:s3], [sflag:s2] =	dma.local @!p0 [hbm:s0], s1  }
0x113: {  	s0 =	simm.s32 @!p0 $0x10  }
0x114: {  	_ =	swait.ge @!p0 [sflag:s0], s1  }
0x115: {  	s1 =	ssub.s32 @!p0 $0x0, s1;
	[sflag:s0] =	ssyncset.done @!p0 $0x0  }
0x116: {  	[sflag:s0] =	ssyncadd.s32 @!p0 s1  }
0x117: {  	[bflag:$0x3] =	sbarrier.arrive $0xFFFF  }
0x118: {  	_ =	shalt  }

// kernel: kernel.16.cloned.1.call-start
scs
__scs_entry_jumppad:
0x0: {  	(pc) =	sbr.rel $0x88, $3  }
0x1: {  	(tag) =	ssettag $0x0;
	lr =	simm.s32 $0x1  }
0x2: {  	[smem:$0x3F96] =	sst lr;
	_ =	strace $0xD0000000  }
0x3: {  	_ = 	snop  }
0x4: {  	_ = 	snop  }
0x5: {  	_ = 	snop  }
0x6: {  	_ = 	snop  }
0x7: {  	_ = 	snop  }
__scs_overlays_trampoline_lowered:
0x8: {  	[smem:$0x3FA5] =	sst s0  }
0x9: {  	[smem:$0x3FA6] =	sst s1  }
0xa: {  	[smem:$0x3FA7] =	sst s2  }
0xb: {  	[smem:$0x3FA8] =	sst s3  }
0xc: {  	[smem:$0x3FA9] =	sst s4  }
0xd: {  	[smem:$0x3FAA] =	sst s5  }
0xe: {  	[smem:$0x3FAB] =	sst s6  }
0xf: {  	[smem:$0x3FAC] =	sst s7  }
0x10: {  	[smem:$0x3FAD] =	sst s8  }
0x11: {  	[smem:$0x3FAE] =	sst s9;
	s0 =	simm.s32 @!p0 $0x0  }
0x12: {  	s1 =	sld [smem:$0x3F94];
	s0 =	simm.s32 @p0 $0x1  }
0x13: {  	[smem:$0x3FAF] =	sst s0;
	s0 =	simm.s32 @!p1 $0x0  }
0x14: {  	s2 =	sld [smem:$0x3F93];
	s0 =	simm.s32 @p1 $0x1  }
0x15: {  	[smem:$0x3FB0] =	sst s0;
	s0 =	simm.s32 @!p2 $0x0  }
0x16: {  	s3 =	sld [smem:$0x3FDB];
	s0 =	simm.s32 @p2 $0x1  }
0x17: {  	s4 =	simm.s32 $0x1BF5;
	[smem:$0x3FB2] =	sst s0  }
0x18: {  	s0 =	sld [smem:$0x3F95];
	_ =	swait.ge [sflag:s4], $0x0  }
0x19: {  	s7 =	sld [smem:$0x3F96]  }
0x1a: {  	s8 =	sadd.s32 $0xFFFFE003, lr  }
0x1b: {  	s9 =	sadd.s32 $0xFFFFFEF7, lr;
	s5 =	simm.s32 $0xFFFFFFFF;
	p2 =	slt.u32 s8, $0xFFFFF086  }
0x1c: {  	p1 =	slt.u32 s9, $0xF7A;
	s5 =	simm.s32 @!p2 $0x0  }
0x1d: {  	s5 =	simm.s32 @p1 $0x1;
	p0 =	seq.s32 s7, s2  }
0x1e: {  	s7 =	smul.u32 @!p0 $0xF7A, s2;
	p2 =	seq.s32 @!p0 s5, $0x0  }
0x1f: {  	s9 =	smul.u32 $0xF7A, s1;
	s8 =	simm.s32 @!p0 $0x1BF5;
	p2 =	por !p2, p0  }
0x20: {  	[sflag:s8] =	ssyncset.s32 @!p0 $0xFFFFF086;
	s6 =	sadd.s32 @!p0 s3, s7;
	s7 =	simm.s32 @!p0 $0x108  }
0x21: {  	s3 =	sadd.s32 s3, s9;
	s6 =	sadd.s32 @!p0 $0x88, s6;
	s7 =	simm.s32 @p2 $0x1082  }
0x22: {  	[simem:s7], [sflag:s8] =	dma.local @!p0 [hbm:s6], $0xF7A  }
0x23: {  	s9 =	sor.u32 $0xD0000000, s2;
	s6 =	simm.s32 $0x108;
	_ =	swait.ge @!p0 [sflag:s8], $0x0  }
0x24: {  	s3 =	sadd.s32 $0x88, s3;
	s6 =	simm.s32 @!p1 $0x1082;
	[sflag:s4] =	ssyncset.s32 $0xFFFFF086  }
0x25: {  	[simem:s6], [sflag:s4] =	dma.local [hbm:s3], $0xF7A  }
0x26: {  	[smem:$0x3F96] =	sst s1;
	(tag) =	ssettag s2;
	_ =	strace s9  }
0x27: {  	s1 =	sld [smem:$0x3FA6]  }
0x28: {  	s2 =	sld [smem:$0x3FA7]  }
0x29: {  	s4 =	sld [smem:$0x3FA9]  }
0x2a: {  	p0 =	seq.s32 s5, $0x0;
	s5 =	sld [smem:$0x3FAA]  }
0x2b: {  	s6 =	sld [smem:$0x3FAB]  }
0x2c: {  	s7 =	sld [smem:$0x3FAC]  }
0x2d: {  	s3 =	simm.s32 $0x108;
	s8 =	sld [smem:$0x3FAD]  }
0x2e: {  	s3 =	simm.s32 @!p0 $0x1082;
	s9 =	sld [smem:$0x3FAE]  }
0x2f: {  	lr =	sadd.s32 s0, s3;
	s0 =	sld [smem:$0x3FA5]  }
0x30: {  	s3 =	sld [smem:$0x3FA8]  }
0x31: {  	[smem:$0x3FB1] =	sst s10  }
0x32: {  	s10 =	sld [smem:$0x3FAF];
	_ =	sdelay $0x3  }
0x33: {  	p0 =	seq.s32 s10, $0x1;
	s10 =	sld [smem:$0x3FB1];
	_ =	sdelay $0x3  }
0x34: {  	[smem:$0x3FB1] =	sst s10  }
0x35: {  	s10 =	sld [smem:$0x3FB0];
	_ =	sdelay $0x3  }
0x36: {  	p1 =	seq.s32 s10, $0x1;
	s10 =	sld [smem:$0x3FB1];
	_ =	sdelay $0x3  }
0x37: {  	[smem:$0x3FB1] =	sst s10  }
0x38: {  	s10 =	sld [smem:$0x3FB2]  }
0x39: {  	_ = 	snop;
	(pc) =	sbr.ind lr, $3  }
0x3a: {  	_ = 	snop  }
0x3b: {  	_ = 	snop  }
0x3c: {  	p2 =	seq.s32 s10, $0x1;
	s10 =	sld [smem:$0x3FB1]  }
0x3d: {  	_ =	shalt  }
0x3e: {  	_ =	shalt  }
0x3f: {  	_ =	shalt  }
0x40: {  	_ =	shalt  }
0x41: {  	_ =	shalt  }
0x42: {  	_ =	shalt  }
0x43: {  	_ =	shalt  }
0x44: {  	_ =	shalt  }
0x45: {  	_ =	shalt  }
0x46: {  	_ =	shalt  }
0x47: {  	_ =	shalt  }
0x48: {  	_ =	shalt  }
0x49: {  	_ =	shalt  }
0x4a: {  	_ =	shalt  }
0x4b: {  	_ =	shalt  }
0x4c: {  	_ =	shalt  }
0x4d: {  	_ =	shalt  }
0x4e: {  	_ =	shalt  }
0x4f: {  	_ =	shalt  }
0x50: {  	_ =	shalt  }
0x51: {  	_ =	shalt  }
0x52: {  	_ =	shalt  }
0x53: {  	_ =	shalt  }
0x54: {  	_ =	shalt  }
0x55: {  	_ =	shalt  }
0x56: {  	_ =	shalt  }
0x57: {  	_ =	shalt  }
0x58: {  	_ =	shalt  }
0x59: {  	_ =	shalt  }
0x5a: {  	_ =	shalt  }
0x5b: {  	_ =	shalt  }
0x5c: {  	_ =	shalt  }
0x5d: {  	_ =	shalt  }
0x5e: {  	_ =	shalt  }
0x5f: {  	_ =	shalt  }
0x60: {  	_ =	shalt  }
0x61: {  	_ =	shalt  }
0x62: {  	_ =	shalt  }
0x63: {  	_ =	shalt  }
0x64: {  	_ =	shalt  }
0x65: {  	_ =	shalt  }
0x66: {  	_ =	shalt  }
0x67: {  	_ =	shalt  }
0x68: {  	_ =	shalt  }
0x69: {  	_ =	shalt  }
0x6a: {  	_ =	shalt  }
0x6b: {  	_ =	shalt  }
0x6c: {  	_ =	shalt  }
0x6d: {  	_ =	shalt  }
0x6e: {  	_ =	shalt  }
0x6f: {  	_ =	shalt  }
0x70: {  	_ =	shalt  }
0x71: {  	_ =	shalt  }
0x72: {  	_ =	shalt  }
0x73: {  	_ =	shalt  }
0x74: {  	_ =	shalt  }
0x75: {  	_ =	shalt  }
0x76: {  	_ =	shalt  }
0x77: {  	_ =	shalt  }
0x78: {  	_ =	shalt  }
0x79: {  	_ =	shalt  }
0x7a: {  	_ =	shalt  }
0x7b: {  	_ =	shalt  }
0x7c: {  	_ =	shalt  }
0x7d: {  	_ =	shalt  }
0x7e: {  	_ =	shalt  }
0x7f: {  	_ =	shalt  }
0x80: {  	_ =	shalt  }
0x81: {  	_ =	shalt  }
0x82: {  	_ =	shalt  }
0x83: {  	_ =	shalt  }
0x84: {  	_ =	shalt  }
0x85: {  	_ =	shalt  }
0x86: {  	_ =	shalt  }
0x87: {  	_ =	shalt  }
.Lfunc_end0:
.L_simem_size_0:
called_computation.2_lowered:
.L_overlay_start_0:
0x88: {  	s2 =	sld [smem:$0x3FD9]  }
0x89: {  	s3 =	sld [smem:$0x3FFE];
	_ =	sdelay $0x1  }
0x8a: {  	s1 =	srdreg.scid  }
0x8b: {  	s0 =	sand.u32 $0x1, s1  }
0x8c: {  	s16 =	sshll.u32 s0, $0xA;
	s2 =	sadd.s32 s3, s2  }
0x8d: {  	s2 =	sadd.s32 s2, s16  }
0x8e: {  	[smem:$0x3FBD] =	sst s2  }
0x8f: {  	_ = 	snop  }
0x90: {  	(tm) =	ssettm $0x1  }
0x91: {  	s17 =	sld [smem:$0x3FFB];
	_ =	sdelay $0x3  }
0x92: {  	_ =	strace s17  }
0x93: {  	s2 =	sld [smem:$0x3FFC];
	_ =	sdelay $0x3  }
0x94: {  	_ =	strace s2  }
0x95: {  	s2 =	sld [smem:$0x3FFD];
	_ =	sdelay $0x3  }
0x96: {  	_ =	strace s2  }
0x97: {  	_ =	strace $0x8FFFFFFF  }
0x98: {  	s18 =	sld [smem:$0x3FDB];
	_ =	sdelay $0x1  }
0x99: {  	s19 =	simm.s32 $_scs_section_size  }
0x9a: {  	s4 =	simm.s32 $_size__tile_overlayer_lowered;
	s5 =	simm.s32 $_tile_overlayer_lowered  }
0x9b: {  	s22 =	simm.s32 $0x1BFF;
	s21 =	sshll.u32 s5, $0x1;
	s2 =	sadd.s32 s19, s18  }
0x9c: {  	s6 =	simm.s32 $0x0;
	s20 =	sshll.u32 s4, $0x1;
	s4 =	sadd.s32 s21, s2  }
0x9d: {  	[timem:s6], [sflag:s22] =	dma.local [hbm:s4], s20  }
0x9e: {  	_ =	swait.ge [sflag:s22], s20  }
0x9f: {  	s3 =	ssub.s32 $0x0, s20;
	[sflag:s22] =	ssyncset.done $0x0  }
0xa0: {  	[sflag:s22] =	ssyncadd.s32 s3;
	_ =	sdelay $0x1  }
0xa1: {  	s23 =	simm.s32 $0x1B8B  }
0xa2: {  	_ =	swait.ge [sflag:s23], $0x1  }
0xa3: {  	[sflag:s23] =	ssyncset.done $0x0  }
0xa4: {  	s25 =	simm.s32 $0x1B8E;
	s24 =	sld [smem:$0x3FFE];
	[sflag:s23] =	ssyncadd.s32 $0xFFFFFFFF  }
0xa5: {  	s26 =	simm.s32 $execute0_lowered;
	[smem:$0x3FD2] =	sst s25  }
0xa6: {  	s4 =	sshll.u32 s26, $0x1;
	_ =	strace $0x8000004C;
	[dreg:$0x1] =	wrdreg $0xFFFFFFFF  }
0xa7: {  	s28 =	simm.s32 $_size_execute0_lowered;
	s2 =	sadd.s32 s2, s4;
	[dreg:$0x0] =	wrdreg $0x0  }
0xa8: {  	s4 =	sshll.u32 s28, $0x1;
	[dreg:$0x2] =	wrdreg s2  }
0xa9: {  	[dreg:$0x3] =	wrdreg s4  }
0xaa: {  	[dreg:$0x4] =	wrdreg $0xC0  }
0xab: {  	_ =	task [dreg:s6], $0x5FFFF  }
0xac: {  	[dreg:$0x1] =	wrdreg $0xFFFFFFFF  }
0xad: {  	[dreg:$0x0] =	wrdreg $0x60  }
0xae: {  	[dreg:$0x2] =	wrdreg s24  }
0xaf: {  	[dreg:$0x3] =	wrdreg $0x0  }
0xb0: {  	[dreg:$0x4] =	wrdreg $0x9  }
0xb1: {  	_ =	task.clear_ibuf [dreg:s6], $0x5FFFF;
	_ =	strace $0x9000004C  }
0xb2: {  	s29 =	simm.s32 $0x9;
	_ =	strace $0x8000004E  }
0xb3: {  	_ =	swait.ge [sflag:s29], $0x1  }
0xb4: {  	[sflag:s29] =	ssyncadd.s32 $0xFFFFFFFF  }
0xb5: {  	_ =	strace $0x9000004E  }
0xb6: {  	_ =	sfence  }
0xb7: {  	s30 =	sld [smem:$0x0];
	_ =	sdelay $0x2  }
0xb8: {  	s31 =	sshll.u32 s1, $0xD;
	s1 =	sshrl.u32 s1, $0x2  }
0xb9: {  	s3 =	sand.u32 $0x4000, s31;
	s1 =	sadd.s32 s1, s30  }
0xba: {  	s0 =	sor.u32 s3, s0;
	s1 =	sshll.u32 s1, $0x11  }
0xbb: {  	s0 =	sor.u32 s1, s0  }
0xbc: {  	s0 =	sadd.s32 $0x8F2B, s0  }
0xbd: {  	[sflag:s0] =	ssyncadd.remote.s32 $0x1  }
0xbe: {  	_ =	sfence.sel $0xFFFF  }
0xbf: {  	[dreg:$0x0] =	wrdreg $0xFFFFFFFF;
	(pc) =	sbr.abs _section_cstart, $3  }
0xc0: {  	[dreg:$0x1] =	wrdreg $0xFFFFFFFF  }
0xc1: {  	_ =	task.clear_ibuf [dreg:s6], $0x2FFFF;
	_ =	strace $0x9FFFFFFF  }
0xc2: {  	(tm) =	ssettm $0x7FFFFFFF  }
0xc3: {  	_ =	shalt  }
tec
execute0_lowered:
.L_overlay_start_1:
0x0: {  	(tag) =	ssettag $0x1  }
0x1: {  	s0 =	srdreg.scid;
	s5 =	rddreg [dreg:$0x0]  }
0x2: {  	s13 =	stileid.u32;
	s2 =	rddreg [dreg:$0x1]  }
0x3: {  	s3 =	simm.s32 $0x0;
	s28 =	simm.s32 $0xC;
	s29 =	simm.s32 $0x3  }
0x4: {  	s30 =	simm.s32 $0xD;
	s31 =	simm.s32 $0x4;
	s6 =	smul.u32 $0x2800, s13  }
0x5: {  	s0 =	sand.u32 $0x1, s0;
	[smem:$0x7FF] =	sst s3;
	s8 =	smul.u32 $0x50000, s13  }
0x6: {  	s4 =	sadd.s32 $0x16200, s5;
	s10 =	sadd.s32 $0x2600, s5;
	s11 =	smul.u32 $0x2710, s13  }
0x7: {  	s15 =	sshll.u32 s13, $0x6;
	s1 =	sshll.u32 s0, $0x4;
	s7 =	smul.u32 $0x28000, s0  }
0x8: {  	_ =	strace $0x8000004D;
	s9 =	smul.u32 $0x27100, s0;
	s0 =	ssub.s32 $0x2, s0  }
0x9: {  	s1 =	sor.u32 s13, s1;
	s12 =	sadd.s32 s6, s5;
	s26 =	sshrl.u32 s0, $0x1  }
0xa: {  	s8 =	sshrl.u32 s8, $0x2;
	s13 =	simm.s32 $0x28;
	s1 =	smul.u32 $0x2710, s1  }
0xb: {  	s0 =	ssub.s32 s0, s26;
	s14 =	sadd.s32 s11, s9;
	s12 =	sadd.s32 $0x3D400, s12  }
0xc: {  	s11 =	sadd.s32 $0xA0, s14;
	[dreg:$0x8] =	wrdreg s12;
	s12 =	sor.u32 $0x1C10, s15  }
0xd: {  	s18 =	sadd.s32 $0x78, s14;
	s20 =	sadd.s32 $0x50, s14;
	s21 =	sadd.s32 $0x28, s14  }
0xe: {  	s0 =	smax.u32 s0, $0x1;
	s15 =	simm.s32 $0x0;
	s1 =	sshrl.u32 s1, $0x3  }
0xf: {  	s16 =	sshrl.u32 s11, $0x3;
	s19 =	sshrl.u32 s18, $0x3;
	s9 =	sshrl.u32 s20, $0x3  }
0x10: {  	s23 =	sshrl.u32 s21, $0x3;
	[dreg:$0xb] =	wrdreg s0;
	s0 =	simm.s32 $0x5  }
0x11: {  	s11 =	simm.s32 $0xF;
	[dreg:$0x9] =	wrdreg s12;
	s1 =	sadd.s32 s1, s5  }
0x12: {  	s5 =	sadd.s32 s7, s5;
	s7 =	sadd.s32 s8, s2;
	s17 =	sadd.s32 s16, s10  }
0x13: {  	s22 =	sadd.s32 s9, s10;
	s24 =	sadd.s32 s23, s10;
	s8 =	sshrl.u32 s14, $0x3  }
0x14: {  	s14 =	simm.s32 $0x10;
	s23 =	simm.s32 $0x14180;
	[dreg:$0x3] =	wrdreg s17  }
0x15: {  	s1 =	sadd.s32 $0xC400, s1;
	[dreg:$0x5] =	wrdreg s22;
	s5 =	sadd.s32 $0x65400, s5  }
0x16: {  	[dreg:$0x6] =	wrdreg s24;
	s25 =	sadd.s32 s8, s10;
	s8 =	simm.s32 $0x8  }
0x17: {  	s24 =	simm.s32 $0x9;
	[dreg:$0xa] =	wrdreg s1;
	s1 =	sadd.s32 s19, s10  }
0x18: {  	[dreg:$0x7] =	wrdreg s25;
	s10 =	sshrl.u32 s7, $0x3;
	s26 =	sadd.s32 s6, s5  }
0x19: {  	s5 =	simm.s32 $0x6;
	s7 =	simm.s32 $0x7;
	[dreg:$0x4] =	wrdreg s1  }
0x1a: {  	s6 =	simm.s32 $0xA;
	s25 =	simm.s32 $0x17E80;
	[dreg:$0xd] =	wrdreg s26  }
0x1b: {  	s26 =	simm.s32 $0x2;
	s1 =	simm.s32 $0xE;
	[dreg:$0xc] =	wrdreg s10  }
.LBB2_1:
0x1c: {  	[dreg:$0xe] =	wrdreg s15  }
0x1d: {  	s9 =	rddreg [dreg:$0x8]  }
0x1e: {  	[spmem:s10], [sflag:s12] =	dma.local [hbm:s9], $0x2800  }
0x1f: {  	_ =	swait.ge [sflag:s14], $0x2800  }
0x20: {  	[sflag:s14] =	ssyncset.done $0x0  }
0x21: {  	s17 =	simm.s32 $0x1A680;
	s16 =	rddreg [dreg:$0xa];
	[sflag:s14] =	ssyncadd.s32 $0xFFFFD800  }
0x22: {  	[tilespmem:s17], [sflag:$0x10] =	stream.linear.gather [hbm4b:s16+s3], $0x2710, $0x38;
	[tilespmem:$0x1CE00] =	vst v63  }
0x23: {  	_ =	swait.ge [sflag:s14], $0x2710  }
0x24: {  	[sflag:s14] =	ssyncset.done $0x0  }
0x25: {  	[sflag:s14] =	ssyncadd.s32 $0xFFFFD8F0  }
0x26: {  	[bflag:$0x0] =	sbarrier.arrive $0xFFFF  }
0x27: {  	s18 =	rddreg [dreg:$0x7]  }
0x28: {  	s12 =	simm.s32 $0x14000;
	s9 =	sadd.s32 $0x0, s18  }
0x29: {  	[tilespmem:s12], [sflag:$0x1] =	stream.linear.gather [hbm4b:s9+s3], $0x28, $0x38;
	[tilespmem:$0x1CE00] =	vst v63  }
0x2a: {  	s20 =	simm.s32 $0x1A680;
	s14 =	simm.s32 $0x14280;
	s19 =	rddreg [dreg:$0x6]  }
0x2b: {  	[tilespmem:s14], [sflag:$0xB] =	stream.indirect.gather [hbm4b:s4+s13], $0x80, s20, s13, $0xb8;
	[tilespmem:$0x1CE00] =	vst v63  }
0x2c: {  	s15 =	simm.s32 $0x14080;
	s21 =	sadd.s32 $0x0, s19  }
0x2d: {  	[tilespmem:s15], [sflag:$0x2] =	stream.linear.gather [hbm4b:s21+s3], $0x28, $0x38;
	[tilespmem:$0x1CE00] =	vst v63  }
0x2e: {  	s17 =	simm.s32 $0x1A6A8;
	s16 =	simm.s32 $0x15680;
	s22 =	rddreg [dreg:$0x5]  }
0x2f: {  	[tilespmem:s16], [sflag:$0xC] =	stream.indirect.gather [hbm4b:s4+s13], $0x80, s17, s13, $0xb8;
	[tilespmem:$0x1CE00] =	vst v63  }
0x30: {  	s18 =	sadd.s32 $0x0, s22;
	s17 =	simm.s32 $0x14100  }
0x31: {  	[tilespmem:s17], [sflag:$0x3] =	stream.linear.gather [hbm4b:s18+s3], $0x28, $0x38;
	[tilespmem:$0x1CE00] =	vst v63  }
0x32: {  	s19 =	rddreg [dreg:$0x4];
	s20 =	simm.s32 $0x1A6D0;
	s18 =	simm.s32 $0x16A80  }
0x33: {  	[tilespmem:s18], [sflag:$0xD] =	stream.indirect.gather [hbm4b:s4+s13], $0x80, s20, s13, $0xb8;
	[tilespmem:$0x1CE00] =	vst v63  }
0x34: {  	s21 =	sadd.s32 $0x0, s19;
	s19 =	simm.s32 $0x14180  }
0x35: {  	[tilespmem:s19], [sflag:$0x4] =	stream.linear.gather [hbm4b:s21+s3], $0x28, $0x38;
	[tilespmem:$0x1CE00] =	vst v63  }
0x36: {  	s22 =	rddreg [dreg:$0x3];
	s20 =	simm.s32 $0x17E80;
	s21 =	simm.s32 $0x1A6F8  }
0x37: {  	[tilespmem:s20], [sflag:$0xE] =	stream.indirect.gather [hbm4b:s4+s13], $0x80, s21, s13, $0xb8;
	[tilespmem:$0x1CE00] =	vst v63  }
0x38: {  	s22 =	sadd.s32 $0x0, s22;
	s21 =	simm.s32 $0x14200  }
0x39: {  	[tilespmem:s21], [sflag:$0x5] =	stream.linear.gather [hbm4b:s22+s3], $0x28, $0x38;
	[tilespmem:$0x1CE00] =	vst v63  }
0x3a: {  	s10 =	simm.s32 $0x1A720;
	s9 =	simm.s32 $0x19280;
	s22 =	simm.s32 $0x1  }
0x3b: {  	[tilespmem:s9], [sflag:$0xF] =	stream.indirect.gather [hbm4b:s4+s13], $0x80, s10, s13, $0xb8;
	[tilespmem:$0x1CE00] =	vst v63  }
0x3c: {  	_ =	swait.ge [sflag:s22], $0x28  }
0x3d: {  	[sflag:s22] =	ssyncset.done $0x0  }
0x3e: {  	[sflag:s22] =	ssyncadd.s32 $0xFFFFFFD8;
	s22 =	simm.s32 $0xB  }
0x3f: {  	_ =	swait.ge [sflag:s22], $0x1400  }
0x40: {  	[sflag:s22] =	ssyncset.done $0x0  }
0x41: {  	[sflag:s22] =	ssyncadd.s32 $0xFFFFEC00  }
0x42: {  	[spmem:s2] =	stream.indirect.scatter.add.f32 [tilespmem:s14], [sflag:$0x6], $0x80, s12, s13, $0xb8;
	[tilespmem:$0x1CE00] =	vst v63  }
0x43: {  	_ =	swait.ge [sflag:s26], $0x28  }
0x44: {  	[sflag:s26] =	ssyncset.done $0x0  }
0x45: {  	[sflag:s26] =	ssyncadd.s32 $0xFFFFFFD8  }
0x46: {  	_ =	swait.ge [sflag:s28], $0x1400  }
0x47: {  	[sflag:s28] =	ssyncset.done $0x0  }
0x48: {  	[sflag:s28] =	ssyncadd.s32 $0xFFFFEC00  }
0x49: {  	[spmem:s2] =	stream.indirect.scatter.add.f32 [tilespmem:s16], [sflag:$0x7], $0x80, s15, s13, $0xb8;
	[tilespmem:$0x1CE00] =	vst v63  }
0x4a: {  	_ =	swait.ge [sflag:s29], $0x28  }
0x4b: {  	[sflag:s29] =	ssyncset.done $0x0  }
0x4c: {  	[sflag:s29] =	ssyncadd.s32 $0xFFFFFFD8  }
0x4d: {  	_ =	swait.ge [sflag:s30], $0x1400  }
0x4e: {  	[sflag:s30] =	ssyncset.done $0x0  }
0x4f: {  	[sflag:s30] =	ssyncadd.s32 $0xFFFFEC00  }
0x50: {  	[spmem:s2] =	stream.indirect.scatter.add.f32 [tilespmem:s18], [sflag:$0x8], $0x80, s17, s13, $0xb8;
	[tilespmem:$0x1CE00] =	vst v63  }
0x51: {  	_ =	swait.ge [sflag:s31], $0x28  }
0x52: {  	[sflag:s31] =	ssyncset.done $0x0  }
0x53: {  	[sflag:s31] =	ssyncadd.s32 $0xFFFFFFD8  }
0x54: {  	_ =	swait.ge [sflag:s1], $0x1400  }
0x55: {  	[sflag:s1] =	ssyncset.done $0x0  }
0x56: {  	[sflag:s1] =	ssyncadd.s32 $0xFFFFEC00  }
0x57: {  	[spmem:s2] =	stream.indirect.scatter.add.f32 [tilespmem:s20], [sflag:$0x9], $0x80, s19, s13, $0xb8;
	[tilespmem:$0x1CE00] =	vst v63  }
0x58: {  	_ =	swait.ge [sflag:s0], $0x28  }
0x59: {  	[sflag:s0] =	ssyncset.done $0x0  }
0x5a: {  	[sflag:s0] =	ssyncadd.s32 $0xFFFFFFD8  }
0x5b: {  	_ =	swait.ge [sflag:s11], $0x1400  }
0x5c: {  	[sflag:s11] =	ssyncset.done $0x0  }
0x5d: {  	[sflag:s11] =	ssyncadd.s32 $0xFFFFEC00  }
0x5e: {  	[spmem:s2] =	stream.indirect.scatter.add.f32 [tilespmem:s9], [sflag:$0xA], $0x80, s21, s13, $0xb8;
	[tilespmem:$0x1CE00] =	vst v63  }
0x5f: {  	_ =	swait.ge [sflag:s5], $0x1400  }
0x60: {  	[sflag:s5] =	ssyncset.done $0x0  }
0x61: {  	[sflag:s5] =	ssyncadd.s32 $0xFFFFEC00  }
0x62: {  	_ =	swait.ge [sflag:s7], $0x1400  }
0x63: {  	[sflag:s7] =	ssyncset.done $0x0  }
0x64: {  	[sflag:s7] =	ssyncadd.s32 $0xFFFFEC00  }
0x65: {  	_ =	swait.ge [sflag:s8], $0x1400  }
0x66: {  	[sflag:s8] =	ssyncset.done $0x0  }
0x67: {  	[sflag:s8] =	ssyncadd.s32 $0xFFFFEC00  }
0x68: {  	_ =	swait.ge [sflag:s24], $0x1400  }
0x69: {  	[sflag:s24] =	ssyncset.done $0x0  }
0x6a: {  	[sflag:s24] =	ssyncadd.s32 $0xFFFFEC00  }
0x6b: {  	s12 =	simm.s32 $0x32;
	_ =	swait.ge [sflag:s6], $0x1400  }
0x6c: {  	s9 =	simm.s32 $0x19;
	s14 =	rddreg [dreg:$0x7];
	[sflag:s6] =	ssyncset.done $0x0  }
.LBB2_2:
0x6d: {  	[sflag:s6] =	ssyncadd.s32 $0xFFFFEC00  }
0x6e: {  	s10 =	sadd.s32 $0xC8, s10;
	s14 =	sadd.s32 s9, s14;
	s17 =	simm.s32 $0x14000  }
0x6f: {  	[tilespmem:s17], [sflag:$0x1] =	stream.linear.gather [hbm4b:s14+s3], $0x28, $0x38;
	[tilespmem:$0x1CE00] =	vst v63  }
0x70: {  	s16 =	rddreg [dreg:$0x6];
	s18 =	simm.s32 $0x14280;
	s20 =	sadd.s32 $0xFFFFFF60, s10  }
0x71: {  	[tilespmem:s18], [sflag:$0xB] =	stream.indirect.gather [hbm4b:s4+s13], $0x80, s20, s13, $0xb8;
	[tilespmem:$0x1CE00] =	vst v63  }
0x72: {  	s19 =	simm.s32 $0x14080;
	s21 =	sadd.s32 s9, s16  }
0x73: {  	[tilespmem:s19], [sflag:$0x2] =	stream.linear.gather [hbm4b:s21+s3], $0x28, $0x38;
	[tilespmem:$0x1CE00] =	vst v63  }
0x74: {  	s22 =	rddreg [dreg:$0x5];
	s20 =	simm.s32 $0x15680;
	s21 =	sadd.s32 $0xFFFFFF88, s10  }
0x75: {  	[tilespmem:s20], [sflag:$0xC] =	stream.indirect.gather [hbm4b:s4+s13], $0x80, s21, s13, $0xb8;
	[tilespmem:$0x1CE00] =	vst v63  }
0x76: {  	s22 =	sadd.s32 s9, s22;
	s21 =	simm.s32 $0x14100  }
0x77: {  	[tilespmem:s21], [sflag:$0x3] =	stream.linear.gather [hbm4b:s22+s3], $0x28, $0x38;
	[tilespmem:$0x1CE00] =	vst v63  }
0x78: {  	s16 =	rddreg [dreg:$0x4];
	s14 =	sadd.s32 $0xFFFFFFB0, s10;
	s22 =	simm.s32 $0x16A80  }
0x79: {  	[tilespmem:s22], [sflag:$0xD] =	stream.indirect.gather [hbm4b:s4+s13], $0x80, s14, s13, $0xb8;
	[tilespmem:$0x1CE00] =	vst v63  }
0x7a: {  	s14 =	sadd.s32 s9, s16  }
0x7b: {  	[tilespmem:s23], [sflag:$0x4] =	stream.linear.gather [hbm4b:s14+s3], $0x28, $0x38;
	[tilespmem:$0x1CE00] =	vst v63  }
0x7c: {  	s15 =	smov.u32 s12;
	s16 =	rddreg [dreg:$0x3];
	s14 =	sadd.s32 $0xFFFFFFD8, s10  }
0x7d: {  	[tilespmem:s25], [sflag:$0xE] =	stream.indirect.gather [hbm4b:s4+s13], $0x80, s14, s13, $0xb8;
	[tilespmem:$0x1CE00] =	vst v63  }
0x7e: {  	s16 =	sadd.s32 s9, s16;
	s9 =	smov.u32 s15;
	s15 =	simm.s32 $0x14200  }
0x7f: {  	[tilespmem:s15], [sflag:$0x5] =	stream.linear.gather [hbm4b:s16+s3], $0x28, $0x38;
	[tilespmem:$0x1CE00] =	vst v63  }
0x80: {  	s14 =	simm.s32 $0x19280;
	s16 =	simm.s32 $0x1  }
0x81: {  	[tilespmem:s14], [sflag:$0xF] =	stream.indirect.gather [hbm4b:s4+s13], $0x80, s10, s13, $0xb8;
	[tilespmem:$0x1CE00] =	vst v63  }
0x82: {  	_ =	swait.ge [sflag:s16], $0x28  }
0x83: {  	[sflag:s16] =	ssyncset.done $0x0  }
0x84: {  	[sflag:s16] =	ssyncadd.s32 $0xFFFFFFD8;
	s16 =	simm.s32 $0xB  }
0x85: {  	_ =	swait.ge [sflag:s16], $0x1400  }
0x86: {  	[sflag:s16] =	ssyncset.done $0x0  }
0x87: {  	[sflag:s16] =	ssyncadd.s32 $0xFFFFEC00  }
0x88: {  	[spmem:s2] =	stream.indirect.scatter.add.f32 [tilespmem:s18], [sflag:$0x6], $0x80, s17, s13, $0xb8;
	[tilespmem:$0x1CE00] =	vst v63  }
0x89: {  	_ =	swait.ge [sflag:s26], $0x28  }
0x8a: {  	[sflag:s26] =	ssyncset.done $0x0  }
0x8b: {  	[sflag:s26] =	ssyncadd.s32 $0xFFFFFFD8  }
0x8c: {  	_ =	swait.ge [sflag:s28], $0x1400  }
0x8d: {  	[sflag:s28] =	ssyncset.done $0x0  }
0x8e: {  	[sflag:s28] =	ssyncadd.s32 $0xFFFFEC00  }
0x8f: {  	[spmem:s2] =	stream.indirect.scatter.add.f32 [tilespmem:s20], [sflag:$0x7], $0x80, s19, s13, $0xb8;
	[tilespmem:$0x1CE00] =	vst v63  }
0x90: {  	_ =	swait.ge [sflag:s29], $0x28  }
0x91: {  	[sflag:s29] =	ssyncset.done $0x0  }
0x92: {  	[sflag:s29] =	ssyncadd.s32 $0xFFFFFFD8  }
0x93: {  	_ =	swait.ge [sflag:s30], $0x1400  }
0x94: {  	[sflag:s30] =	ssyncset.done $0x0  }
0x95: {  	[sflag:s30] =	ssyncadd.s32 $0xFFFFEC00  }
0x96: {  	[spmem:s2] =	stream.indirect.scatter.add.f32 [tilespmem:s22], [sflag:$0x8], $0x80, s21, s13, $0xb8;
	[tilespmem:$0x1CE00] =	vst v63  }
0x97: {  	_ =	swait.ge [sflag:s31], $0x28  }
0x98: {  	[sflag:s31] =	ssyncset.done $0x0  }
0x99: {  	[sflag:s31] =	ssyncadd.s32 $0xFFFFFFD8  }
0x9a: {  	_ =	swait.ge [sflag:s1], $0x1400  }
0x9b: {  	[sflag:s1] =	ssyncset.done $0x0  }
0x9c: {  	[sflag:s1] =	ssyncadd.s32 $0xFFFFEC00  }
0x9d: {  	[spmem:s2] =	stream.indirect.scatter.add.f32 [tilespmem:s25], [sflag:$0x9], $0x80, s23, s13, $0xb8;
	[tilespmem:$0x1CE00] =	vst v63  }
0x9e: {  	_ =	swait.ge [sflag:s0], $0x28  }
0x9f: {  	[sflag:s0] =	ssyncset.done $0x0  }
0xa0: {  	[sflag:s0] =	ssyncadd.s32 $0xFFFFFFD8  }
0xa1: {  	_ =	swait.ge [sflag:s11], $0x1400  }
0xa2: {  	[sflag:s11] =	ssyncset.done $0x0  }
0xa3: {  	[sflag:s11] =	ssyncadd.s32 $0xFFFFEC00  }
0xa4: {  	[spmem:s2] =	stream.indirect.scatter.add.f32 [tilespmem:s14], [sflag:$0xA], $0x80, s15, s13, $0xb8;
	[tilespmem:$0x1CE00] =	vst v63  }
0xa5: {  	_ =	swait.ge [sflag:s5], $0x1400  }
0xa6: {  	[sflag:s5] =	ssyncset.done $0x0  }
0xa7: {  	[sflag:s5] =	ssyncadd.s32 $0xFFFFEC00  }
0xa8: {  	_ =	swait.ge [sflag:s7], $0x1400  }
0xa9: {  	[sflag:s7] =	ssyncset.done $0x0  }
0xaa: {  	[sflag:s7] =	ssyncadd.s32 $0xFFFFEC00  }
0xab: {  	_ =	swait.ge [sflag:s8], $0x1400  }
0xac: {  	[sflag:s8] =	ssyncset.done $0x0  }
0xad: {  	p0 =	sne.s32 s12, $0x4C9;
	[sflag:s8] =	ssyncadd.s32 $0xFFFFEC00  }
.Ltmp0:
0xae: {  	_ =	swait.ge [sflag:s24], $0x1400;
	(pc) =	sbr.rel @p0 .LBB2_2-.Ltmp0, $4  }
0xaf: {  	[sflag:s24] =	ssyncset.done $0x0  }
0xb0: {  	[sflag:s24] =	ssyncadd.s32 $0xFFFFEC00  }
0xb1: {  	_ =	swait.ge [sflag:s6], $0x1400  }
0xb2: {  	s12 =	sadd.s32 $0x19, s12;
	s14 =	rddreg [dreg:$0x7];
	[sflag:s6] =	ssyncset.done $0x0  }
0xb3: {  	[sflag:s6] =	ssyncadd.s32 $0xFFFFEC00  }
0xb4: {  	s10 =	sadd.s32 $0xC8, s10;
	s12 =	sadd.s32 s9, s14;
	s15 =	simm.s32 $0x14000  }
0xb5: {  	[tilespmem:s15], [sflag:$0x1] =	stream.linear.gather [hbm4b:s12+s3], $0x28, $0x38;
	[tilespmem:$0x1CE00] =	vst v63  }
0xb6: {  	s22 =	rddreg [dreg:$0x6];
	s16 =	simm.s32 $0x14280;
	s17 =	sadd.s32 $0xFFFFFF60, s10  }
0xb7: {  	[tilespmem:s16], [sflag:$0xB] =	stream.indirect.gather [hbm4b:s4+s13], $0x80, s17, s13, $0xb8;
	[tilespmem:$0x1CE00] =	vst v63  }
0xb8: {  	s18 =	sadd.s32 s9, s22;
	s17 =	simm.s32 $0x14080  }
0xb9: {  	[tilespmem:s17], [sflag:$0x2] =	stream.linear.gather [hbm4b:s18+s3], $0x28, $0x38;
	[tilespmem:$0x1CE00] =	vst v63  }
0xba: {  	s19 =	rddreg [dreg:$0x5];
	s20 =	sadd.s32 $0xFFFFFF88, s10;
	s18 =	simm.s32 $0x15680  }
0xbb: {  	[tilespmem:s18], [sflag:$0xC] =	stream.indirect.gather [hbm4b:s4+s13], $0x80, s20, s13, $0xb8;
	[tilespmem:$0x1CE00] =	vst v63  }
0xbc: {  	s21 =	sadd.s32 s9, s19;
	s19 =	simm.s32 $0x14100  }
0xbd: {  	[tilespmem:s19], [sflag:$0x3] =	stream.linear.gather [hbm4b:s21+s3], $0x28, $0x38;
	[tilespmem:$0x1CE00] =	vst v63  }
0xbe: {  	s22 =	rddreg [dreg:$0x4];
	s20 =	simm.s32 $0x16A80;
	s21 =	sadd.s32 $0xFFFFFFB0, s10  }
0xbf: {  	[tilespmem:s20], [sflag:$0xD] =	stream.indirect.gather [hbm4b:s4+s13], $0x80, s21, s13, $0xb8;
	[tilespmem:$0x1CE00] =	vst v63  }
0xc0: {  	s22 =	sadd.s32 s9, s22;
	s21 =	simm.s32 $0x14180  }
0xc1: {  	[tilespmem:s21], [sflag:$0x4] =	stream.linear.gather [hbm4b:s22+s3], $0x28, $0x38;
	[tilespmem:$0x1CE00] =	vst v63  }
0xc2: {  	s14 =	rddreg [dreg:$0x3];
	s12 =	sadd.s32 $0xFFFFFFD8, s10;
	s22 =	simm.s32 $0x17E80  }
0xc3: {  	[tilespmem:s22], [sflag:$0xE] =	stream.indirect.gather [hbm4b:s4+s13], $0x80, s12, s13, $0xb8;
	[tilespmem:$0x1CE00] =	vst v63  }
0xc4: {  	s14 =	sadd.s32 s9, s14;
	s12 =	simm.s32 $0x14200  }
0xc5: {  	[tilespmem:s12], [sflag:$0x5] =	stream.linear.gather [hbm4b:s14+s3], $0x28, $0x38;
	[tilespmem:$0x1CE00] =	vst v63  }
0xc6: {  	s9 =	simm.s32 $0x19280;
	s14 =	simm.s32 $0x1  }
0xc7: {  	[tilespmem:s9], [sflag:$0xF] =	stream.indirect.gather [hbm4b:s4+s13], $0x80, s10, s13, $0xb8;
	[tilespmem:$0x1CE00] =	vst v63  }
0xc8: {  	_ =	swait.ge [sflag:s14], $0x28  }
0xc9: {  	[sflag:s14] =	ssyncset.done $0x0  }
0xca: {  	[sflag:s14] =	ssyncadd.s32 $0xFFFFFFD8;
	s14 =	simm.s32 $0xB  }
0xcb: {  	_ =	swait.ge [sflag:s14], $0x1400  }
0xcc: {  	[sflag:s14] =	ssyncset.done $0x0  }
0xcd: {  	[sflag:s14] =	ssyncadd.s32 $0xFFFFEC00  }
0xce: {  	[spmem:s2] =	stream.indirect.scatter.add.f32 [tilespmem:s16], [sflag:$0x6], $0x80, s15, s13, $0xb8;
	[tilespmem:$0x1CE00] =	vst v63  }
0xcf: {  	_ =	swait.ge [sflag:s26], $0x28  }
0xd0: {  	[sflag:s26] =	ssyncset.done $0x0  }
0xd1: {  	[sflag:s26] =	ssyncadd.s32 $0xFFFFFFD8  }
0xd2: {  	_ =	swait.ge [sflag:s28], $0x1400  }
0xd3: {  	[sflag:s28] =	ssyncset.done $0x0  }
0xd4: {  	[sflag:s28] =	ssyncadd.s32 $0xFFFFEC00  }
0xd5: {  	[spmem:s2] =	stream.indirect.scatter.add.f32 [tilespmem:s18], [sflag:$0x7], $0x80, s17, s13, $0xb8;
	[tilespmem:$0x1CE00] =	vst v63  }
0xd6: {  	_ =	swait.ge [sflag:s29], $0x28  }
0xd7: {  	[sflag:s29] =	ssyncset.done $0x0  }
0xd8: {  	[sflag:s29] =	ssyncadd.s32 $0xFFFFFFD8  }
0xd9: {  	_ =	swait.ge [sflag:s30], $0x1400  }
0xda: {  	[sflag:s30] =	ssyncset.done $0x0  }
0xdb: {  	[sflag:s30] =	ssyncadd.s32 $0xFFFFEC00  }
0xdc: {  	[spmem:s2] =	stream.indirect.scatter.add.f32 [tilespmem:s20], [sflag:$0x8], $0x80, s19, s13, $0xb8;
	[tilespmem:$0x1CE00] =	vst v63  }
0xdd: {  	_ =	swait.ge [sflag:s31], $0x28  }
0xde: {  	[sflag:s31] =	ssyncset.done $0x0  }
0xdf: {  	[sflag:s31] =	ssyncadd.s32 $0xFFFFFFD8  }
0xe0: {  	_ =	swait.ge [sflag:s1], $0x1400  }
0xe1: {  	[sflag:s1] =	ssyncset.done $0x0  }
0xe2: {  	[sflag:s1] =	ssyncadd.s32 $0xFFFFEC00  }
0xe3: {  	[spmem:s2] =	stream.indirect.scatter.add.f32 [tilespmem:s22], [sflag:$0x9], $0x80, s21, s13, $0xb8;
	[tilespmem:$0x1CE00] =	vst v63  }
0xe4: {  	_ =	swait.ge [sflag:s0], $0x28  }
0xe5: {  	[sflag:s0] =	ssyncset.done $0x0  }
0xe6: {  	[sflag:s0] =	ssyncadd.s32 $0xFFFFFFD8  }
0xe7: {  	_ =	swait.ge [sflag:s11], $0x1400  }
0xe8: {  	[sflag:s11] =	ssyncset.done $0x0  }
0xe9: {  	[sflag:s11] =	ssyncadd.s32 $0xFFFFEC00  }
0xea: {  	[spmem:s2] =	stream.indirect.scatter.add.f32 [tilespmem:s9], [sflag:$0xA], $0x80, s12, s13, $0xb8;
	[tilespmem:$0x1CE00] =	vst v63  }
0xeb: {  	_ =	swait.ge [sflag:s5], $0x1400  }
0xec: {  	[sflag:s5] =	ssyncset.done $0x0  }
0xed: {  	[sflag:s5] =	ssyncadd.s32 $0xFFFFEC00  }
0xee: {  	_ =	swait.ge [sflag:s7], $0x1400  }
0xef: {  	[sflag:s7] =	ssyncset.done $0x0  }
0xf0: {  	[sflag:s7] =	ssyncadd.s32 $0xFFFFEC00  }
0xf1: {  	_ =	swait.ge [sflag:s8], $0x1400  }
0xf2: {  	[sflag:s8] =	ssyncset.done $0x0  }
0xf3: {  	[sflag:s8] =	ssyncadd.s32 $0xFFFFEC00  }
0xf4: {  	_ =	swait.ge [sflag:s24], $0x1400  }
0xf5: {  	[sflag:s24] =	ssyncset.done $0x0  }
0xf6: {  	[sflag:s24] =	ssyncadd.s32 $0xFFFFEC00  }
0xf7: {  	_ =	swait.ge [sflag:s6], $0x1400  }
0xf8: {  	[sflag:s6] =	ssyncset.done $0x0  }
0xf9: {  	[sflag:s6] =	ssyncadd.s32 $0xFFFFEC00  }
0xfa: {  	[bflag:$0x0] =	sbarrier.arrive $0xFFFF  }
0xfb: {  	s12 =	rddreg [dreg:$0x9]  }
0xfc: {  	s10 =	rddreg [dreg:$0xc]  }
0xfd: {  	s14 =	simm.s32 $0x10;
	s20 =	rddreg [dreg:$0xd]  }
0xfe: {  	[hbm:s20], [sflag:s12] =	dma.local [spmem:s10], $0x2800  }
0xff: {  	_ =	swait.ge [sflag:s14], $0x2800  }
0x100: {  	s21 =	rddreg [dreg:$0xe]  }
0x101: {  	s22 =	rddreg [dreg:$0xb];
	s15 =	sadd.s32 $0x1, s21  }
0x102: {  	p0 =	sne.s32 s15, s22  }
.Ltmp1:
0x103: {  	_ = 	snop;
	(pc) =	sbr.rel @p0 .LBB2_1-.Ltmp1, $3  }
0x104: {  	_ =	sdelay $0x1  }
0x105: {  	[sflag:s14] =	ssyncset.done $0x0  }
0x106: {  	[sflag:s14] =	ssyncadd.s32 $0xFFFFD800  }
0x107: {  	_ =	sfence.sel $0x180000  }
0x108: {  	[bflag:$0x0] =	sbarrier.arrive $0xFFFF  }
0x109: {  	_ =	strace $0x9000004D  }
0x10a: {  	s0 =	stileid.u32;
	[bflag:$0x2] =	sbarrier.arrive $0xFFFF  }
0x10b: {  	p0 =	sne.s32 s0, $0x0;
	s0 =	rddreg [dreg:$0x2]  }
0x10c: {  	s0 =	sadd.s32 @!p0 $0x100000, s0  }
0x10d: {  	[sflag:s0] =	ssyncadd.tile.s32 @!p0 $0x1;
	_ =	shalt  }
.Lfunc_end2:
_tile_overlayer_lowered:
.L_overlay_start_2:
0x10e: {  	(tag) =	ssettag $0x2  }
0x10f: {  	s0 =	rddreg [dreg:$0x0];
	s2 =	stileid.u32  }
0x110: {  	s1 =	rddreg [dreg:$0x1];
	p0 =	sne.s32 s2, $0x0  }
0x111: {  	s3 =	rddreg [dreg:$0x2];
	[bflag:$0x3] =	sbarrier.arrive $0xFFFF;
	s2 =	simm.s32 @!p0 $0x1C10  }
0x112: {  	[timem:s3], [sflag:s2] =	dma.local @!p0 [hbm:s0], s1  }
0x113: {  	s0 =	simm.s32 @!p0 $0x10  }
0x114: {  	_ =	swait.ge @!p0 [sflag:s0], s1  }
0x115: {  	s1 =	ssub.s32 @!p0 $0x0, s1;
	[sflag:s0] =	ssyncset.done @!p0 $0x0  }
0x116: {  	[sflag:s0] =	ssyncadd.s32 @!p0 s1  }
0x117: {  	[bflag:$0x3] =	sbarrier.arrive $0xFFFF  }
0x118: {  	_ =	shalt  }

// kernel: kernel.19.cloned.1.call-start
scs
__scs_entry_jumppad:
0x0: {  	(pc) =	sbr.rel $0x88, $3  }
0x1: {  	(tag) =	ssettag $0x0;
	lr =	simm.s32 $0x1  }
0x2: {  	[smem:$0x3F96] =	sst lr;
	_ =	strace $0xD0000000  }
0x3: {  	_ = 	snop  }
0x4: {  	_ = 	snop  }
0x5: {  	_ = 	snop  }
0x6: {  	_ = 	snop  }
0x7: {  	_ = 	snop  }
__scs_overlays_trampoline_lowered:
0x8: {  	[smem:$0x3FA5] =	sst s0  }
0x9: {  	[smem:$0x3FA6] =	sst s1  }
0xa: {  	[smem:$0x3FA7] =	sst s2  }
0xb: {  	[smem:$0x3FA8] =	sst s3  }
0xc: {  	[smem:$0x3FA9] =	sst s4  }
0xd: {  	[smem:$0x3FAA] =	sst s5  }
0xe: {  	[smem:$0x3FAB] =	sst s6  }
0xf: {  	[smem:$0x3FAC] =	sst s7  }
0x10: {  	[smem:$0x3FAD] =	sst s8  }
0x11: {  	[smem:$0x3FAE] =	sst s9;
	s0 =	simm.s32 @!p0 $0x0  }
0x12: {  	s1 =	sld [smem:$0x3F94];
	s0 =	simm.s32 @p0 $0x1  }
0x13: {  	[smem:$0x3FAF] =	sst s0;
	s0 =	simm.s32 @!p1 $0x0  }
0x14: {  	s2 =	sld [smem:$0x3F93];
	s0 =	simm.s32 @p1 $0x1  }
0x15: {  	[smem:$0x3FB0] =	sst s0;
	s0 =	simm.s32 @!p2 $0x0  }
0x16: {  	s3 =	sld [smem:$0x3FDB];
	s0 =	simm.s32 @p2 $0x1  }
0x17: {  	s4 =	simm.s32 $0x1BF5;
	[smem:$0x3FB2] =	sst s0  }
0x18: {  	s0 =	sld [smem:$0x3F95];
	_ =	swait.ge [sflag:s4], $0x0  }
0x19: {  	s7 =	sld [smem:$0x3F96]  }
0x1a: {  	s8 =	sadd.s32 $0xFFFFE003, lr  }
0x1b: {  	s9 =	sadd.s32 $0xFFFFFEF7, lr;
	s5 =	simm.s32 $0xFFFFFFFF;
	p2 =	slt.u32 s8, $0xFFFFF086  }
0x1c: {  	p1 =	slt.u32 s9, $0xF7A;
	s5 =	simm.s32 @!p2 $0x0  }
0x1d: {  	s5 =	simm.s32 @p1 $0x1;
	p0 =	seq.s32 s7, s2  }
0x1e: {  	s7 =	smul.u32 @!p0 $0xF7A, s2;
	p2 =	seq.s32 @!p0 s5, $0x0  }
0x1f: {  	s9 =	smul.u32 $0xF7A, s1;
	s8 =	simm.s32 @!p0 $0x1BF5;
	p2 =	por !p2, p0  }
0x20: {  	[sflag:s8] =	ssyncset.s32 @!p0 $0xFFFFF086;
	s6 =	sadd.s32 @!p0 s3, s7;
	s7 =	simm.s32 @!p0 $0x108  }
0x21: {  	s3 =	sadd.s32 s3, s9;
	s6 =	sadd.s32 @!p0 $0x88, s6;
	s7 =	simm.s32 @p2 $0x1082  }
0x22: {  	[simem:s7], [sflag:s8] =	dma.local @!p0 [hbm:s6], $0xF7A  }
0x23: {  	s9 =	sor.u32 $0xD0000000, s2;
	s6 =	simm.s32 $0x108;
	_ =	swait.ge @!p0 [sflag:s8], $0x0  }
0x24: {  	s3 =	sadd.s32 $0x88, s3;
	s6 =	simm.s32 @!p1 $0x1082;
	[sflag:s4] =	ssyncset.s32 $0xFFFFF086  }
0x25: {  	[simem:s6], [sflag:s4] =	dma.local [hbm:s3], $0xF7A  }
0x26: {  	[smem:$0x3F96] =	sst s1;
	(tag) =	ssettag s2;
	_ =	strace s9  }
0x27: {  	s1 =	sld [smem:$0x3FA6]  }
0x28: {  	s2 =	sld [smem:$0x3FA7]  }
0x29: {  	s4 =	sld [smem:$0x3FA9]  }
0x2a: {  	p0 =	seq.s32 s5, $0x0;
	s5 =	sld [smem:$0x3FAA]  }
0x2b: {  	s6 =	sld [smem:$0x3FAB]  }
0x2c: {  	s7 =	sld [smem:$0x3FAC]  }
0x2d: {  	s3 =	simm.s32 $0x108;
	s8 =	sld [smem:$0x3FAD]  }
0x2e: {  	s3 =	simm.s32 @!p0 $0x1082;
	s9 =	sld [smem:$0x3FAE]  }
0x2f: {  	lr =	sadd.s32 s0, s3;
	s0 =	sld [smem:$0x3FA5]  }
0x30: {  	s3 =	sld [smem:$0x3FA8]  }
0x31: {  	[smem:$0x3FB1] =	sst s10  }
0x32: {  	s10 =	sld [smem:$0x3FAF];
	_ =	sdelay $0x3  }
0x33: {  	p0 =	seq.s32 s10, $0x1;
	s10 =	sld [smem:$0x3FB1];
	_ =	sdelay $0x3  }
0x34: {  	[smem:$0x3FB1] =	sst s10  }
0x35: {  	s10 =	sld [smem:$0x3FB0];
	_ =	sdelay $0x3  }
0x36: {  	p1 =	seq.s32 s10, $0x1;
	s10 =	sld [smem:$0x3FB1];
	_ =	sdelay $0x3  }
0x37: {  	[smem:$0x3FB1] =	sst s10  }
0x38: {  	s10 =	sld [smem:$0x3FB2]  }
0x39: {  	_ = 	snop;
	(pc) =	sbr.ind lr, $3  }
0x3a: {  	_ = 	snop  }
0x3b: {  	_ = 	snop  }
0x3c: {  	p2 =	seq.s32 s10, $0x1;
	s10 =	sld [smem:$0x3FB1]  }
0x3d: {  	_ =	shalt  }
0x3e: {  	_ =	shalt  }
0x3f: {  	_ =	shalt  }
0x40: {  	_ =	shalt  }
0x41: {  	_ =	shalt  }
0x42: {  	_ =	shalt  }
0x43: {  	_ =	shalt  }
0x44: {  	_ =	shalt  }
0x45: {  	_ =	shalt  }
0x46: {  	_ =	shalt  }
0x47: {  	_ =	shalt  }
0x48: {  	_ =	shalt  }
0x49: {  	_ =	shalt  }
0x4a: {  	_ =	shalt  }
0x4b: {  	_ =	shalt  }
0x4c: {  	_ =	shalt  }
0x4d: {  	_ =	shalt  }
0x4e: {  	_ =	shalt  }
0x4f: {  	_ =	shalt  }
0x50: {  	_ =	shalt  }
0x51: {  	_ =	shalt  }
0x52: {  	_ =	shalt  }
0x53: {  	_ =	shalt  }
0x54: {  	_ =	shalt  }
0x55: {  	_ =	shalt  }
0x56: {  	_ =	shalt  }
0x57: {  	_ =	shalt  }
0x58: {  	_ =	shalt  }
0x59: {  	_ =	shalt  }
0x5a: {  	_ =	shalt  }
0x5b: {  	_ =	shalt  }
0x5c: {  	_ =	shalt  }
0x5d: {  	_ =	shalt  }
0x5e: {  	_ =	shalt  }
0x5f: {  	_ =	shalt  }
0x60: {  	_ =	shalt  }
0x61: {  	_ =	shalt  }
0x62: {  	_ =	shalt  }
0x63: {  	_ =	shalt  }
0x64: {  	_ =	shalt  }
0x65: {  	_ =	shalt  }
0x66: {  	_ =	shalt  }
0x67: {  	_ =	shalt  }
0x68: {  	_ =	shalt  }
0x69: {  	_ =	shalt  }
0x6a: {  	_ =	shalt  }
0x6b: {  	_ =	shalt  }
0x6c: {  	_ =	shalt  }
0x6d: {  	_ =	shalt  }
0x6e: {  	_ =	shalt  }
0x6f: {  	_ =	shalt  }
0x70: {  	_ =	shalt  }
0x71: {  	_ =	shalt  }
0x72: {  	_ =	shalt  }
0x73: {  	_ =	shalt  }
0x74: {  	_ =	shalt  }
0x75: {  	_ =	shalt  }
0x76: {  	_ =	shalt  }
0x77: {  	_ =	shalt  }
0x78: {  	_ =	shalt  }
0x79: {  	_ =	shalt  }
0x7a: {  	_ =	shalt  }
0x7b: {  	_ =	shalt  }
0x7c: {  	_ =	shalt  }
0x7d: {  	_ =	shalt  }
0x7e: {  	_ =	shalt  }
0x7f: {  	_ =	shalt  }
0x80: {  	_ =	shalt  }
0x81: {  	_ =	shalt  }
0x82: {  	_ =	shalt  }
0x83: {  	_ =	shalt  }
0x84: {  	_ =	shalt  }
0x85: {  	_ =	shalt  }
0x86: {  	_ =	shalt  }
0x87: {  	_ =	shalt  }
.Lfunc_end0:
.L_simem_size_0:
called_computation.3_lowered:
.L_overlay_start_0:
0x88: {  	s2 =	sld [smem:$0x3FD9]  }
0x89: {  	s3 =	sld [smem:$0x3FFE];
	_ =	sdelay $0x1  }
0x8a: {  	s1 =	srdreg.scid  }
0x8b: {  	s0 =	sand.u32 $0x1, s1  }
0x8c: {  	s17 =	sshll.u32 s0, $0xA;
	s2 =	sadd.s32 s3, s2  }
0x8d: {  	s2 =	sadd.s32 s2, s17  }
0x8e: {  	[smem:$0x3FBD] =	sst s2  }
0x8f: {  	_ = 	snop  }
0x90: {  	s2 =	sld [smem:$0x3FD0];
	(tm) =	ssettm $0x1  }
0x91: {  	s18 =	sld [smem:$0x3FFB];
	_ =	sdelay $0x3  }
0x92: {  	_ =	strace s18  }
0x93: {  	s3 =	sld [smem:$0x3FFC];
	_ =	sdelay $0x3  }
0x94: {  	_ =	strace s3  }
0x95: {  	s3 =	sld [smem:$0x3FFD];
	_ =	sdelay $0x3  }
0x96: {  	_ =	strace s3  }
0x97: {  	_ =	strace $0x8FFFFFFF  }
0x98: {  	s19 =	sld [smem:$0x3FDB];
	_ =	sdelay $0x1  }
0x99: {  	s4 =	simm.s32 $_scs_section_size  }
0x9a: {  	s5 =	simm.s32 $_size__tile_overlayer_lowered;
	s6 =	simm.s32 $_tile_overlayer_lowered  }
0x9b: {  	s22 =	simm.s32 $0x1BFF;
	s21 =	sshll.u32 s6, $0x1;
	s3 =	sadd.s32 s4, s19  }
0x9c: {  	s7 =	simm.s32 $0x0;
	s20 =	sshll.u32 s5, $0x1;
	s5 =	sadd.s32 s21, s3  }
0x9d: {  	[timem:s7], [sflag:s22] =	dma.local [hbm:s5], s20  }
0x9e: {  	_ =	swait.ge [sflag:s22], s20  }
0x9f: {  	s4 =	ssub.s32 $0x0, s20;
	[sflag:s22] =	ssyncset.done $0x0  }
0xa0: {  	[sflag:s22] =	ssyncadd.s32 s4;
	_ =	sdelay $0x1  }
0xa1: {  	s23 =	simm.s32 $0x1B8B  }
0xa2: {  	_ =	swait.ge [sflag:s23], $0x1  }
0xa3: {  	[sflag:s23] =	ssyncset.done $0x0  }
0xa4: {  	s25 =	simm.s32 $0x1B8E;
	s24 =	sld [smem:$0x3FFE];
	[sflag:s23] =	ssyncadd.s32 $0xFFFFFFFF  }
0xa5: {  	s26 =	simm.s32 $execute0_lowered;
	[smem:$0x3FD2] =	sst s25  }
0xa6: {  	s5 =	sshll.u32 s26, $0x1;
	_ =	strace $0x8000004F;
	[dreg:$0x1] =	wrdreg $0xFFFFFFFF  }
0xa7: {  	s28 =	simm.s32 $_size_execute0_lowered;
	s3 =	sadd.s32 s3, s5;
	[dreg:$0x0] =	wrdreg $0x0  }
0xa8: {  	s5 =	sshll.u32 s28, $0x1;
	[dreg:$0x2] =	wrdreg s3  }
0xa9: {  	[dreg:$0x3] =	wrdreg s5  }
0xaa: {  	[dreg:$0x4] =	wrdreg $0xC0  }
0xab: {  	_ =	task [dreg:s7], $0x5FFFF  }
0xac: {  	[dreg:$0x1] =	wrdreg $0xFFFFFFFF  }
0xad: {  	[dreg:$0x0] =	wrdreg $0x60  }
0xae: {  	[dreg:$0x2] =	wrdreg s2  }
0xaf: {  	[dreg:$0x3] =	wrdreg s24  }
0xb0: {  	[dreg:$0x4] =	wrdreg $0x0  }
0xb1: {  	[dreg:$0x5] =	wrdreg $0x9  }
0xb2: {  	_ =	task.clear_ibuf [dreg:s7], $0x6FFFF;
	_ =	strace $0x9000004F  }
0xb3: {  	s29 =	simm.s32 $0x9;
	_ =	strace $0x80000051  }
0xb4: {  	_ =	swait.ge [sflag:s29], $0x1  }
0xb5: {  	[sflag:s29] =	ssyncadd.s32 $0xFFFFFFFF  }
0xb6: {  	_ =	strace $0x90000051  }
0xb7: {  	_ =	sfence  }
0xb8: {  	s30 =	sld [smem:$0x0];
	_ =	sdelay $0x2  }
0xb9: {  	s31 =	sshll.u32 s1, $0xD;
	s1 =	sshrl.u32 s1, $0x2  }
0xba: {  	s3 =	sand.u32 $0x4000, s31;
	s1 =	sadd.s32 s1, s30  }
0xbb: {  	s0 =	sor.u32 s3, s0;
	s1 =	sshll.u32 s1, $0x11  }
0xbc: {  	s0 =	sor.u32 s1, s0  }
0xbd: {  	s0 =	sadd.s32 $0x8F2B, s0  }
0xbe: {  	[sflag:s0] =	ssyncadd.remote.s32 $0x1  }
0xbf: {  	_ =	sfence.sel $0xFFFF  }
0xc0: {  	[dreg:$0x0] =	wrdreg $0xFFFFFFFF;
	(pc) =	sbr.abs _section_cstart, $3  }
0xc1: {  	[dreg:$0x1] =	wrdreg $0xFFFFFFFF  }
0xc2: {  	_ =	task.clear_ibuf [dreg:s7], $0x2FFFF;
	_ =	strace $0x9FFFFFFF  }
0xc3: {  	(tm) =	ssettm $0x7FFFFFFF  }
tec
execute0_lowered:
.L_overlay_start_1:
0x0: {  	(tag) =	ssettag $0x1  }
0x1: {  	s0 =	srdreg.scid;
	s1 =	rddreg [dreg:$0x0]  }
0x2: {  	s13 =	stileid.u32;
	s5 =	rddreg [dreg:$0x1]  }
0x3: {  	s3 =	rddreg [dreg:$0x2];
	s4 =	simm.s32 $0x0;
	s18 =	simm.s32 $0x50  }
0x4: {  	s28 =	simm.s32 $0xA0A0;
	s29 =	simm.s32 $0xC990;
	s30 =	simm.s32 $0xB  }
0x5: {  	s31 =	simm.s32 $0x2;
	s0 =	sand.u32 $0x1, s0;
	s6 =	smul.u32 $0xA000, s13  }
0x6: {  	[smem:$0x7FF] =	sst s4;
	s7 =	sadd.s32 $0x2600, s5;
	s12 =	smul.u32 $0x2710, s13  }
0x7: {  	s15 =	sshll.u32 s13, $0x6;
	s2 =	sshll.u32 s0, $0x4;
	s9 =	smul.u32 $0x14000, s0  }
0x8: {  	_ =	strace $0x80000050;
	s11 =	ssub.s32 $0x2, s0;
	s0 =	smul.u32 $0x27100, s0  }
0x9: {  	s15 =	sor.u32 $0x1C10, s15;
	s2 =	sor.u32 s13, s2;
	s8 =	sshrl.u32 s6, $0x3  }
0xa: {  	s14 =	sshrl.u32 s11, $0x1;
	s6 =	sadd.s32 s6, s3;
	s13 =	simm.s32 $0xA  }
0xb: {  	[dreg:$0x5] =	wrdreg s15;
	s2 =	smul.u32 $0x2710, s2;
	s10 =	sadd.s32 s8, s5  }
0xc: {  	s0 =	sadd.s32 s12, s0;
	s17 =	sshrl.u32 s6, $0x3;
	s6 =	simm.s32 $0xF  }
0xd: {  	s12 =	simm.s32 $0x9;
	s10 =	sadd.s32 $0x16200, s10;
	s19 =	sadd.s32 $0x140, s0  }
0xe: {  	s20 =	sadd.s32 $0xF0, s0;
	s22 =	sadd.s32 $0xA0, s0;
	s24 =	sadd.s32 $0x50, s0  }
0xf: {  	s0 =	sshrl.u32 s0, $0x3;
	[dreg:$0xd] =	wrdreg s17;
	s2 =	sshrl.u32 s2, $0x3  }
0x10: {  	[dreg:$0x4] =	wrdreg s10;
	s21 =	sshrl.u32 s20, $0x3;
	s23 =	sshrl.u32 s22, $0x3  }
0x11: {  	s25 =	sshrl.u32 s24, $0x3;
	s0 =	sadd.s32 s0, s7;
	s22 =	simm.s32 $0xB590  }
0x12: {  	s20 =	simm.s32 $0xDD90;
	s24 =	simm.s32 $0x5;
	s10 =	simm.s32 $0x7  }
0x13: {  	s2 =	sadd.s32 s2, s5;
	s5 =	sadd.s32 s9, s5;
	s9 =	ssub.s32 s11, s14  }
0x14: {  	[dreg:$0xc] =	wrdreg s0;
	s11 =	simm.s32 $0x8;
	s0 =	simm.s32 $0x0  }
0x15: {  	s2 =	sadd.s32 $0xC400, s2;
	s16 =	sadd.s32 $0x2A200, s5;
	s9 =	smax.u32 s9, $0x1  }
0x16: {  	s5 =	sshrl.u32 s19, $0x3;
	s19 =	simm.s32 $0x10;
	[dreg:$0x6] =	wrdreg s2  }
0x17: {  	[dreg:$0x7] =	wrdreg s9;
	s5 =	sadd.s32 s5, s7;
	s26 =	sadd.s32 s8, s16  }
0x18: {  	s2 =	simm.s32 $0xA0F0;
	s16 =	simm.s32 $0xA140;
	s9 =	simm.s32 $0x6  }
0x19: {  	s8 =	simm.s32 $0xD;
	[dreg:$0x8] =	wrdreg s5;
	s5 =	sadd.s32 s21, s7  }
0x1a: {  	s21 =	simm.s32 $0xA190;
	[dreg:$0xe] =	wrdreg s26;
	s26 =	simm.s32 $0xC  }
0x1b: {  	[dreg:$0x9] =	wrdreg s5;
	s5 =	sadd.s32 s23, s7;
	s23 =	simm.s32 $0xA050  }
0x1c: {  	[dreg:$0xa] =	wrdreg s5;
	s5 =	sadd.s32 s25, s7;
	s25 =	simm.s32 $0xA000  }
0x1d: {  	s7 =	simm.s32 $0x1;
	[dreg:$0xb] =	wrdreg s5;
	s5 =	simm.s32 $0xF190  }
.LBB2_1:
0x1e: {  	[dreg:$0xf] =	wrdreg s0  }
0x1f: {  	s14 =	rddreg [dreg:$0x4]  }
0x20: {  	[spmem:s17], [sflag:s15] =	dma.local [hbm:s14], $0x1400  }
0x21: {  	_ =	swait.ge [sflag:s19], $0x1400  }
0x22: {  	[sflag:s19] =	ssyncset.done $0x0  }
0x23: {  	s17 =	simm.s32 $0x10590;
	s15 =	rddreg [dreg:$0x6];
	[sflag:s19] =	ssyncadd.s32 $0xFFFFEC00  }
0x24: {  	[tilespmem:s17], [sflag:$0x10] =	stream.linear.gather [hbm4b:s15+s4], $0x2710, $0x38;
	[tilespmem:$0x12CA0] =	vst v63  }
0x25: {  	_ =	swait.ge [sflag:s19], $0x2710  }
0x26: {  	[sflag:s19] =	ssyncset.done $0x0  }
0x27: {  	[sflag:s19] =	ssyncadd.s32 $0xFFFFD8F0  }
0x28: {  	[bflag:$0x0] =	sbarrier.arrive $0xFFFF  }
0x29: {  	s15 =	rddreg [dreg:$0xc]  }
0x2a: {  	[tilespmem:s25], [sflag:$0x1] =	stream.linear.gather [hbm4b:s15+s4], $0x50, $0x38;
	[tilespmem:$0x12CA0] =	vst v63  }
0x2b: {  	s0 =	simm.s32 $0x10590  }
0x2c: {  	[tilespmem:s21], [sflag:$0xB] =	stream.indirect.gather [hbm4b:s1+s18], $0x40, s0, s18, $0xb8;
	[tilespmem:$0x12CA0] =	vst v63  }
0x2d: {  	s17 =	rddreg [dreg:$0xb]  }
0x2e: {  	[tilespmem:s23], [sflag:$0x2] =	stream.linear.gather [hbm4b:s17+s4], $0x50, $0x38;
	[tilespmem:$0x12CA0] =	vst v63  }
0x2f: {  	s19 =	simm.s32 $0x105E0  }
0x30: {  	[tilespmem:s22], [sflag:$0xC] =	stream.indirect.gather [hbm4b:s1+s18], $0x40, s19, s18, $0xb8;
	[tilespmem:$0x12CA0] =	vst v63  }
0x31: {  	s17 =	rddreg [dreg:$0xa]  }
0x32: {  	[tilespmem:s28], [sflag:$0x3] =	stream.linear.gather [hbm4b:s17+s4], $0x50, $0x38;
	[tilespmem:$0x12CA0] =	vst v63  }
0x33: {  	s0 =	simm.s32 $0x10630  }
0x34: {  	[tilespmem:s29], [sflag:$0xD] =	stream.indirect.gather [hbm4b:s1+s18], $0x40, s0, s18, $0xb8;
	[tilespmem:$0x12CA0] =	vst v63  }
0x35: {  	s14 =	rddreg [dreg:$0x9]  }
0x36: {  	[tilespmem:s2], [sflag:$0x4] =	stream.linear.gather [hbm4b:s14+s4], $0x50, $0x38;
	[tilespmem:$0x12CA0] =	vst v63  }
0x37: {  	s19 =	simm.s32 $0x10680  }
0x38: {  	[tilespmem:s20], [sflag:$0xE] =	stream.indirect.gather [hbm4b:s1+s18], $0x40, s19, s18, $0xb8;
	[tilespmem:$0x12CA0] =	vst v63  }
0x39: {  	s19 =	rddreg [dreg:$0x8]  }
0x3a: {  	[tilespmem:s16], [sflag:$0x5] =	stream.linear.gather [hbm4b:s19+s4], $0x50, $0x38;
	[tilespmem:$0x12CA0] =	vst v63  }
0x3b: {  	s0 =	simm.s32 $0x106D0  }
0x3c: {  	[tilespmem:s5], [sflag:$0xF] =	stream.indirect.gather [hbm4b:s1+s18], $0x40, s0, s18, $0xb8;
	[tilespmem:$0x12CA0] =	vst v63  }
0x3d: {  	_ =	swait.ge [sflag:s7], $0x50  }
0x3e: {  	[sflag:s7] =	ssyncset.done $0x0  }
0x3f: {  	[sflag:s7] =	ssyncadd.s32 $0xFFFFFFB0  }
0x40: {  	_ =	swait.ge [sflag:s30], $0x1400  }
0x41: {  	[sflag:s30] =	ssyncset.done $0x0  }
0x42: {  	[sflag:s30] =	ssyncadd.s32 $0xFFFFEC00  }
0x43: {  	[spmem:s3] =	stream.indirect.scatter.add.f32 [tilespmem:s21], [sflag:$0x6], $0x40, s25, s18, $0xb8;
	[tilespmem:$0x12CA0] =	vst v63  }
0x44: {  	_ =	swait.ge [sflag:s31], $0x50  }
0x45: {  	[sflag:s31] =	ssyncset.done $0x0  }
0x46: {  	[sflag:s31] =	ssyncadd.s32 $0xFFFFFFB0  }
0x47: {  	_ =	swait.ge [sflag:s26], $0x1400  }
0x48: {  	[sflag:s26] =	ssyncset.done $0x0  }
0x49: {  	s30 =	simm.s32 $0x3;
	[sflag:s26] =	ssyncadd.s32 $0xFFFFEC00  }
0x4a: {  	[spmem:s3] =	stream.indirect.scatter.add.f32 [tilespmem:s22], [sflag:$0x7], $0x40, s23, s18, $0xb8;
	[tilespmem:$0x12CA0] =	vst v63  }
0x4b: {  	_ =	swait.ge [sflag:s30], $0x50  }
0x4c: {  	[sflag:s30] =	ssyncset.done $0x0  }
0x4d: {  	[sflag:s30] =	ssyncadd.s32 $0xFFFFFFB0  }
0x4e: {  	_ =	swait.ge [sflag:s8], $0x1400  }
0x4f: {  	[sflag:s8] =	ssyncset.done $0x0  }
0x50: {  	s0 =	simm.s32 $0x4;
	[sflag:s8] =	ssyncadd.s32 $0xFFFFEC00  }
0x51: {  	[spmem:s3] =	stream.indirect.scatter.add.f32 [tilespmem:s29], [sflag:$0x8], $0x40, s28, s18, $0xb8;
	[tilespmem:$0x12CA0] =	vst v63  }
0x52: {  	_ =	swait.ge [sflag:s0], $0x50  }
0x53: {  	[sflag:s0] =	ssyncset.done $0x0  }
0x54: {  	s29 =	simm.s32 $0xE;
	[sflag:s0] =	ssyncadd.s32 $0xFFFFFFB0  }
0x55: {  	_ =	swait.ge [sflag:s29], $0x1400  }
0x56: {  	[sflag:s29] =	ssyncset.done $0x0  }
0x57: {  	[sflag:s29] =	ssyncadd.s32 $0xFFFFEC00  }
0x58: {  	[spmem:s3] =	stream.indirect.scatter.add.f32 [tilespmem:s20], [sflag:$0x9], $0x40, s2, s18, $0xb8;
	[tilespmem:$0x12CA0] =	vst v63  }
0x59: {  	_ =	swait.ge [sflag:s24], $0x50  }
0x5a: {  	[sflag:s24] =	ssyncset.done $0x0  }
0x5b: {  	[sflag:s24] =	ssyncadd.s32 $0xFFFFFFB0  }
0x5c: {  	_ =	swait.ge [sflag:s6], $0x1400  }
0x5d: {  	[sflag:s6] =	ssyncset.done $0x0  }
0x5e: {  	[sflag:s6] =	ssyncadd.s32 $0xFFFFEC00  }
0x5f: {  	[spmem:s3] =	stream.indirect.scatter.add.f32 [tilespmem:s5], [sflag:$0xA], $0x40, s16, s18, $0xb8;
	[tilespmem:$0x12CA0] =	vst v63  }
0x60: {  	_ =	swait.ge [sflag:s9], $0x1400  }
0x61: {  	[sflag:s9] =	ssyncset.done $0x0  }
0x62: {  	[sflag:s9] =	ssyncadd.s32 $0xFFFFEC00  }
0x63: {  	_ =	swait.ge [sflag:s10], $0x1400  }
0x64: {  	[sflag:s10] =	ssyncset.done $0x0  }
0x65: {  	[sflag:s10] =	ssyncadd.s32 $0xFFFFEC00  }
0x66: {  	_ =	swait.ge [sflag:s11], $0x1400  }
0x67: {  	[sflag:s11] =	ssyncset.done $0x0  }
0x68: {  	[sflag:s11] =	ssyncadd.s32 $0xFFFFEC00  }
0x69: {  	_ =	swait.ge [sflag:s12], $0x1400  }
0x6a: {  	[sflag:s12] =	ssyncset.done $0x0  }
0x6b: {  	s15 =	sadd.s32 $0x32, s15;
	s14 =	sadd.s32 $0x32, s17;
	[sflag:s12] =	ssyncadd.s32 $0xFFFFEC00  }
0x6c: {  	s19 =	sadd.s32 $0x32, s19;
	s7 =	simm.s32 $0x1;
	_ =	swait.ge [sflag:s13], $0x1400  }
0x6d: {  	s21 =	simm.s32 $0x640;
	s28 =	simm.s32 $0x2;
	s24 =	rddreg [dreg:$0xb]  }
0x6e: {  	s2 =	simm.s32 $0xB;
	s5 =	simm.s32 $0x5;
	s31 =	rddreg [dreg:$0x9]  }
0x6f: {  	[sflag:s13] =	ssyncset.done $0x0;
	s17 =	sadd.s32 $0x32, s24;
	s20 =	sadd.s32 $0x32, s31  }
.LBB2_2:
0x70: {  	s22 =	smov.u32 s21  }
0x71: {  	s23 =	sshra.s32 s21, $0x2;
	[sflag:s13] =	ssyncadd.s32 $0xFFFFEC00;
	s22 =	sadd.s32 $0x640, s21  }
0x72: {  	[tilespmem:s25], [sflag:$0x1] =	stream.linear.gather [hbm4b:s15+s4], $0x50, $0x38;
	[tilespmem:$0x12CA0] =	vst v63  }
0x73: {  	p0 =	sne.s32 s21, $0x9600;
	s12 =	simm.s32 $0xA190;
	s25 =	sadd.s32 $0x10590, s23  }
0x74: {  	[tilespmem:s12], [sflag:$0xB] =	stream.indirect.gather [hbm4b:s1+s18], $0x40, s25, s18, $0xb8;
	[tilespmem:$0x12CA0] =	vst v63  }
0x75: {  	s25 =	simm.s32 $0xA000  }
0x76: {  	s9 =	simm.s32 $0xA050  }
0x77: {  	[tilespmem:s9], [sflag:$0x2] =	stream.linear.gather [hbm4b:s17+s4], $0x50, $0x38;
	[tilespmem:$0x12CA0] =	vst v63  }
0x78: {  	s11 =	simm.s32 $0xB590;
	s21 =	sadd.s32 $0x105E0, s23  }
0x79: {  	[tilespmem:s11], [sflag:$0xC] =	stream.indirect.gather [hbm4b:s1+s18], $0x40, s21, s18, $0xb8;
	[tilespmem:$0x12CA0] =	vst v63  }
0x7a: {  	s6 =	simm.s32 $0xA0A0  }
0x7b: {  	[tilespmem:s6], [sflag:$0x3] =	stream.linear.gather [hbm4b:s14+s4], $0x50, $0x38;
	[tilespmem:$0x12CA0] =	vst v63  }
0x7c: {  	s10 =	simm.s32 $0xC990;
	s21 =	sadd.s32 $0x10630, s23  }
0x7d: {  	[tilespmem:s10], [sflag:$0xD] =	stream.indirect.gather [hbm4b:s1+s18], $0x40, s21, s18, $0xb8;
	[tilespmem:$0x12CA0] =	vst v63  }
0x7e: {  	s16 =	simm.s32 $0xA0F0  }
0x7f: {  	[tilespmem:s16], [sflag:$0x4] =	stream.linear.gather [hbm4b:s20+s4], $0x50, $0x38;
	[tilespmem:$0x12CA0] =	vst v63  }
0x80: {  	s31 =	simm.s32 $0xDD90;
	s21 =	sadd.s32 $0x10680, s23  }
0x81: {  	[tilespmem:s31], [sflag:$0xE] =	stream.indirect.gather [hbm4b:s1+s18], $0x40, s21, s18, $0xb8;
	[tilespmem:$0x12CA0] =	vst v63  }
0x82: {  	s24 =	simm.s32 $0xA140  }
0x83: {  	[tilespmem:s24], [sflag:$0x5] =	stream.linear.gather [hbm4b:s19+s4], $0x50, $0x38;
	[tilespmem:$0x12CA0] =	vst v63  }
0x84: {  	s21 =	sadd.s32 $0x106D0, s23;
	s23 =	simm.s32 $0xF190  }
0x85: {  	[tilespmem:s23], [sflag:$0xF] =	stream.indirect.gather [hbm4b:s1+s18], $0x40, s21, s18, $0xb8;
	[tilespmem:$0x12CA0] =	vst v63  }
0x86: {  	_ =	swait.ge [sflag:s7], $0x50  }
0x87: {  	[sflag:s7] =	ssyncset.done $0x0  }
0x88: {  	[sflag:s7] =	ssyncadd.s32 $0xFFFFFFB0  }
0x89: {  	_ =	swait.ge [sflag:s2], $0x1400  }
0x8a: {  	[sflag:s2] =	ssyncset.done $0x0  }
0x8b: {  	[sflag:s2] =	ssyncadd.s32 $0xFFFFEC00  }
0x8c: {  	[spmem:s3] =	stream.indirect.scatter.add.f32 [tilespmem:s12], [sflag:$0x6], $0x40, s25, s18, $0xb8;
	[tilespmem:$0x12CA0] =	vst v63  }
0x8d: {  	s12 =	simm.s32 $0x9  }
0x8e: {  	_ =	swait.ge [sflag:s28], $0x50  }
0x8f: {  	[sflag:s28] =	ssyncset.done $0x0  }
0x90: {  	[sflag:s28] =	ssyncadd.s32 $0xFFFFFFB0  }
0x91: {  	_ =	swait.ge [sflag:s26], $0x1400  }
0x92: {  	[sflag:s26] =	ssyncset.done $0x0  }
0x93: {  	[sflag:s26] =	ssyncadd.s32 $0xFFFFEC00  }
0x94: {  	[spmem:s3] =	stream.indirect.scatter.add.f32 [tilespmem:s11], [sflag:$0x7], $0x40, s9, s18, $0xb8;
	[tilespmem:$0x12CA0] =	vst v63  }
0x95: {  	s11 =	simm.s32 $0x8;
	s9 =	simm.s32 $0x6  }
0x96: {  	_ =	swait.ge [sflag:s30], $0x50  }
0x97: {  	[sflag:s30] =	ssyncset.done $0x0  }
0x98: {  	[sflag:s30] =	ssyncadd.s32 $0xFFFFFFB0  }
0x99: {  	_ =	swait.ge [sflag:s8], $0x1400  }
0x9a: {  	[sflag:s8] =	ssyncset.done $0x0  }
0x9b: {  	[sflag:s8] =	ssyncadd.s32 $0xFFFFEC00  }
0x9c: {  	[spmem:s3] =	stream.indirect.scatter.add.f32 [tilespmem:s10], [sflag:$0x8], $0x40, s6, s18, $0xb8;
	[tilespmem:$0x12CA0] =	vst v63  }
0x9d: {  	s10 =	simm.s32 $0x7;
	s6 =	simm.s32 $0xF  }
0x9e: {  	_ =	swait.ge [sflag:s0], $0x50  }
0x9f: {  	[sflag:s0] =	ssyncset.done $0x0  }
0xa0: {  	[sflag:s0] =	ssyncadd.s32 $0xFFFFFFB0  }
0xa1: {  	_ =	swait.ge [sflag:s29], $0x1400  }
0xa2: {  	[sflag:s29] =	ssyncset.done $0x0  }
0xa3: {  	[sflag:s29] =	ssyncadd.s32 $0xFFFFEC00  }
0xa4: {  	[spmem:s3] =	stream.indirect.scatter.add.f32 [tilespmem:s31], [sflag:$0x9], $0x40, s16, s18, $0xb8;
	[tilespmem:$0x12CA0] =	vst v63  }
0xa5: {  	_ =	swait.ge [sflag:s5], $0x50  }
0xa6: {  	[sflag:s5] =	ssyncset.done $0x0  }
0xa7: {  	[sflag:s5] =	ssyncadd.s32 $0xFFFFFFB0  }
0xa8: {  	_ =	swait.ge [sflag:s6], $0x1400  }
0xa9: {  	[sflag:s6] =	ssyncset.done $0x0  }
0xaa: {  	[sflag:s6] =	ssyncadd.s32 $0xFFFFEC00  }
0xab: {  	[spmem:s3] =	stream.indirect.scatter.add.f32 [tilespmem:s23], [sflag:$0xA], $0x40, s24, s18, $0xb8;
	[tilespmem:$0x12CA0] =	vst v63  }
0xac: {  	_ =	swait.ge [sflag:s9], $0x1400  }
0xad: {  	[sflag:s9] =	ssyncset.done $0x0  }
0xae: {  	[sflag:s9] =	ssyncadd.s32 $0xFFFFEC00  }
0xaf: {  	_ =	swait.ge [sflag:s10], $0x1400  }
0xb0: {  	[sflag:s10] =	ssyncset.done $0x0  }
0xb1: {  	[sflag:s10] =	ssyncadd.s32 $0xFFFFEC00  }
0xb2: {  	_ =	swait.ge [sflag:s11], $0x1400  }
0xb3: {  	[sflag:s11] =	ssyncset.done $0x0  }
0xb4: {  	[sflag:s11] =	ssyncadd.s32 $0xFFFFEC00  }
.Ltmp0:
0xb5: {  	_ =	swait.ge [sflag:s12], $0x1400;
	(pc) =	sbr.rel @p0 .LBB2_2-.Ltmp0, $4  }
0xb6: {  	[sflag:s12] =	ssyncset.done $0x0  }
0xb7: {  	s15 =	sadd.s32 $0x32, s15;
	s17 =	sadd.s32 $0x32, s17;
	[sflag:s12] =	ssyncadd.s32 $0xFFFFEC00  }
0xb8: {  	s14 =	sadd.s32 $0x32, s14;
	s20 =	sadd.s32 $0x32, s20;
	_ =	swait.ge [sflag:s13], $0x1400  }
0xb9: {  	s19 =	sadd.s32 $0x32, s19;
	s21 =	smov.u32 s22;
	[sflag:s13] =	ssyncset.done $0x0  }
0xba: {  	[sflag:s13] =	ssyncadd.s32 $0xFFFFEC00  }
0xbb: {  	[bflag:$0x0] =	sbarrier.arrive $0xFFFF  }
0xbc: {  	s15 =	rddreg [dreg:$0x5]  }
0xbd: {  	s17 =	rddreg [dreg:$0xd]  }
0xbe: {  	s19 =	simm.s32 $0x10;
	s14 =	rddreg [dreg:$0xe]  }
0xbf: {  	[hbm:s14], [sflag:s15] =	dma.local [spmem:s17], $0x1400  }
0xc0: {  	_ =	swait.ge [sflag:s19], $0x1400  }
0xc1: {  	s0 =	rddreg [dreg:$0xf]  }
0xc2: {  	s24 =	rddreg [dreg:$0x7];
	s0 =	sadd.s32 $0x1, s0  }
0xc3: {  	s21 =	simm.s32 $0xA190;
	p0 =	sne.s32 s0, s24  }
.Ltmp1:
0xc4: {  	s23 =	simm.s32 $0xA050;
	s22 =	simm.s32 $0xB590;
	(pc) =	sbr.rel @p0 .LBB2_1-.Ltmp1, $4  }
0xc5: {  	s28 =	simm.s32 $0xA0A0;
	s29 =	simm.s32 $0xC990;
	s2 =	simm.s32 $0xA0F0  }
0xc6: {  	s20 =	simm.s32 $0xDD90;
	s16 =	simm.s32 $0xA140;
	s5 =	simm.s32 $0xF190  }
0xc7: {  	s7 =	simm.s32 $0x1;
	s30 =	simm.s32 $0xB;
	[sflag:s19] =	ssyncset.done $0x0  }
0xc8: {  	s31 =	simm.s32 $0x2;
	[sflag:s19] =	ssyncadd.s32 $0xFFFFEC00;
	s24 =	simm.s32 $0x5  }
0xc9: {  	_ =	sfence.sel $0x180000  }
0xca: {  	[bflag:$0x0] =	sbarrier.arrive $0xFFFF  }
0xcb: {  	_ =	strace $0x90000050  }
0xcc: {  	s0 =	stileid.u32;
	[bflag:$0x2] =	sbarrier.arrive $0xFFFF  }
0xcd: {  	p0 =	sne.s32 s0, $0x0;
	s0 =	rddreg [dreg:$0x3]  }
0xce: {  	s0 =	sadd.s32 @!p0 $0x100000, s0  }
0xcf: {  	[sflag:s0] =	ssyncadd.tile.s32 @!p0 $0x1;
	_ =	shalt  }
.Lfunc_end2:
_tile_overlayer_lowered:
.L_overlay_start_2:
0xd0: {  	(tag) =	ssettag $0x2  }
0xd1: {  	s0 =	rddreg [dreg:$0x0];
	s2 =	stileid.u32  }
0xd2: {  	s1 =	rddreg [dreg:$0x1];
	p0 =	sne.s32 s2, $0x0  }
0xd3: {  	s3 =	rddreg [dreg:$0x2];
	[bflag:$0x3] =	sbarrier.arrive $0xFFFF;
	s2 =	simm.s32 @!p0 $0x1C10  }
0xd4: {  	[timem:s3], [sflag:s2] =	dma.local @!p0 [hbm:s0], s1  }
0xd5: {  	s0 =	simm.s32 @!p0 $0x10  }
0xd6: {  	_ =	swait.ge @!p0 [sflag:s0], s1  }
0xd7: {  	s1 =	ssub.s32 @!p0 $0x0, s1;
	[sflag:s0] =	ssyncset.done @!p0 $0x0  }
0xd8: {  	[sflag:s0] =	ssyncadd.s32 @!p0 s1  }
0xd9: {  	[bflag:$0x3] =	sbarrier.arrive $0xFFFF  }
0xda: {  	_ =	shalt  }

</sc_bundles>
